<compile_context>
chip_gen: v7x
topology: tpu7x:2x2x1
jax: 0.10.2.dev20260603
libtpu: 0.0.44.dev20260713+nightly
codegen_flags: <defaults>
</compile_context>

<pallas_src>
import functools

import jax
import jax.numpy as jnp
from jax import lax
from jax.experimental import pallas as pl
from jax.experimental.pallas import tpu as pltpu
from jax.experimental.pallas import tpu_sc as plsc

N = 32 * 32 * 32
D = 64
H = 256
E = 8
NW = 32
CHUNK = N // NW
T = 2048
P_PAD = N * 2 + E * T
G = P_PAD // T
HALF = 512
NBLK = HALF // 128


def _router_body(x_ref, wr_ref, xw_ref, i1_ref, i2_ref, g1_ref, g2_ref,
                 r1_ref, r2_ref, cnt_ref):
    x = x_ref[...]
    xw_ref[...] = jnp.concatenate(
        [x, jnp.zeros((CHUNK, 128 - D), jnp.float32)], axis=1)
    logits = lax.dot_general(x, wr_ref[...], (((1,), (0,)), ((), ())),
                             preferred_element_type=jnp.float32)
    idx = lax.broadcasted_iota(jnp.int32, logits.shape, 1)
    m1 = jnp.max(logits, axis=1, keepdims=True)
    i1 = jnp.min(jnp.where(logits == m1, idx, E), axis=1, keepdims=True)
    l2 = jnp.where(idx == i1, -jnp.inf, logits)
    m2 = jnp.max(l2, axis=1, keepdims=True)
    i2 = jnp.min(jnp.where(l2 == m2, idx, E), axis=1, keepdims=True)
    g2 = 1.0 / (1.0 + jnp.exp(m1 - m2))
    g1 = 1.0 - g2
    oh1 = (idx == i1)
    oh2 = (idx == i2)
    s = (oh1 | oh2).astype(jnp.float32)
    c_incl = s
    d = 1
    while d < CHUNK:
        z = jnp.zeros((d, E), jnp.float32)
        c_incl = c_incl + jnp.concatenate([z, c_incl[:CHUNK - d]], axis=0)
        d *= 2
    c_excl = c_incl - s
    r1 = jnp.sum(jnp.where(oh1, c_excl, 0.0), axis=1, keepdims=True)
    r2 = jnp.sum(jnp.where(oh2, c_excl, 0.0), axis=1, keepdims=True)
    i1_ref[...] = i1
    i2_ref[...] = i2
    g1_ref[...] = g1
    g2_ref[...] = g2
    r1_ref[...] = r1.astype(jnp.int32)
    r2_ref[...] = r2.astype(jnp.int32)
    cnt_ref[...] = jnp.sum(s, axis=0).astype(jnp.int32)[None, None, :]


def _router(states, W_router):
    col_i = pl.BlockSpec((CHUNK, 1), lambda i: (i, 0))
    return pl.pallas_call(
        _router_body,
        grid=(NW,),
        in_specs=[
            pl.BlockSpec((CHUNK, D), lambda i: (i, 0)),
            pl.BlockSpec((D, E), lambda i: (0, 0)),
        ],
        out_specs=[pl.BlockSpec((CHUNK, 128), lambda i: (i, 0)),
                   col_i, col_i, col_i, col_i, col_i, col_i,
                   pl.BlockSpec((1, 1, E), lambda i: (i, 0, 0))],
        out_shape=[
            jax.ShapeDtypeStruct((N, 128), jnp.float32),
            jax.ShapeDtypeStruct((N, 1), jnp.int32),
            jax.ShapeDtypeStruct((N, 1), jnp.int32),
            jax.ShapeDtypeStruct((N, 1), jnp.float32),
            jax.ShapeDtypeStruct((N, 1), jnp.float32),
            jax.ShapeDtypeStruct((N, 1), jnp.int32),
            jax.ShapeDtypeStruct((N, 1), jnp.int32),
            jax.ShapeDtypeStruct((NW, 1, E), jnp.int32),
        ],
        compiler_params=pltpu.CompilerParams(
            dimension_semantics=("arbitrary",)),
    )(states, W_router)


def _slot_body(i1_ref, i2_ref, r1_ref, r2_ref, cs_ref, s1_ref, s2_ref):
    i1 = i1_ref[...]
    i2 = i2_ref[...]
    cs = cs_ref[...].reshape(1, E)
    b1 = jnp.zeros_like(i1)
    b2 = jnp.zeros_like(i2)
    for e in range(E):
        ce = cs[0:1, e:e + 1]
        b1 = jnp.where(i1 == e, ce, b1)
        b2 = jnp.where(i2 == e, ce, b2)
    s1_ref[...] = b1 + r1_ref[...]
    s2_ref[...] = b2 + r2_ref[...]


def _slots(i1, i2, r1, r2, chunk_start):
    blk = pl.BlockSpec((CHUNK // 128, 128), lambda i: (i, 0))
    return pl.pallas_call(
        _slot_body,
        grid=(NW,),
        in_specs=[blk, blk, blk, blk,
                  pl.BlockSpec((1, 1, E), lambda i: (i, 0, 0))],
        out_specs=[blk, blk],
        out_shape=[
            jax.ShapeDtypeStruct((N // 128, 128), jnp.int32),
            jax.ShapeDtypeStruct((N // 128, 128), jnp.int32),
        ],
        compiler_params=pltpu.CompilerParams(
            dimension_semantics=("arbitrary",)),
    )(i1, i2, r1, r2, chunk_start)


def _dispatch_body(x_hbm, s1_hbm, s2_hbm, xs_hbm, x_v, i1_v, i2_v, sem):
    wid = lax.axis_index("s") * 2 + lax.axis_index("c")
    pltpu.sync_copy(s1_hbm.at[pl.ds(wid * (CHUNK // 128), CHUNK // 128)],
                    i1_v)
    pltpu.sync_copy(s2_hbm.at[pl.ds(wid * (CHUNK // 128), CHUNK // 128)],
                    i2_v)
    for h in range(CHUNK // HALF):
        pltpu.sync_copy(x_hbm.at[pl.ds(wid * CHUNK + h * HALF, HALF)], x_v)
        cps = []
        for b in range(NBLK):
            src = x_v.at[pl.ds(b * 128, 128)]
            cps.append(pltpu.make_async_copy(
                src, xs_hbm.at[i1_v.at[h * NBLK + b]], sem))
            cps.append(pltpu.make_async_copy(
                src, xs_hbm.at[i2_v.at[h * NBLK + b]], sem))
        for cp in cps:
            cp.start()
        for cp in cps:
            cp.wait()


def _ffn_body(g_ref, x_ref, w1_ref, b1_ref, w2_ref, b2_ref, y_ref):
    x = x_ref[:, :D].astype(jnp.bfloat16)
    h = lax.dot_general(x, w1_ref[0], (((1,), (0,)), ((), ())),
                        preferred_element_type=jnp.float32)
    h = jax.nn.gelu(h + b1_ref[0]).astype(jnp.bfloat16)
    y = lax.dot_general(h, w2_ref[0], (((1,), (0,)), ((), ())),
                        preferred_element_type=jnp.float32)
    y_ref[...] = jnp.concatenate(
        [y + b2_ref[0], jnp.zeros((T, 128 - D), jnp.float32)], axis=1)


def _ffn(gidx, xs, W1, b1, W2, b2):
    spec = pltpu.PrefetchScalarGridSpec(
        num_scalar_prefetch=1,
        grid=(G,),
        in_specs=[
            pl.BlockSpec((T, 128), lambda i, g: (i, 0)),
            pl.BlockSpec((1, D, H), lambda i, g: (g[i], 0, 0)),
            pl.BlockSpec((1, 1, H), lambda i, g: (g[i], 0, 0)),
            pl.BlockSpec((1, H, D), lambda i, g: (g[i], 0, 0)),
            pl.BlockSpec((1, 1, D), lambda i, g: (g[i], 0, 0)),
        ],
        out_specs=pl.BlockSpec((T, 128), lambda i, g: (i, 0)),
    )
    return pl.pallas_call(
        _ffn_body,
        grid_spec=spec,
        out_shape=jax.ShapeDtypeStruct((P_PAD, 128), jnp.float32),
        compiler_params=pltpu.CompilerParams(
            dimension_semantics=("arbitrary",)),
    )(gidx, xs, W1, b1, W2, b2)


def _gather_body(ys_hbm, s1_hbm, s2_hbm, y1_hbm, y2_hbm, y_v, i1_v, i2_v,
                 sem):
    wid = lax.axis_index("s") * 2 + lax.axis_index("c")
    pltpu.sync_copy(s1_hbm.at[pl.ds(wid * (CHUNK // 128), CHUNK // 128)],
                    i1_v)
    pltpu.sync_copy(s2_hbm.at[pl.ds(wid * (CHUNK // 128), CHUNK // 128)],
                    i2_v)
    for iv, out_hbm in ((i1_v, y1_hbm), (i2_v, y2_hbm)):
        for h in range(CHUNK // HALF):
            cps = []
            for b in range(NBLK):
                cps.append(pltpu.make_async_copy(
                    ys_hbm.at[iv.at[h * NBLK + b]],
                    y_v.at[pl.ds(b * 128, 128)], sem))
            for cp in cps:
                cp.start()
            for cp in cps:
                cp.wait()
            pltpu.sync_copy(y_v,
                            out_hbm.at[pl.ds(wid * CHUNK + h * HALF, HALF)])


@functools.cache
def _sc_kernels():
    mesh = plsc.VectorSubcoreMesh(core_axis_name="c", subcore_axis_name="s")
    scratch = (
        pltpu.VMEM((HALF, 128), jnp.float32),
        pltpu.VMEM((CHUNK // 128, 128), jnp.int32),
        pltpu.VMEM((CHUNK // 128, 128), jnp.int32),
        pltpu.SemaphoreType.DMA,
    )
    dispatch = pl.kernel(
        _dispatch_body,
        out_type=jax.ShapeDtypeStruct((P_PAD, 128), jnp.float32),
        mesh=mesh, scratch_types=scratch)
    gather = pl.kernel(
        _gather_body,
        out_type=(jax.ShapeDtypeStruct((N, 128), jnp.float32),
                  jax.ShapeDtypeStruct((N, 128), jnp.float32)),
        mesh=mesh, scratch_types=scratch)
    return dispatch, gather


CBLK = 2048


def _combine_body(x_ref, y1_ref, y2_ref, g1_ref, g2_ref, o_ref):
    o_ref[...] = (x_ref[...] + g1_ref[...] * y1_ref[:, :D]
                  + g2_ref[...] * y2_ref[:, :D])


def _combine(states, y1, y2, g1, g2):
    row = pl.BlockSpec((CBLK, D), lambda i: (i, 0))
    wide = pl.BlockSpec((CBLK, 128), lambda i: (i, 0))
    col = pl.BlockSpec((CBLK, 1), lambda i: (i, 0))
    return pl.pallas_call(
        _combine_body,
        grid=(N // CBLK,),
        in_specs=[row, wide, wide, col, col],
        out_specs=row,
        out_shape=jax.ShapeDtypeStruct((N, D), jnp.float32),
        compiler_params=pltpu.CompilerParams(
            dimension_semantics=("arbitrary",)),
    )(states, y1, y2, g1, g2)


@jax.jit
def kernel(states, W_router, W1, b1, W2, b2):
    xw, i1, i2, g1, g2, r1, r2, counts3 = _router(states, W_router)
    counts = counts3.reshape(NW, E)
    totals = jnp.sum(counts, axis=0)
    pad_tot = ((totals + T - 1) // T) * T
    ends = jnp.cumsum(pad_tot)
    base = ends - pad_tot
    cum_chunks = jnp.cumsum(counts, axis=0) - counts
    chunk_start = (base[None, :] + cum_chunks).astype(jnp.int32)
    tile_starts = jnp.arange(G, dtype=jnp.int32) * T
    gidx = jnp.sum((tile_starts[:, None] >= ends[None, :]).astype(jnp.int32),
                   axis=1)
    gidx = jnp.minimum(gidx, E - 1).astype(jnp.int32)

    q = N // 128
    s1_2d, s2_2d = _slots(i1.reshape(q, 128), i2.reshape(q, 128),
                          r1.reshape(q, 128), r2.reshape(q, 128),
                          chunk_start.reshape(NW, 1, E))
    dispatch, gather = _sc_kernels()
    xs = dispatch(xw, s1_2d, s2_2d)
    ys = _ffn(gidx, xs, W1.astype(jnp.bfloat16), b1.reshape(E, 1, H),
              W2.astype(jnp.bfloat16), b2.reshape(E, 1, D))
    y1, y2 = gather(ys, s1_2d, s2_2d)
    return _combine(states, y1, y2, g1, g2)

# --- scband reference (transcript-rebuilt; emitter-appended) ---
"""Pipeline reference for scband-lattice3-d-88630945120268 (READ-ONLY COPY).

The authoritative reference and input builder live on the scoring server;
editing this copy changes nothing except your own understanding.
"""

import jax, jax.numpy as jnp
import numpy as np

N = 32 * 32 * 32  # total lattice cells (32x32x32)
D = 64            # gnn_state_size / d_model
H = 256           # expert hidden dim
E = 8             # num experts
K = 2             # top_k routing


def setup_inputs(seed: int = 0) -> dict:
    key = jax.random.key(seed)
    ks = jax.random.split(key, 6)
    states = jax.random.normal(ks[0], (N, D), dtype=jnp.float32) * 0.1
    W_router = jax.random.normal(ks[1], (D, E), dtype=jnp.float32) / np.sqrt(D)
    W1 = jax.random.normal(ks[2], (E, D, H), dtype=jnp.float32) / np.sqrt(D)
    b1 = jnp.zeros((E, H), dtype=jnp.float32)
    W2 = jax.random.normal(ks[3], (E, H, D), dtype=jnp.float32) / np.sqrt(H)
    b2 = jnp.zeros((E, D), dtype=jnp.float32)
    return {"states": states, "W_router": W_router, "W1": W1, "b1": b1, "W2": W2, "b2": b2}


def reference(states, W_router, W1, b1, W2, b2):
    # One lattice step: MoE connection processor applied to all cell states.
    # Router: top-k gating over experts per cell (token).
    logits = states @ W_router                      # [N, E]
    top_vals, top_idx = jax.lax.top_k(logits, K)    # [N, K]
    gates = jax.nn.softmax(top_vals, axis=-1)       # [N, K]
    out = jnp.zeros_like(states)
    for e in range(E):
        mask = (top_idx == e).astype(states.dtype)            # [N, K]
        gate_e = jnp.sum(gates * mask, axis=-1)               # [N]
        h = jax.nn.gelu(states @ W1[e] + b1[e])               # [N, H]
        y = h @ W2[e] + b2[e]                                 # [N, D]
        out = out + gate_e[:, None] * y
    # residual lattice state update (states persist across steps)
    new_states = states + out
    return new_states

if __name__ == "__main__":
    import jax
    _d = setup_inputs()
    print(jax.jit(kernel)(*tuple(_d.values())))

</pallas_src>

<mosaic_0001>
#map = affine_map<(d0, d1) -> (0, 0)>
module attributes {stable_mosaic.version = 14 : i64} {
  func.func @_dispatch_body(%arg0: i32, %arg1: i32, %arg2: memref<32768x128xf32, #tpu.memory_space<hbm>>, %arg3: memref<256x128xi32, #tpu.memory_space<hbm>>, %arg4: memref<256x128xi32, #tpu.memory_space<hbm>>, %arg5: memref<81920x128xf32, #tpu.memory_space<hbm>>, %arg6: memref<512x128xf32, #tpu.memory_space<vmem>>, %arg7: memref<8x128xi32, #tpu.memory_space<vmem>>, %arg8: memref<8x128xi32, #tpu.memory_space<vmem>>, %arg9: memref<!tpu.dma_semaphore, #tpu.memory_space<semaphore_mem>>) attributes {dimension_semantics = [#tpu.dimension_semantics<core_parallel>, #tpu.dimension_semantics<subcore_parallel>], iteration_bounds = array<i64: 2, 16>, scalar_prefetch = 0 : i64, scratch_operands = 4 : i64, tpu.core_type = #tpu.core_type<sc_vector_subcore>, window_params = [{transform_indices = #map}, {transform_indices = #map}, {transform_indices = #map}, {transform_indices = #map}]} {
    %mul3A = arith.constant 2 : i32
    %mul3A_0 = arith.muli %arg1, %mul3A : i32
    %add3A = arith.addi %mul3A_0, %arg0 : i32
    %mul3A_1 = arith.constant 8 : i32
    %mul3A_2 = arith.muli %add3A, %mul3A_1 : i32
    "tpu.region"() ({
      %run_scoped3A = tpu.sem_alloc : memref<!tpu.dma_semaphore, #tpu.memory_space<semaphore_mem>>
      %dma_start3A_331 = arith.constant 0 : i32
      %dma_start3A_332 = tpu.memref_slice %arg3[%mul3A_2, %dma_start3A_331] : memref<256x128xi32, #tpu.memory_space<hbm>> -> memref<8x128xi32, #tpu.memory_space<hbm>>
      %dma_start3A_333 = arith.constant 0 : i32
      %dma_start3A_334 = tpu.memref_slice %arg3[%mul3A_2, %dma_start3A_333] : memref<256x128xi32, #tpu.memory_space<hbm>> -> memref<8x128xi32, #tpu.memory_space<hbm>>
      tpu.enqueue_dma source(%dma_start3A_334 : memref<8x128xi32, #tpu.memory_space<hbm>>) target(%arg7 : memref<8x128xi32, #tpu.memory_space<vmem>>) target_semaphore(%run_scoped3A : memref<!tpu.dma_semaphore, #tpu.memory_space<semaphore_mem>>)
      %dma_wait3A_335 = arith.constant 0 : i32
      %dma_wait3A_336 = tpu.memref_slice %arg3[%mul3A_2, %dma_wait3A_335] : memref<256x128xi32, #tpu.memory_space<hbm>> -> memref<8x128xi32, #tpu.memory_space<hbm>>
      %dma_wait3A_337 = arith.constant 0 : i32
      %dma_wait3A_338 = tpu.memref_slice %arg3[%mul3A_2, %dma_wait3A_337] : memref<256x128xi32, #tpu.memory_space<hbm>> -> memref<8x128xi32, #tpu.memory_space<hbm>>
      tpu.wait_dma2 semaphore(%run_scoped3A : memref<!tpu.dma_semaphore, #tpu.memory_space<semaphore_mem>>) src(%dma_wait3A_338 : memref<8x128xi32, #tpu.memory_space<hbm>>) dst(%arg7 : memref<8x128xi32, #tpu.memory_space<vmem>>)
      tpu.yield
    }) : () -> ()
    %mul3A_3 = arith.constant 8 : i32
    %mul3A_4 = arith.muli %add3A, %mul3A_3 : i32
    "tpu.region"() ({
      %run_scoped3A = tpu.sem_alloc : memref<!tpu.dma_semaphore, #tpu.memory_space<semaphore_mem>>
      %dma_start3A_331 = arith.constant 0 : i32
      %dma_start3A_332 = tpu.memref_slice %arg4[%mul3A_4, %dma_start3A_331] : memref<256x128xi32, #tpu.memory_space<hbm>> -> memref<8x128xi32, #tpu.memory_space<hbm>>
      %dma_start3A_333 = arith.constant 0 : i32
      %dma_start3A_334 = tpu.memref_slice %arg4[%mul3A_4, %dma_start3A_333] : memref<256x128xi32, #tpu.memory_space<hbm>> -> memref<8x128xi32, #tpu.memory_space<hbm>>
      tpu.enqueue_dma source(%dma_start3A_334 : memref<8x128xi32, #tpu.memory_space<hbm>>) target(%arg8 : memref<8x128xi32, #tpu.memory_space<vmem>>) target_semaphore(%run_scoped3A : memref<!tpu.dma_semaphore, #tpu.memory_space<semaphore_mem>>)
      %dma_wait3A_335 = arith.constant 0 : i32
      %dma_wait3A_336 = tpu.memref_slice %arg4[%mul3A_4, %dma_wait3A_335] : memref<256x128xi32, #tpu.memory_space<hbm>> -> memref<8x128xi32, #tpu.memory_space<hbm>>
      %dma_wait3A_337 = arith.constant 0 : i32
      %dma_wait3A_338 = tpu.memref_slice %arg4[%mul3A_4, %dma_wait3A_337] : memref<256x128xi32, #tpu.memory_space<hbm>> -> memref<8x128xi32, #tpu.memory_space<hbm>>
      tpu.wait_dma2 semaphore(%run_scoped3A : memref<!tpu.dma_semaphore, #tpu.memory_space<semaphore_mem>>) src(%dma_wait3A_338 : memref<8x128xi32, #tpu.memory_space<hbm>>) dst(%arg8 : memref<8x128xi32, #tpu.memory_space<vmem>>)
      tpu.yield
    }) : () -> ()
    %mul3A_5 = arith.constant 1024 : i32
    %mul3A_6 = arith.muli %add3A, %mul3A_5 : i32
    %add3A_7 = arith.constant 0 : i32
    %add3A_8 = arith.addi %mul3A_6, %add3A_7 : i32
    "tpu.region"() ({
      %run_scoped3A = tpu.sem_alloc : memref<!tpu.dma_semaphore, #tpu.memory_space<semaphore_mem>>
      %dma_start3A_331 = arith.constant 0 : i32
      %dma_start3A_332 = tpu.memref_slice %arg2[%add3A_8, %dma_start3A_331] : memref<32768x128xf32, #tpu.memory_space<hbm>> -> memref<512x128xf32, #tpu.memory_space<hbm>>
      %dma_start3A_333 = arith.constant 0 : i32
      %dma_start3A_334 = tpu.memref_slice %arg2[%add3A_8, %dma_start3A_333] : memref<32768x128xf32, #tpu.memory_space<hbm>> -> memref<512x128xf32, #tpu.memory_space<hbm>>
      tpu.enqueue_dma source(%dma_start3A_334 : memref<512x128xf32, #tpu.memory_space<hbm>>) target(%arg6 : memref<512x128xf32, #tpu.memory_space<vmem>>) target_semaphore(%run_scoped3A : memref<!tpu.dma_semaphore, #tpu.memory_space<semaphore_mem>>)
      %dma_wait3A_335 = arith.constant 0 : i32
      %dma_wait3A_336 = tpu.memref_slice %arg2[%add3A_8, %dma_wait3A_335] : memref<32768x128xf32, #tpu.memory_space<hbm>> -> memref<512x128xf32, #tpu.memory_space<hbm>>
      %dma_wait3A_337 = arith.constant 0 : i32
      %dma_wait3A_338 = tpu.memref_slice %arg2[%add3A_8, %dma_wait3A_337] : memref<32768x128xf32, #tpu.memory_space<hbm>> -> memref<512x128xf32, #tpu.memory_space<hbm>>
      tpu.wait_dma2 semaphore(%run_scoped3A : memref<!tpu.dma_semaphore, #tpu.memory_space<semaphore_mem>>) src(%dma_wait3A_338 : memref<512x128xf32, #tpu.memory_space<hbm>>) dst(%arg6 : memref<512x128xf32, #tpu.memory_space<vmem>>)
      tpu.yield
    }) : () -> ()
    %dma_start3A = arith.constant 0 : i32
    %dma_start3A_9 = arith.constant 0 : i32
    %dma_start3A_10 = arith.constant 0 : i32
    %dma_start3A_11 = tpu.memref_slice %arg6[%dma_start3A_9, %dma_start3A_10] : memref<512x128xf32, #tpu.memory_space<vmem>> -> memref<128x128xf32, #tpu.memory_space<vmem>>
    %dma_start3A_12 = arith.constant 0 : i32
    %dma_start3A_13 = tpu.memref_slice %arg7[%dma_start3A, %dma_start3A_12] : memref<8x128xi32, #tpu.memory_space<vmem>> -> memref<1x128xi32, #tpu.memory_space<vmem>>
    %dma_start3A_14 = tpu.memref_squeeze %dma_start3A_13 : memref<1x128xi32, #tpu.memory_space<vmem>> -> memref<128xi32, #tpu.memory_space<vmem>>
    %dma_start3A_15 = arith.constant 0 : i32
    %dma_start3A_16 = arith.constant 0 : i32
    %dma_start3A_17 = tpu.memref_slice %arg5[%dma_start3A_15, %dma_start3A_16] : memref<81920x128xf32, #tpu.memory_space<hbm>> -> memref<81920x128xf32, #tpu.memory_space<hbm>>
    tpu.enqueue_indirect_dma source(%dma_start3A_11 : memref<128x128xf32, #tpu.memory_space<vmem>>) target(%dma_start3A_17 : memref<81920x128xf32, #tpu.memory_space<hbm>>) offsets(%dma_start3A_14 : memref<128xi32, #tpu.memory_space<vmem>>) semaphore(%arg9 : memref<!tpu.dma_semaphore, #tpu.memory_space<semaphore_mem>>)
    %dma_start3A_18 = arith.constant 0 : i32
    %dma_start3A_19 = arith.constant 0 : i32
    %dma_start3A_20 = arith.constant 0 : i32
    %dma_start3A_21 = tpu.memref_slice %arg6[%dma_start3A_19, %dma_start3A_20] : memref<512x128xf32, #tpu.memory_space<vmem>> -> memref<128x128xf32, #tpu.memory_space<vmem>>
    %dma_start3A_22 = arith.constant 0 : i32
    %dma_start3A_23 = tpu.memref_slice %arg8[%dma_start3A_18, %dma_start3A_22] : memref<8x128xi32, #tpu.memory_space<vmem>> -> memref<1x128xi32, #tpu.memory_space<vmem>>
    %dma_start3A_24 = tpu.memref_squeeze %dma_start3A_23 : memref<1x128xi32, #tpu.memory_space<vmem>> -> memref<128xi32, #tpu.memory_space<vmem>>
    %dma_start3A_25 = arith.constant 0 : i32
    %dma_start3A_26 = arith.constant 0 : i32
    %dma_start3A_27 = tpu.memref_slice %arg5[%dma_start3A_25, %dma_start3A_26] : memref<81920x128xf32, #tpu.memory_space<hbm>> -> memref<81920x128xf32, #tpu.memory_space<hbm>>
    tpu.enqueue_indirect_dma source(%dma_start3A_21 : memref<128x128xf32, #tpu.memory_space<vmem>>) target(%dma_start3A_27 : memref<81920x128xf32, #tpu.memory_space<hbm>>) offsets(%dma_start3A_24 : memref<128xi32, #tpu.memory_space<vmem>>) semaphore(%arg9 : memref<!tpu.dma_semaphore, #tpu.memory_space<semaphore_mem>>)
    %dma_start3A_28 = arith.constant 1 : i32
    %dma_start3A_29 = arith.constant 128 : i32
    %dma_start3A_30 = arith.constant 0 : i32
    %dma_start3A_31 = tpu.memref_slice %arg6[%dma_start3A_29, %dma_start3A_30] : memref<512x128xf32, #tpu.memory_space<vmem>> -> memref<128x128xf32, #tpu.memory_space<vmem>>
    %dma_start3A_32 = arith.constant 0 : i32
    %dma_start3A_33 = tpu.memref_slice %arg7[%dma_start3A_28, %dma_start3A_32] : memref<8x128xi32, #tpu.memory_space<vmem>> -> memref<1x128xi32, #tpu.memory_space<vmem>>
    %dma_start3A_34 = tpu.memref_squeeze %dma_start3A_33 : memref<1x128xi32, #tpu.memory_space<vmem>> -> memref<128xi32, #tpu.memory_space<vmem>>
    %dma_start3A_35 = arith.constant 0 : i32
    %dma_start3A_36 = arith.constant 0 : i32
    %dma_start3A_37 = tpu.memref_slice %arg5[%dma_start3A_35, %dma_start3A_36] : memref<81920x128xf32, #tpu.memory_space<hbm>> -> memref<81920x128xf32, #tpu.memory_space<hbm>>
    tpu.enqueue_indirect_dma source(%dma_start3A_31 : memref<128x128xf32, #tpu.memory_space<vmem>>) target(%dma_start3A_37 : memref<81920x128xf32, #tpu.memory_space<hbm>>) offsets(%dma_start3A_34 : memref<128xi32, #tpu.memory_space<vmem>>) semaphore(%arg9 : memref<!tpu.dma_semaphore, #tpu.memory_space<semaphore_mem>>)
    %dma_start3A_38 = arith.constant 1 : i32
    %dma_start3A_39 = arith.constant 128 : i32
    %dma_start3A_40 = arith.constant 0 : i32
    %dma_start3A_41 = tpu.memref_slice %arg6[%dma_start3A_39, %dma_start3A_40] : memref<512x128xf32, #tpu.memory_space<vmem>> -> memref<128x128xf32, #tpu.memory_space<vmem>>
    %dma_start3A_42 = arith.constant 0 : i32
    %dma_start3A_43 = tpu.memref_slice %arg8[%dma_start3A_38, %dma_start3A_42] : memref<8x128xi32, #tpu.memory_space<vmem>> -> memref<1x128xi32, #tpu.memory_space<vmem>>
    %dma_start3A_44 = tpu.memref_squeeze %dma_start3A_43 : memref<1x128xi32, #tpu.memory_space<vmem>> -> memref<128xi32, #tpu.memory_space<vmem>>
    %dma_start3A_45 = arith.constant 0 : i32
    %dma_start3A_46 = arith.constant 0 : i32
    %dma_start3A_47 = tpu.memref_slice %arg5[%dma_start3A_45, %dma_start3A_46] : memref<81920x128xf32, #tpu.memory_space<hbm>> -> memref<81920x128xf32, #tpu.memory_space<hbm>>
    tpu.enqueue_indirect_dma source(%dma_start3A_41 : memref<128x128xf32, #tpu.memory_space<vmem>>) target(%dma_start3A_47 : memref<81920x128xf32, #tpu.memory_space<hbm>>) offsets(%dma_start3A_44 : memref<128xi32, #tpu.memory_space<vmem>>) semaphore(%arg9 : memref<!tpu.dma_semaphore, #tpu.memory_space<semaphore_mem>>)
    %dma_start3A_48 = arith.constant 2 : i32
    %dma_start3A_49 = arith.constant 256 : i32
    %dma_start3A_50 = arith.constant 0 : i32
    %dma_start3A_51 = tpu.memref_slice %arg6[%dma_start3A_49, %dma_start3A_50] : memref<512x128xf32, #tpu.memory_space<vmem>> -> memref<128x128xf32, #tpu.memory_space<vmem>>
    %dma_start3A_52 = arith.constant 0 : i32
    %dma_start3A_53 = tpu.memref_slice %arg7[%dma_start3A_48, %dma_start3A_52] : memref<8x128xi32, #tpu.memory_space<vmem>> -> memref<1x128xi32, #tpu.memory_space<vmem>>
    %dma_start3A_54 = tpu.memref_squeeze %dma_start3A_53 : memref<1x128xi32, #tpu.memory_space<vmem>> -> memref<128xi32, #tpu.memory_space<vmem>>
    %dma_start3A_55 = arith.constant 0 : i32
    %dma_start3A_56 = arith.constant 0 : i32
    %dma_start3A_57 = tpu.memref_slice %arg5[%dma_start3A_55, %dma_start3A_56] : memref<81920x128xf32, #tpu.memory_space<hbm>> -> memref<81920x128xf32, #tpu.memory_space<hbm>>
    tpu.enqueue_indirect_dma source(%dma_start3A_51 : memref<128x128xf32, #tpu.memory_space<vmem>>) target(%dma_start3A_57 : memref<81920x128xf32, #tpu.memory_space<hbm>>) offsets(%dma_start3A_54 : memref<128xi32, #tpu.memory_space<vmem>>) semaphore(%arg9 : memref<!tpu.dma_semaphore, #tpu.memory_space<semaphore_mem>>)
    %dma_start3A_58 = arith.constant 2 : i32
    %dma_start3A_59 = arith.constant 256 : i32
    %dma_start3A_60 = arith.constant 0 : i32
    %dma_start3A_61 = tpu.memref_slice %arg6[%dma_start3A_59, %dma_start3A_60] : memref<512x128xf32, #tpu.memory_space<vmem>> -> memref<128x128xf32, #tpu.memory_space<vmem>>
    %dma_start3A_62 = arith.constant 0 : i32
    %dma_start3A_63 = tpu.memref_slice %arg8[%dma_start3A_58, %dma_start3A_62] : memref<8x128xi32, #tpu.memory_space<vmem>> -> memref<1x128xi32, #tpu.memory_space<vmem>>
    %dma_start3A_64 = tpu.memref_squeeze %dma_start3A_63 : memref<1x128xi32, #tpu.memory_space<vmem>> -> memref<128xi32, #tpu.memory_space<vmem>>
    %dma_start3A_65 = arith.constant 0 : i32
    %dma_start3A_66 = arith.constant 0 : i32
    %dma_start3A_67 = tpu.memref_slice %arg5[%dma_start3A_65, %dma_start3A_66] : memref<81920x128xf32, #tpu.memory_space<hbm>> -> memref<81920x128xf32, #tpu.memory_space<hbm>>
    tpu.enqueue_indirect_dma source(%dma_start3A_61 : memref<128x128xf32, #tpu.memory_space<vmem>>) target(%dma_start3A_67 : memref<81920x128xf32, #tpu.memory_space<hbm>>) offsets(%dma_start3A_64 : memref<128xi32, #tpu.memory_space<vmem>>) semaphore(%arg9 : memref<!tpu.dma_semaphore, #tpu.memory_space<semaphore_mem>>)
    %dma_start3A_68 = arith.constant 3 : i32
    %dma_start3A_69 = arith.constant 384 : i32
    %dma_start3A_70 = arith.constant 0 : i32
    %dma_start3A_71 = tpu.memref_slice %arg6[%dma_start3A_69, %dma_start3A_70] : memref<512x128xf32, #tpu.memory_space<vmem>> -> memref<128x128xf32, #tpu.memory_space<vmem>>
    %dma_start3A_72 = arith.constant 0 : i32
    %dma_start3A_73 = tpu.memref_slice %arg7[%dma_start3A_68, %dma_start3A_72] : memref<8x128xi32, #tpu.memory_space<vmem>> -> memref<1x128xi32, #tpu.memory_space<vmem>>
    %dma_start3A_74 = tpu.memref_squeeze %dma_start3A_73 : memref<1x128xi32, #tpu.memory_space<vmem>> -> memref<128xi32, #tpu.memory_space<vmem>>
    %dma_start3A_75 = arith.constant 0 : i32
    %dma_start3A_76 = arith.constant 0 : i32
    %dma_start3A_77 = tpu.memref_slice %arg5[%dma_start3A_75, %dma_start3A_76] : memref<81920x128xf32, #tpu.memory_space<hbm>> -> memref<81920x128xf32, #tpu.memory_space<hbm>>
    tpu.enqueue_indirect_dma source(%dma_start3A_71 : memref<128x128xf32, #tpu.memory_space<vmem>>) target(%dma_start3A_77 : memref<81920x128xf32, #tpu.memory_space<hbm>>) offsets(%dma_start3A_74 : memref<128xi32, #tpu.memory_space<vmem>>) semaphore(%arg9 : memref<!tpu.dma_semaphore, #tpu.memory_space<semaphore_mem>>)
    %dma_start3A_78 = arith.constant 3 : i32
    %dma_start3A_79 = arith.constant 384 : i32
    %dma_start3A_80 = arith.constant 0 : i32
    %dma_start3A_81 = tpu.memref_slice %arg6[%dma_start3A_79, %dma_start3A_80] : memref<512x128xf32, #tpu.memory_space<vmem>> -> memref<128x128xf32, #tpu.memory_space<vmem>>
    %dma_start3A_82 = arith.constant 0 : i32
    %dma_start3A_83 = tpu.memref_slice %arg8[%dma_start3A_78, %dma_start3A_82] : memref<8x128xi32, #tpu.memory_space<vmem>> -> memref<1x128xi32, #tpu.memory_space<vmem>>
    %dma_start3A_84 = tpu.memref_squeeze %dma_start3A_83 : memref<1x128xi32, #tpu.memory_space<vmem>> -> memref<128xi32, #tpu.memory_space<vmem>>
    %dma_start3A_85 = arith.constant 0 : i32
    %dma_start3A_86 = arith.constant 0 : i32
    %dma_start3A_87 = tpu.memref_slice %arg5[%dma_start3A_85, %dma_start3A_86] : memref<81920x128xf32, #tpu.memory_space<hbm>> -> memref<81920x128xf32, #tpu.memory_space<hbm>>
    tpu.enqueue_indirect_dma source(%dma_start3A_81 : memref<128x128xf32, #tpu.memory_space<vmem>>) target(%dma_start3A_87 : memref<81920x128xf32, #tpu.memory_space<hbm>>) offsets(%dma_start3A_84 : memref<128xi32, #tpu.memory_space<vmem>>) semaphore(%arg9 : memref<!tpu.dma_semaphore, #tpu.memory_space<semaphore_mem>>)
    %dma_wait3A = arith.constant 0 : i32
    %dma_wait3A_88 = arith.constant 0 : i32
    %dma_wait3A_89 = arith.constant 0 : i32
    %dma_wait3A_90 = tpu.memref_slice %arg6[%dma_wait3A_88, %dma_wait3A_89] : memref<512x128xf32, #tpu.memory_space<vmem>> -> memref<128x128xf32, #tpu.memory_space<vmem>>
    %dma_wait3A_91 = arith.constant 0 : i32
    %dma_wait3A_92 = tpu.memref_slice %arg7[%dma_wait3A, %dma_wait3A_91] : memref<8x128xi32, #tpu.memory_space<vmem>> -> memref<1x128xi32, #tpu.memory_space<vmem>>
    %dma_wait3A_93 = tpu.memref_squeeze %dma_wait3A_92 : memref<1x128xi32, #tpu.memory_space<vmem>> -> memref<128xi32, #tpu.memory_space<vmem>>
    %dma_wait3A_94 = arith.constant 0 : i32
    %dma_wait3A_95 = arith.constant 0 : i32
    %dma_wait3A_96 = tpu.memref_slice %arg5[%dma_wait3A_94, %dma_wait3A_95] : memref<81920x128xf32, #tpu.memory_space<hbm>> -> memref<81920x128xf32, #tpu.memory_space<hbm>>
    tpu.wait_indirect_dma semaphore(%arg9 : memref<!tpu.dma_semaphore, #tpu.memory_space<semaphore_mem>>) src(%dma_wait3A_90 : memref<128x128xf32, #tpu.memory_space<vmem>>) dst(%dma_wait3A_96 : memref<81920x128xf32, #tpu.memory_space<hbm>>)
    %dma_wait3A_97 = arith.constant 0 : i32
    %dma_wait3A_98 = arith.constant 0 : i32
    %dma_wait3A_99 = arith.constant 0 : i32
    %dma_wait3A_100 = tpu.memref_slice %arg6[%dma_wait3A_98, %dma_wait3A_99] : memref<512x128xf32, #tpu.memory_space<vmem>> -> memref<128x128xf32, #tpu.memory_space<vmem>>
    %dma_wait3A_101 = arith.constant 0 : i32
    %dma_wait3A_102 = tpu.memref_slice %arg8[%dma_wait3A_97, %dma_wait3A_101] : memref<8x128xi32, #tpu.memory_space<vmem>> -> memref<1x128xi32, #tpu.memory_space<vmem>>
    %dma_wait3A_103 = tpu.memref_squeeze %dma_wait3A_102 : memref<1x128xi32, #tpu.memory_space<vmem>> -> memref<128xi32, #tpu.memory_space<vmem>>
    %dma_wait3A_104 = arith.constant 0 : i32
    %dma_wait3A_105 = arith.constant 0 : i32
    %dma_wait3A_106 = tpu.memref_slice %arg5[%dma_wait3A_104, %dma_wait3A_105] : memref<81920x128xf32, #tpu.memory_space<hbm>> -> memref<81920x128xf32, #tpu.memory_space<hbm>>
    tpu.wait_indirect_dma semaphore(%arg9 : memref<!tpu.dma_semaphore, #tpu.memory_space<semaphore_mem>>) src(%dma_wait3A_100 : memref<128x128xf32, #tpu.memory_space<vmem>>) dst(%dma_wait3A_106 : memref<81920x128xf32, #tpu.memory_space<hbm>>)
    %dma_wait3A_107 = arith.constant 1 : i32
    %dma_wait3A_108 = arith.constant 128 : i32
    %dma_wait3A_109 = arith.constant 0 : i32
    %dma_wait3A_110 = tpu.memref_slice %arg6[%dma_wait3A_108, %dma_wait3A_109] : memref<512x128xf32, #tpu.memory_space<vmem>> -> memref<128x128xf32, #tpu.memory_space<vmem>>
    %dma_wait3A_111 = arith.constant 0 : i32
    %dma_wait3A_112 = tpu.memref_slice %arg7[%dma_wait3A_107, %dma_wait3A_111] : memref<8x128xi32, #tpu.memory_space<vmem>> -> memref<1x128xi32, #tpu.memory_space<vmem>>
    %dma_wait3A_113 = tpu.memref_squeeze %dma_wait3A_112 : memref<1x128xi32, #tpu.memory_space<vmem>> -> memref<128xi32, #tpu.memory_space<vmem>>
    %dma_wait3A_114 = arith.constant 0 : i32
    %dma_wait3A_115 = arith.constant 0 : i32
    %dma_wait3A_116 = tpu.memref_slice %arg5[%dma_wait3A_114, %dma_wait3A_115] : memref<81920x128xf32, #tpu.memory_space<hbm>> -> memref<81920x128xf32, #tpu.memory_space<hbm>>
    tpu.wait_indirect_dma semaphore(%arg9 : memref<!tpu.dma_semaphore, #tpu.memory_space<semaphore_mem>>) src(%dma_wait3A_110 : memref<128x128xf32, #tpu.memory_space<vmem>>) dst(%dma_wait3A_116 : memref<81920x128xf32, #tpu.memory_space<hbm>>)
    %dma_wait3A_117 = arith.constant 1 : i32
    %dma_wait3A_118 = arith.constant 128 : i32
    %dma_wait3A_119 = arith.constant 0 : i32
    %dma_wait3A_120 = tpu.memref_slice %arg6[%dma_wait3A_118, %dma_wait3A_119] : memref<512x128xf32, #tpu.memory_space<vmem>> -> memref<128x128xf32, #tpu.memory_space<vmem>>
    %dma_wait3A_121 = arith.constant 0 : i32
    %dma_wait3A_122 = tpu.memref_slice %arg8[%dma_wait3A_117, %dma_wait3A_121] : memref<8x128xi32, #tpu.memory_space<vmem>> -> memref<1x128xi32, #tpu.memory_space<vmem>>
    %dma_wait3A_123 = tpu.memref_squeeze %dma_wait3A_122 : memref<1x128xi32, #tpu.memory_space<vmem>> -> memref<128xi32, #tpu.memory_space<vmem>>
    %dma_wait3A_124 = arith.constant 0 : i32
    %dma_wait3A_125 = arith.constant 0 : i32
    %dma_wait3A_126 = tpu.memref_slice %arg5[%dma_wait3A_124, %dma_wait3A_125] : memref<81920x128xf32, #tpu.memory_space<hbm>> -> memref<81920x128xf32, #tpu.memory_space<hbm>>
    tpu.wait_indirect_dma semaphore(%arg9 : memref<!tpu.dma_semaphore, #tpu.memory_space<semaphore_mem>>) src(%dma_wait3A_120 : memref<128x128xf32, #tpu.memory_space<vmem>>) dst(%dma_wait3A_126 : memref<81920x128xf32, #tpu.memory_space<hbm>>)
    %dma_wait3A_127 = arith.constant 2 : i32
    %dma_wait3A_128 = arith.constant 256 : i32
    %dma_wait3A_129 = arith.constant 0 : i32
    %dma_wait3A_130 = tpu.memref_slice %arg6[%dma_wait3A_128, %dma_wait3A_129] : memref<512x128xf32, #tpu.memory_space<vmem>> -> memref<128x128xf32, #tpu.memory_space<vmem>>
    %dma_wait3A_131 = arith.constant 0 : i32
    %dma_wait3A_132 = tpu.memref_slice %arg7[%dma_wait3A_127, %dma_wait3A_131] : memref<8x128xi32, #tpu.memory_space<vmem>> -> memref<1x128xi32, #tpu.memory_space<vmem>>
    %dma_wait3A_133 = tpu.memref_squeeze %dma_wait3A_132 : memref<1x128xi32, #tpu.memory_space<vmem>> -> memref<128xi32, #tpu.memory_space<vmem>>
    %dma_wait3A_134 = arith.constant 0 : i32
    %dma_wait3A_135 = arith.constant 0 : i32
    %dma_wait3A_136 = tpu.memref_slice %arg5[%dma_wait3A_134, %dma_wait3A_135] : memref<81920x128xf32, #tpu.memory_space<hbm>> -> memref<81920x128xf32, #tpu.memory_space<hbm>>
    tpu.wait_indirect_dma semaphore(%arg9 : memref<!tpu.dma_semaphore, #tpu.memory_space<semaphore_mem>>) src(%dma_wait3A_130 : memref<128x128xf32, #tpu.memory_space<vmem>>) dst(%dma_wait3A_136 : memref<81920x128xf32, #tpu.memory_space<hbm>>)
    %dma_wait3A_137 = arith.constant 2 : i32
    %dma_wait3A_138 = arith.constant 256 : i32
    %dma_wait3A_139 = arith.constant 0 : i32
    %dma_wait3A_140 = tpu.memref_slice %arg6[%dma_wait3A_138, %dma_wait3A_139] : memref<512x128xf32, #tpu.memory_space<vmem>> -> memref<128x128xf32, #tpu.memory_space<vmem>>
    %dma_wait3A_141 = arith.constant 0 : i32
    %dma_wait3A_142 = tpu.memref_slice %arg8[%dma_wait3A_137, %dma_wait3A_141] : memref<8x128xi32, #tpu.memory_space<vmem>> -> memref<1x128xi32, #tpu.memory_space<vmem>>
    %dma_wait3A_143 = tpu.memref_squeeze %dma_wait3A_142 : memref<1x128xi32, #tpu.memory_space<vmem>> -> memref<128xi32, #tpu.memory_space<vmem>>
    %dma_wait3A_144 = arith.constant 0 : i32
    %dma_wait3A_145 = arith.constant 0 : i32
    %dma_wait3A_146 = tpu.memref_slice %arg5[%dma_wait3A_144, %dma_wait3A_145] : memref<81920x128xf32, #tpu.memory_space<hbm>> -> memref<81920x128xf32, #tpu.memory_space<hbm>>
    tpu.wait_indirect_dma semaphore(%arg9 : memref<!tpu.dma_semaphore, #tpu.memory_space<semaphore_mem>>) src(%dma_wait3A_140 : memref<128x128xf32, #tpu.memory_space<vmem>>) dst(%dma_wait3A_146 : memref<81920x128xf32, #tpu.memory_space<hbm>>)
    %dma_wait3A_147 = arith.constant 3 : i32
    %dma_wait3A_148 = arith.constant 384 : i32
    %dma_wait3A_149 = arith.constant 0 : i32
    %dma_wait3A_150 = tpu.memref_slice %arg6[%dma_wait3A_148, %dma_wait3A_149] : memref<512x128xf32, #tpu.memory_space<vmem>> -> memref<128x128xf32, #tpu.memory_space<vmem>>
    %dma_wait3A_151 = arith.constant 0 : i32
    %dma_wait3A_152 = tpu.memref_slice %arg7[%dma_wait3A_147, %dma_wait3A_151] : memref<8x128xi32, #tpu.memory_space<vmem>> -> memref<1x128xi32, #tpu.memory_space<vmem>>
    %dma_wait3A_153 = tpu.memref_squeeze %dma_wait3A_152 : memref<1x128xi32, #tpu.memory_space<vmem>> -> memref<128xi32, #tpu.memory_space<vmem>>
    %dma_wait3A_154 = arith.constant 0 : i32
    %dma_wait3A_155 = arith.constant 0 : i32
    %dma_wait3A_156 = tpu.memref_slice %arg5[%dma_wait3A_154, %dma_wait3A_155] : memref<81920x128xf32, #tpu.memory_space<hbm>> -> memref<81920x128xf32, #tpu.memory_space<hbm>>
    tpu.wait_indirect_dma semaphore(%arg9 : memref<!tpu.dma_semaphore, #tpu.memory_space<semaphore_mem>>) src(%dma_wait3A_150 : memref<128x128xf32, #tpu.memory_space<vmem>>) dst(%dma_wait3A_156 : memref<81920x128xf32, #tpu.memory_space<hbm>>)
    %dma_wait3A_157 = arith.constant 3 : i32
    %dma_wait3A_158 = arith.constant 384 : i32
    %dma_wait3A_159 = arith.constant 0 : i32
    %dma_wait3A_160 = tpu.memref_slice %arg6[%dma_wait3A_158, %dma_wait3A_159] : memref<512x128xf32, #tpu.memory_space<vmem>> -> memref<128x128xf32, #tpu.memory_space<vmem>>
    %dma_wait3A_161 = arith.constant 0 : i32
    %dma_wait3A_162 = tpu.memref_slice %arg8[%dma_wait3A_157, %dma_wait3A_161] : memref<8x128xi32, #tpu.memory_space<vmem>> -> memref<1x128xi32, #tpu.memory_space<vmem>>
    %dma_wait3A_163 = tpu.memref_squeeze %dma_wait3A_162 : memref<1x128xi32, #tpu.memory_space<vmem>> -> memref<128xi32, #tpu.memory_space<vmem>>
    %dma_wait3A_164 = arith.constant 0 : i32
    %dma_wait3A_165 = arith.constant 0 : i32
    %dma_wait3A_166 = tpu.memref_slice %arg5[%dma_wait3A_164, %dma_wait3A_165] : memref<81920x128xf32, #tpu.memory_space<hbm>> -> memref<81920x128xf32, #tpu.memory_space<hbm>>
    tpu.wait_indirect_dma semaphore(%arg9 : memref<!tpu.dma_semaphore, #tpu.memory_space<semaphore_mem>>) src(%dma_wait3A_160 : memref<128x128xf32, #tpu.memory_space<vmem>>) dst(%dma_wait3A_166 : memref<81920x128xf32, #tpu.memory_space<hbm>>)
    %mul3A_167 = arith.constant 1024 : i32
    %mul3A_168 = arith.muli %add3A, %mul3A_167 : i32
    %add3A_169 = arith.constant 512 : i32
    %add3A_170 = arith.addi %mul3A_168, %add3A_169 : i32
    "tpu.region"() ({
      %run_scoped3A = tpu.sem_alloc : memref<!tpu.dma_semaphore, #tpu.memory_space<semaphore_mem>>
      %dma_start3A_331 = arith.constant 0 : i32
      %dma_start3A_332 = tpu.memref_slice %arg2[%add3A_170, %dma_start3A_331] : memref<32768x128xf32, #tpu.memory_space<hbm>> -> memref<512x128xf32, #tpu.memory_space<hbm>>
      %dma_start3A_333 = arith.constant 0 : i32
      %dma_start3A_334 = tpu.memref_slice %arg2[%add3A_170, %dma_start3A_333] : memref<32768x128xf32, #tpu.memory_space<hbm>> -> memref<512x128xf32, #tpu.memory_space<hbm>>
      tpu.enqueue_dma source(%dma_start3A_334 : memref<512x128xf32, #tpu.memory_space<hbm>>) target(%arg6 : memref<512x128xf32, #tpu.memory_space<vmem>>) target_semaphore(%run_scoped3A : memref<!tpu.dma_semaphore, #tpu.memory_space<semaphore_mem>>)
      %dma_wait3A_335 = arith.constant 0 : i32
      %dma_wait3A_336 = tpu.memref_slice %arg2[%add3A_170, %dma_wait3A_335] : memref<32768x128xf32, #tpu.memory_space<hbm>> -> memref<512x128xf32, #tpu.memory_space<hbm>>
      %dma_wait3A_337 = arith.constant 0 : i32
      %dma_wait3A_338 = tpu.memref_slice %arg2[%add3A_170, %dma_wait3A_337] : memref<32768x128xf32, #tpu.memory_space<hbm>> -> memref<512x128xf32, #tpu.memory_space<hbm>>
      tpu.wait_dma2 semaphore(%run_scoped3A : memref<!tpu.dma_semaphore, #tpu.memory_space<semaphore_mem>>) src(%dma_wait3A_338 : memref<512x128xf32, #tpu.memory_space<hbm>>) dst(%arg6 : memref<512x128xf32, #tpu.memory_space<vmem>>)
      tpu.yield
    }) : () -> ()
    %dma_start3A_171 = arith.constant 4 : i32
    %dma_start3A_172 = arith.constant 0 : i32
    %dma_start3A_173 = arith.constant 0 : i32
    %dma_start3A_174 = tpu.memref_slice %arg6[%dma_start3A_172, %dma_start3A_173] : memref<512x128xf32, #tpu.memory_space<vmem>> -> memref<128x128xf32, #tpu.memory_space<vmem>>
    %dma_start3A_175 = arith.constant 0 : i32
    %dma_start3A_176 = tpu.memref_slice %arg7[%dma_start3A_171, %dma_start3A_175] : memref<8x128xi32, #tpu.memory_space<vmem>> -> memref<1x128xi32, #tpu.memory_space<vmem>>
    %dma_start3A_177 = tpu.memref_squeeze %dma_start3A_176 : memref<1x128xi32, #tpu.memory_space<vmem>> -> memref<128xi32, #tpu.memory_space<vmem>>
    %dma_start3A_178 = arith.constant 0 : i32
    %dma_start3A_179 = arith.constant 0 : i32
    %dma_start3A_180 = tpu.memref_slice %arg5[%dma_start3A_178, %dma_start3A_179] : memref<81920x128xf32, #tpu.memory_space<hbm>> -> memref<81920x128xf32, #tpu.memory_space<hbm>>
    tpu.enqueue_indirect_dma source(%dma_start3A_174 : memref<128x128xf32, #tpu.memory_space<vmem>>) target(%dma_start3A_180 : memref<81920x128xf32, #tpu.memory_space<hbm>>) offsets(%dma_start3A_177 : memref<128xi32, #tpu.memory_space<vmem>>) semaphore(%arg9 : memref<!tpu.dma_semaphore, #tpu.memory_space<semaphore_mem>>)
    %dma_start3A_181 = arith.constant 4 : i32
    %dma_start3A_182 = arith.constant 0 : i32
    %dma_start3A_183 = arith.constant 0 : i32
    %dma_start3A_184 = tpu.memref_slice %arg6[%dma_start3A_182, %dma_start3A_183] : memref<512x128xf32, #tpu.memory_space<vmem>> -> memref<128x128xf32, #tpu.memory_space<vmem>>
    %dma_start3A_185 = arith.constant 0 : i32
    %dma_start3A_186 = tpu.memref_slice %arg8[%dma_start3A_181, %dma_start3A_185] : memref<8x128xi32, #tpu.memory_space<vmem>> -> memref<1x128xi32, #tpu.memory_space<vmem>>
    %dma_start3A_187 = tpu.memref_squeeze %dma_start3A_186 : memref<1x128xi32, #tpu.memory_space<vmem>> -> memref<128xi32, #tpu.memory_space<vmem>>
    %dma_start3A_188 = arith.constant 0 : i32
    %dma_start3A_189 = arith.constant 0 : i32
    %dma_start3A_190 = tpu.memref_slice %arg5[%dma_start3A_188, %dma_start3A_189] : memref<81920x128xf32, #tpu.memory_space<hbm>> -> memref<81920x128xf32, #tpu.memory_space<hbm>>
    tpu.enqueue_indirect_dma source(%dma_start3A_184 : memref<128x128xf32, #tpu.memory_space<vmem>>) target(%dma_start3A_190 : memref<81920x128xf32, #tpu.memory_space<hbm>>) offsets(%dma_start3A_187 : memref<128xi32, #tpu.memory_space<vmem>>) semaphore(%arg9 : memref<!tpu.dma_semaphore, #tpu.memory_space<semaphore_mem>>)
    %dma_start3A_191 = arith.constant 5 : i32
    %dma_start3A_192 = arith.constant 128 : i32
    %dma_start3A_193 = arith.constant 0 : i32
    %dma_start3A_194 = tpu.memref_slice %arg6[%dma_start3A_192, %dma_start3A_193] : memref<512x128xf32, #tpu.memory_space<vmem>> -> memref<128x128xf32, #tpu.memory_space<vmem>>
    %dma_start3A_195 = arith.constant 0 : i32
    %dma_start3A_196 = tpu.memref_slice %arg7[%dma_start3A_191, %dma_start3A_195] : memref<8x128xi32, #tpu.memory_space<vmem>> -> memref<1x128xi32, #tpu.memory_space<vmem>>
    %dma_start3A_197 = tpu.memref_squeeze %dma_start3A_196 : memref<1x128xi32, #tpu.memory_space<vmem>> -> memref<128xi32, #tpu.memory_space<vmem>>
    %dma_start3A_198 = arith.constant 0 : i32
    %dma_start3A_199 = arith.constant 0 : i32
    %dma_start3A_200 = tpu.memref_slice %arg5[%dma_start3A_198, %dma_start3A_199] : memref<81920x128xf32, #tpu.memory_space<hbm>> -> memref<81920x128xf32, #tpu.memory_space<hbm>>
    tpu.enqueue_indirect_dma source(%dma_start3A_194 : memref<128x128xf32, #tpu.memory_space<vmem>>) target(%dma_start3A_200 : memref<81920x128xf32, #tpu.memory_space<hbm>>) offsets(%dma_start3A_197 : memref<128xi32, #tpu.memory_space<vmem>>) semaphore(%arg9 : memref<!tpu.dma_semaphore, #tpu.memory_space<semaphore_mem>>)
    %dma_start3A_201 = arith.constant 5 : i32
    %dma_start3A_202 = arith.constant 128 : i32
    %dma_start3A_203 = arith.constant 0 : i32
    %dma_start3A_204 = tpu.memref_slice %arg6[%dma_start3A_202, %dma_start3A_203] : memref<512x128xf32, #tpu.memory_space<vmem>> -> memref<128x128xf32, #tpu.memory_space<vmem>>
    %dma_start3A_205 = arith.constant 0 : i32
    %dma_start3A_206 = tpu.memref_slice %arg8[%dma_start3A_201, %dma_start3A_205] : memref<8x128xi32, #tpu.memory_space<vmem>> -> memref<1x128xi32, #tpu.memory_space<vmem>>
    %dma_start3A_207 = tpu.memref_squeeze %dma_start3A_206 : memref<1x128xi32, #tpu.memory_space<vmem>> -> memref<128xi32, #tpu.memory_space<vmem>>
    %dma_start3A_208 = arith.constant 0 : i32
    %dma_start3A_209 = arith.constant 0 : i32
    %dma_start3A_210 = tpu.memref_slice %arg5[%dma_start3A_208, %dma_start3A_209] : memref<81920x128xf32, #tpu.memory_space<hbm>> -> memref<81920x128xf32, #tpu.memory_space<hbm>>
    tpu.enqueue_indirect_dma source(%dma_start3A_204 : memref<128x128xf32, #tpu.memory_space<vmem>>) target(%dma_start3A_210 : memref<81920x128xf32, #tpu.memory_space<hbm>>) offsets(%dma_start3A_207 : memref<128xi32, #tpu.memory_space<vmem>>) semaphore(%arg9 : memref<!tpu.dma_semaphore, #tpu.memory_space<semaphore_mem>>)
    %dma_start3A_211 = arith.constant 6 : i32
    %dma_start3A_212 = arith.constant 256 : i32
    %dma_start3A_213 = arith.constant 0 : i32
    %dma_start3A_214 = tpu.memref_slice %arg6[%dma_start3A_212, %dma_start3A_213] : memref<512x128xf32, #tpu.memory_space<vmem>> -> memref<128x128xf32, #tpu.memory_space<vmem>>
    %dma_start3A_215 = arith.constant 0 : i32
    %dma_start3A_216 = tpu.memref_slice %arg7[%dma_start3A_211, %dma_start3A_215] : memref<8x128xi32, #tpu.memory_space<vmem>> -> memref<1x128xi32, #tpu.memory_space<vmem>>
    %dma_start3A_217 = tpu.memref_squeeze %dma_start3A_216 : memref<1x128xi32, #tpu.memory_space<vmem>> -> memref<128xi32, #tpu.memory_space<vmem>>
    %dma_start3A_218 = arith.constant 0 : i32
    %dma_start3A_219 = arith.constant 0 : i32
    %dma_start3A_220 = tpu.memref_slice %arg5[%dma_start3A_218, %dma_start3A_219] : memref<81920x128xf32, #tpu.memory_space<hbm>> -> memref<81920x128xf32, #tpu.memory_space<hbm>>
    tpu.enqueue_indirect_dma source(%dma_start3A_214 : memref<128x128xf32, #tpu.memory_space<vmem>>) target(%dma_start3A_220 : memref<81920x128xf32, #tpu.memory_space<hbm>>) offsets(%dma_start3A_217 : memref<128xi32, #tpu.memory_space<vmem>>) semaphore(%arg9 : memref<!tpu.dma_semaphore, #tpu.memory_space<semaphore_mem>>)
    %dma_start3A_221 = arith.constant 6 : i32
    %dma_start3A_222 = arith.constant 256 : i32
    %dma_start3A_223 = arith.constant 0 : i32
    %dma_start3A_224 = tpu.memref_slice %arg6[%dma_start3A_222, %dma_start3A_223] : memref<512x128xf32, #tpu.memory_space<vmem>> -> memref<128x128xf32, #tpu.memory_space<vmem>>
    %dma_start3A_225 = arith.constant 0 : i32
    %dma_start3A_226 = tpu.memref_slice %arg8[%dma_start3A_221, %dma_start3A_225] : memref<8x128xi32, #tpu.memory_space<vmem>> -> memref<1x128xi32, #tpu.memory_space<vmem>>
    %dma_start3A_227 = tpu.memref_squeeze %dma_start3A_226 : memref<1x128xi32, #tpu.memory_space<vmem>> -> memref<128xi32, #tpu.memory_space<vmem>>
    %dma_start3A_228 = arith.constant 0 : i32
    %dma_start3A_229 = arith.constant 0 : i32
    %dma_start3A_230 = tpu.memref_slice %arg5[%dma_start3A_228, %dma_start3A_229] : memref<81920x128xf32, #tpu.memory_space<hbm>> -> memref<81920x128xf32, #tpu.memory_space<hbm>>
    tpu.enqueue_indirect_dma source(%dma_start3A_224 : memref<128x128xf32, #tpu.memory_space<vmem>>) target(%dma_start3A_230 : memref<81920x128xf32, #tpu.memory_space<hbm>>) offsets(%dma_start3A_227 : memref<128xi32, #tpu.memory_space<vmem>>) semaphore(%arg9 : memref<!tpu.dma_semaphore, #tpu.memory_space<semaphore_mem>>)
    %dma_start3A_231 = arith.constant 7 : i32
    %dma_start3A_232 = arith.constant 384 : i32
    %dma_start3A_233 = arith.constant 0 : i32
    %dma_start3A_234 = tpu.memref_slice %arg6[%dma_start3A_232, %dma_start3A_233] : memref<512x128xf32, #tpu.memory_space<vmem>> -> memref<128x128xf32, #tpu.memory_space<vmem>>
    %dma_start3A_235 = arith.constant 0 : i32
    %dma_start3A_236 = tpu.memref_slice %arg7[%dma_start3A_231, %dma_start3A_235] : memref<8x128xi32, #tpu.memory_space<vmem>> -> memref<1x128xi32, #tpu.memory_space<vmem>>
    %dma_start3A_237 = tpu.memref_squeeze %dma_start3A_236 : memref<1x128xi32, #tpu.memory_space<vmem>> -> memref<128xi32, #tpu.memory_space<vmem>>
    %dma_start3A_238 = arith.constant 0 : i32
    %dma_start3A_239 = arith.constant 0 : i32
    %dma_start3A_240 = tpu.memref_slice %arg5[%dma_start3A_238, %dma_start3A_239] : memref<81920x128xf32, #tpu.memory_space<hbm>> -> memref<81920x128xf32, #tpu.memory_space<hbm>>
    tpu.enqueue_indirect_dma source(%dma_start3A_234 : memref<128x128xf32, #tpu.memory_space<vmem>>) target(%dma_start3A_240 : memref<81920x128xf32, #tpu.memory_space<hbm>>) offsets(%dma_start3A_237 : memref<128xi32, #tpu.memory_space<vmem>>) semaphore(%arg9 : memref<!tpu.dma_semaphore, #tpu.memory_space<semaphore_mem>>)
    %dma_start3A_241 = arith.constant 7 : i32
    %dma_start3A_242 = arith.constant 384 : i32
    %dma_start3A_243 = arith.constant 0 : i32
    %dma_start3A_244 = tpu.memref_slice %arg6[%dma_start3A_242, %dma_start3A_243] : memref<512x128xf32, #tpu.memory_space<vmem>> -> memref<128x128xf32, #tpu.memory_space<vmem>>
    %dma_start3A_245 = arith.constant 0 : i32
    %dma_start3A_246 = tpu.memref_slice %arg8[%dma_start3A_241, %dma_start3A_245] : memref<8x128xi32, #tpu.memory_space<vmem>> -> memref<1x128xi32, #tpu.memory_space<vmem>>
    %dma_start3A_247 = tpu.memref_squeeze %dma_start3A_246 : memref<1x128xi32, #tpu.memory_space<vmem>> -> memref<128xi32, #tpu.memory_space<vmem>>
    %dma_start3A_248 = arith.constant 0 : i32
    %dma_start3A_249 = arith.constant 0 : i32
    %dma_start3A_250 = tpu.memref_slice %arg5[%dma_start3A_248, %dma_start3A_249] : memref<81920x128xf32, #tpu.memory_space<hbm>> -> memref<81920x128xf32, #tpu.memory_space<hbm>>
    tpu.enqueue_indirect_dma source(%dma_start3A_244 : memref<128x128xf32, #tpu.memory_space<vmem>>) target(%dma_start3A_250 : memref<81920x128xf32, #tpu.memory_space<hbm>>) offsets(%dma_start3A_247 : memref<128xi32, #tpu.memory_space<vmem>>) semaphore(%arg9 : memref<!tpu.dma_semaphore, #tpu.memory_space<semaphore_mem>>)
    %dma_wait3A_251 = arith.constant 4 : i32
    %dma_wait3A_252 = arith.constant 0 : i32
    %dma_wait3A_253 = arith.constant 0 : i32
    %dma_wait3A_254 = tpu.memref_slice %arg6[%dma_wait3A_252, %dma_wait3A_253] : memref<512x128xf32, #tpu.memory_space<vmem>> -> memref<128x128xf32, #tpu.memory_space<vmem>>
    %dma_wait3A_255 = arith.constant 0 : i32
    %dma_wait3A_256 = tpu.memref_slice %arg7[%dma_wait3A_251, %dma_wait3A_255] : memref<8x128xi32, #tpu.memory_space<vmem>> -> memref<1x128xi32, #tpu.memory_space<vmem>>
    %dma_wait3A_257 = tpu.memref_squeeze %dma_wait3A_256 : memref<1x128xi32, #tpu.memory_space<vmem>> -> memref<128xi32, #tpu.memory_space<vmem>>
    %dma_wait3A_258 = arith.constant 0 : i32
    %dma_wait3A_259 = arith.constant 0 : i32
    %dma_wait3A_260 = tpu.memref_slice %arg5[%dma_wait3A_258, %dma_wait3A_259] : memref<81920x128xf32, #tpu.memory_space<hbm>> -> memref<81920x128xf32, #tpu.memory_space<hbm>>
    tpu.wait_indirect_dma semaphore(%arg9 : memref<!tpu.dma_semaphore, #tpu.memory_space<semaphore_mem>>) src(%dma_wait3A_254 : memref<128x128xf32, #tpu.memory_space<vmem>>) dst(%dma_wait3A_260 : memref<81920x128xf32, #tpu.memory_space<hbm>>)
    %dma_wait3A_261 = arith.constant 4 : i32
    %dma_wait3A_262 = arith.constant 0 : i32
    %dma_wait3A_263 = arith.constant 0 : i32
    %dma_wait3A_264 = tpu.memref_slice %arg6[%dma_wait3A_262, %dma_wait3A_263] : memref<512x128xf32, #tpu.memory_space<vmem>> -> memref<128x128xf32, #tpu.memory_space<vmem>>
    %dma_wait3A_265 = arith.constant 0 : i32
    %dma_wait3A_266 = tpu.memref_slice %arg8[%dma_wait3A_261, %dma_wait3A_265] : memref<8x128xi32, #tpu.memory_space<vmem>> -> memref<1x128xi32, #tpu.memory_space<vmem>>
    %dma_wait3A_267 = tpu.memref_squeeze %dma_wait3A_266 : memref<1x128xi32, #tpu.memory_space<vmem>> -> memref<128xi32, #tpu.memory_space<vmem>>
    %dma_wait3A_268 = arith.constant 0 : i32
    %dma_wait3A_269 = arith.constant 0 : i32
    %dma_wait3A_270 = tpu.memref_slice %arg5[%dma_wait3A_268, %dma_wait3A_269] : memref<81920x128xf32, #tpu.memory_space<hbm>> -> memref<81920x128xf32, #tpu.memory_space<hbm>>
    tpu.wait_indirect_dma semaphore(%arg9 : memref<!tpu.dma_semaphore, #tpu.memory_space<semaphore_mem>>) src(%dma_wait3A_264 : memref<128x128xf32, #tpu.memory_space<vmem>>) dst(%dma_wait3A_270 : memref<81920x128xf32, #tpu.memory_space<hbm>>)
    %dma_wait3A_271 = arith.constant 5 : i32
    %dma_wait3A_272 = arith.constant 128 : i32
    %dma_wait3A_273 = arith.constant 0 : i32
    %dma_wait3A_274 = tpu.memref_slice %arg6[%dma_wait3A_272, %dma_wait3A_273] : memref<512x128xf32, #tpu.memory_space<vmem>> -> memref<128x128xf32, #tpu.memory_space<vmem>>
    %dma_wait3A_275 = arith.constant 0 : i32
    %dma_wait3A_276 = tpu.memref_slice %arg7[%dma_wait3A_271, %dma_wait3A_275] : memref<8x128xi32, #tpu.memory_space<vmem>> -> memref<1x128xi32, #tpu.memory_space<vmem>>
    %dma_wait3A_277 = tpu.memref_squeeze %dma_wait3A_276 : memref<1x128xi32, #tpu.memory_space<vmem>> -> memref<128xi32, #tpu.memory_space<vmem>>
    %dma_wait3A_278 = arith.constant 0 : i32
    %dma_wait3A_279 = arith.constant 0 : i32
    %dma_wait3A_280 = tpu.memref_slice %arg5[%dma_wait3A_278, %dma_wait3A_279] : memref<81920x128xf32, #tpu.memory_space<hbm>> -> memref<81920x128xf32, #tpu.memory_space<hbm>>
    tpu.wait_indirect_dma semaphore(%arg9 : memref<!tpu.dma_semaphore, #tpu.memory_space<semaphore_mem>>) src(%dma_wait3A_274 : memref<128x128xf32, #tpu.memory_space<vmem>>) dst(%dma_wait3A_280 : memref<81920x128xf32, #tpu.memory_space<hbm>>)
    %dma_wait3A_281 = arith.constant 5 : i32
    %dma_wait3A_282 = arith.constant 128 : i32
    %dma_wait3A_283 = arith.constant 0 : i32
    %dma_wait3A_284 = tpu.memref_slice %arg6[%dma_wait3A_282, %dma_wait3A_283] : memref<512x128xf32, #tpu.memory_space<vmem>> -> memref<128x128xf32, #tpu.memory_space<vmem>>
    %dma_wait3A_285 = arith.constant 0 : i32
    %dma_wait3A_286 = tpu.memref_slice %arg8[%dma_wait3A_281, %dma_wait3A_285] : memref<8x128xi32, #tpu.memory_space<vmem>> -> memref<1x128xi32, #tpu.memory_space<vmem>>
    %dma_wait3A_287 = tpu.memref_squeeze %dma_wait3A_286 : memref<1x128xi32, #tpu.memory_space<vmem>> -> memref<128xi32, #tpu.memory_space<vmem>>
    %dma_wait3A_288 = arith.constant 0 : i32
    %dma_wait3A_289 = arith.constant 0 : i32
    %dma_wait3A_290 = tpu.memref_slice %arg5[%dma_wait3A_288, %dma_wait3A_289] : memref<81920x128xf32, #tpu.memory_space<hbm>> -> memref<81920x128xf32, #tpu.memory_space<hbm>>
    tpu.wait_indirect_dma semaphore(%arg9 : memref<!tpu.dma_semaphore, #tpu.memory_space<semaphore_mem>>) src(%dma_wait3A_284 : memref<128x128xf32, #tpu.memory_space<vmem>>) dst(%dma_wait3A_290 : memref<81920x128xf32, #tpu.memory_space<hbm>>)
    %dma_wait3A_291 = arith.constant 6 : i32
    %dma_wait3A_292 = arith.constant 256 : i32
    %dma_wait3A_293 = arith.constant 0 : i32
    %dma_wait3A_294 = tpu.memref_slice %arg6[%dma_wait3A_292, %dma_wait3A_293] : memref<512x128xf32, #tpu.memory_space<vmem>> -> memref<128x128xf32, #tpu.memory_space<vmem>>
    %dma_wait3A_295 = arith.constant 0 : i32
    %dma_wait3A_296 = tpu.memref_slice %arg7[%dma_wait3A_291, %dma_wait3A_295] : memref<8x128xi32, #tpu.memory_space<vmem>> -> memref<1x128xi32, #tpu.memory_space<vmem>>
    %dma_wait3A_297 = tpu.memref_squeeze %dma_wait3A_296 : memref<1x128xi32, #tpu.memory_space<vmem>> -> memref<128xi32, #tpu.memory_space<vmem>>
    %dma_wait3A_298 = arith.constant 0 : i32
    %dma_wait3A_299 = arith.constant 0 : i32
    %dma_wait3A_300 = tpu.memref_slice %arg5[%dma_wait3A_298, %dma_wait3A_299] : memref<81920x128xf32, #tpu.memory_space<hbm>> -> memref<81920x128xf32, #tpu.memory_space<hbm>>
    tpu.wait_indirect_dma semaphore(%arg9 : memref<!tpu.dma_semaphore, #tpu.memory_space<semaphore_mem>>) src(%dma_wait3A_294 : memref<128x128xf32, #tpu.memory_space<vmem>>) dst(%dma_wait3A_300 : memref<81920x128xf32, #tpu.memory_space<hbm>>)
    %dma_wait3A_301 = arith.constant 6 : i32
    %dma_wait3A_302 = arith.constant 256 : i32
    %dma_wait3A_303 = arith.constant 0 : i32
    %dma_wait3A_304 = tpu.memref_slice %arg6[%dma_wait3A_302, %dma_wait3A_303] : memref<512x128xf32, #tpu.memory_space<vmem>> -> memref<128x128xf32, #tpu.memory_space<vmem>>
    %dma_wait3A_305 = arith.constant 0 : i32
    %dma_wait3A_306 = tpu.memref_slice %arg8[%dma_wait3A_301, %dma_wait3A_305] : memref<8x128xi32, #tpu.memory_space<vmem>> -> memref<1x128xi32, #tpu.memory_space<vmem>>
    %dma_wait3A_307 = tpu.memref_squeeze %dma_wait3A_306 : memref<1x128xi32, #tpu.memory_space<vmem>> -> memref<128xi32, #tpu.memory_space<vmem>>
    %dma_wait3A_308 = arith.constant 0 : i32
    %dma_wait3A_309 = arith.constant 0 : i32
    %dma_wait3A_310 = tpu.memref_slice %arg5[%dma_wait3A_308, %dma_wait3A_309] : memref<81920x128xf32, #tpu.memory_space<hbm>> -> memref<81920x128xf32, #tpu.memory_space<hbm>>
    tpu.wait_indirect_dma semaphore(%arg9 : memref<!tpu.dma_semaphore, #tpu.memory_space<semaphore_mem>>) src(%dma_wait3A_304 : memref<128x128xf32, #tpu.memory_space<vmem>>) dst(%dma_wait3A_310 : memref<81920x128xf32, #tpu.memory_space<hbm>>)
    %dma_wait3A_311 = arith.constant 7 : i32
    %dma_wait3A_312 = arith.constant 384 : i32
    %dma_wait3A_313 = arith.constant 0 : i32
    %dma_wait3A_314 = tpu.memref_slice %arg6[%dma_wait3A_312, %dma_wait3A_313] : memref<512x128xf32, #tpu.memory_space<vmem>> -> memref<128x128xf32, #tpu.memory_space<vmem>>
    %dma_wait3A_315 = arith.constant 0 : i32
    %dma_wait3A_316 = tpu.memref_slice %arg7[%dma_wait3A_311, %dma_wait3A_315] : memref<8x128xi32, #tpu.memory_space<vmem>> -> memref<1x128xi32, #tpu.memory_space<vmem>>
    %dma_wait3A_317 = tpu.memref_squeeze %dma_wait3A_316 : memref<1x128xi32, #tpu.memory_space<vmem>> -> memref<128xi32, #tpu.memory_space<vmem>>
    %dma_wait3A_318 = arith.constant 0 : i32
    %dma_wait3A_319 = arith.constant 0 : i32
    %dma_wait3A_320 = tpu.memref_slice %arg5[%dma_wait3A_318, %dma_wait3A_319] : memref<81920x128xf32, #tpu.memory_space<hbm>> -> memref<81920x128xf32, #tpu.memory_space<hbm>>
    tpu.wait_indirect_dma semaphore(%arg9 : memref<!tpu.dma_semaphore, #tpu.memory_space<semaphore_mem>>) src(%dma_wait3A_314 : memref<128x128xf32, #tpu.memory_space<vmem>>) dst(%dma_wait3A_320 : memref<81920x128xf32, #tpu.memory_space<hbm>>)
    %dma_wait3A_321 = arith.constant 7 : i32
    %dma_wait3A_322 = arith.constant 384 : i32
    %dma_wait3A_323 = arith.constant 0 : i32
    %dma_wait3A_324 = tpu.memref_slice %arg6[%dma_wait3A_322, %dma_wait3A_323] : memref<512x128xf32, #tpu.memory_space<vmem>> -> memref<128x128xf32, #tpu.memory_space<vmem>>
    %dma_wait3A_325 = arith.constant 0 : i32
    %dma_wait3A_326 = tpu.memref_slice %arg8[%dma_wait3A_321, %dma_wait3A_325] : memref<8x128xi32, #tpu.memory_space<vmem>> -> memref<1x128xi32, #tpu.memory_space<vmem>>
    %dma_wait3A_327 = tpu.memref_squeeze %dma_wait3A_326 : memref<1x128xi32, #tpu.memory_space<vmem>> -> memref<128xi32, #tpu.memory_space<vmem>>
    %dma_wait3A_328 = arith.constant 0 : i32
    %dma_wait3A_329 = arith.constant 0 : i32
    %dma_wait3A_330 = tpu.memref_slice %arg5[%dma_wait3A_328, %dma_wait3A_329] : memref<81920x128xf32, #tpu.memory_space<hbm>> -> memref<81920x128xf32, #tpu.memory_space<hbm>>
    tpu.wait_indirect_dma semaphore(%arg9 : memref<!tpu.dma_semaphore, #tpu.memory_space<semaphore_mem>>) src(%dma_wait3A_324 : memref<128x128xf32, #tpu.memory_space<vmem>>) dst(%dma_wait3A_330 : memref<81920x128xf32, #tpu.memory_space<hbm>>)
    return
  }
}

#map = affine_map<(d0, d1) -> (0, 0)>
module attributes {stable_mosaic.version = 14 : i64} {
  func.func @_gather_body(%arg0: i32, %arg1: i32, %arg2: memref<81920x128xf32, #tpu.memory_space<hbm>>, %arg3: memref<256x128xi32, #tpu.memory_space<hbm>>, %arg4: memref<256x128xi32, #tpu.memory_space<hbm>>, %arg5: memref<32768x128xf32, #tpu.memory_space<hbm>>, %arg6: memref<32768x128xf32, #tpu.memory_space<hbm>>, %arg7: memref<512x128xf32, #tpu.memory_space<vmem>>, %arg8: memref<8x128xi32, #tpu.memory_space<vmem>>, %arg9: memref<8x128xi32, #tpu.memory_space<vmem>>, %arg10: memref<!tpu.dma_semaphore, #tpu.memory_space<semaphore_mem>>) attributes {dimension_semantics = [#tpu.dimension_semantics<core_parallel>, #tpu.dimension_semantics<subcore_parallel>], iteration_bounds = array<i64: 2, 16>, scalar_prefetch = 0 : i64, scratch_operands = 4 : i64, tpu.core_type = #tpu.core_type<sc_vector_subcore>, window_params = [{transform_indices = #map}, {transform_indices = #map}, {transform_indices = #map}, {transform_indices = #map}, {transform_indices = #map}]} {
    %mul3A = arith.constant 2 : i32
    %mul3A_0 = arith.muli %arg1, %mul3A : i32
    %add3A = arith.addi %mul3A_0, %arg0 : i32
    %mul3A_1 = arith.constant 8 : i32
    %mul3A_2 = arith.muli %add3A, %mul3A_1 : i32
    "tpu.region"() ({
      %run_scoped3A = tpu.sem_alloc : memref<!tpu.dma_semaphore, #tpu.memory_space<semaphore_mem>>
      %dma_start3A_339 = arith.constant 0 : i32
      %dma_start3A_340 = tpu.memref_slice %arg3[%mul3A_2, %dma_start3A_339] : memref<256x128xi32, #tpu.memory_space<hbm>> -> memref<8x128xi32, #tpu.memory_space<hbm>>
      %dma_start3A_341 = arith.constant 0 : i32
      %dma_start3A_342 = tpu.memref_slice %arg3[%mul3A_2, %dma_start3A_341] : memref<256x128xi32, #tpu.memory_space<hbm>> -> memref<8x128xi32, #tpu.memory_space<hbm>>
      tpu.enqueue_dma source(%dma_start3A_342 : memref<8x128xi32, #tpu.memory_space<hbm>>) target(%arg8 : memref<8x128xi32, #tpu.memory_space<vmem>>) target_semaphore(%run_scoped3A : memref<!tpu.dma_semaphore, #tpu.memory_space<semaphore_mem>>)
      %dma_wait3A_343 = arith.constant 0 : i32
      %dma_wait3A_344 = tpu.memref_slice %arg3[%mul3A_2, %dma_wait3A_343] : memref<256x128xi32, #tpu.memory_space<hbm>> -> memref<8x128xi32, #tpu.memory_space<hbm>>
      %dma_wait3A_345 = arith.constant 0 : i32
      %dma_wait3A_346 = tpu.memref_slice %arg3[%mul3A_2, %dma_wait3A_345] : memref<256x128xi32, #tpu.memory_space<hbm>> -> memref<8x128xi32, #tpu.memory_space<hbm>>
      tpu.wait_dma2 semaphore(%run_scoped3A : memref<!tpu.dma_semaphore, #tpu.memory_space<semaphore_mem>>) src(%dma_wait3A_346 : memref<8x128xi32, #tpu.memory_space<hbm>>) dst(%arg8 : memref<8x128xi32, #tpu.memory_space<vmem>>)
      tpu.yield
    }) : () -> ()
    %mul3A_3 = arith.constant 8 : i32
    %mul3A_4 = arith.muli %add3A, %mul3A_3 : i32
    "tpu.region"() ({
      %run_scoped3A = tpu.sem_alloc : memref<!tpu.dma_semaphore, #tpu.memory_space<semaphore_mem>>
      %dma_start3A_339 = arith.constant 0 : i32
      %dma_start3A_340 = tpu.memref_slice %arg4[%mul3A_4, %dma_start3A_339] : memref<256x128xi32, #tpu.memory_space<hbm>> -> memref<8x128xi32, #tpu.memory_space<hbm>>
      %dma_start3A_341 = arith.constant 0 : i32
      %dma_start3A_342 = tpu.memref_slice %arg4[%mul3A_4, %dma_start3A_341] : memref<256x128xi32, #tpu.memory_space<hbm>> -> memref<8x128xi32, #tpu.memory_space<hbm>>
      tpu.enqueue_dma source(%dma_start3A_342 : memref<8x128xi32, #tpu.memory_space<hbm>>) target(%arg9 : memref<8x128xi32, #tpu.memory_space<vmem>>) target_semaphore(%run_scoped3A : memref<!tpu.dma_semaphore, #tpu.memory_space<semaphore_mem>>)
      %dma_wait3A_343 = arith.constant 0 : i32
      %dma_wait3A_344 = tpu.memref_slice %arg4[%mul3A_4, %dma_wait3A_343] : memref<256x128xi32, #tpu.memory_space<hbm>> -> memref<8x128xi32, #tpu.memory_space<hbm>>
      %dma_wait3A_345 = arith.constant 0 : i32
      %dma_wait3A_346 = tpu.memref_slice %arg4[%mul3A_4, %dma_wait3A_345] : memref<256x128xi32, #tpu.memory_space<hbm>> -> memref<8x128xi32, #tpu.memory_space<hbm>>
      tpu.wait_dma2 semaphore(%run_scoped3A : memref<!tpu.dma_semaphore, #tpu.memory_space<semaphore_mem>>) src(%dma_wait3A_346 : memref<8x128xi32, #tpu.memory_space<hbm>>) dst(%arg9 : memref<8x128xi32, #tpu.memory_space<vmem>>)
      tpu.yield
    }) : () -> ()
    %dma_start3A = arith.constant 0 : i32
    %dma_start3A_5 = arith.constant 0 : i32
    %dma_start3A_6 = arith.constant 0 : i32
    %dma_start3A_7 = tpu.memref_slice %arg7[%dma_start3A_5, %dma_start3A_6] : memref<512x128xf32, #tpu.memory_space<vmem>> -> memref<128x128xf32, #tpu.memory_space<vmem>>
    %dma_start3A_8 = arith.constant 0 : i32
    %dma_start3A_9 = tpu.memref_slice %arg8[%dma_start3A, %dma_start3A_8] : memref<8x128xi32, #tpu.memory_space<vmem>> -> memref<1x128xi32, #tpu.memory_space<vmem>>
    %dma_start3A_10 = tpu.memref_squeeze %dma_start3A_9 : memref<1x128xi32, #tpu.memory_space<vmem>> -> memref<128xi32, #tpu.memory_space<vmem>>
    %dma_start3A_11 = arith.constant 0 : i32
    %dma_start3A_12 = arith.constant 0 : i32
    %dma_start3A_13 = tpu.memref_slice %arg2[%dma_start3A_11, %dma_start3A_12] : memref<81920x128xf32, #tpu.memory_space<hbm>> -> memref<81920x128xf32, #tpu.memory_space<hbm>>
    tpu.enqueue_indirect_dma source(%dma_start3A_13 : memref<81920x128xf32, #tpu.memory_space<hbm>>) target(%dma_start3A_7 : memref<128x128xf32, #tpu.memory_space<vmem>>) offsets(%dma_start3A_10 : memref<128xi32, #tpu.memory_space<vmem>>) semaphore(%arg10 : memref<!tpu.dma_semaphore, #tpu.memory_space<semaphore_mem>>)
    %dma_start3A_14 = arith.constant 1 : i32
    %dma_start3A_15 = arith.constant 128 : i32
    %dma_start3A_16 = arith.constant 0 : i32
    %dma_start3A_17 = tpu.memref_slice %arg7[%dma_start3A_15, %dma_start3A_16] : memref<512x128xf32, #tpu.memory_space<vmem>> -> memref<128x128xf32, #tpu.memory_space<vmem>>
    %dma_start3A_18 = arith.constant 0 : i32
    %dma_start3A_19 = tpu.memref_slice %arg8[%dma_start3A_14, %dma_start3A_18] : memref<8x128xi32, #tpu.memory_space<vmem>> -> memref<1x128xi32, #tpu.memory_space<vmem>>
    %dma_start3A_20 = tpu.memref_squeeze %dma_start3A_19 : memref<1x128xi32, #tpu.memory_space<vmem>> -> memref<128xi32, #tpu.memory_space<vmem>>
    %dma_start3A_21 = arith.constant 0 : i32
    %dma_start3A_22 = arith.constant 0 : i32
    %dma_start3A_23 = tpu.memref_slice %arg2[%dma_start3A_21, %dma_start3A_22] : memref<81920x128xf32, #tpu.memory_space<hbm>> -> memref<81920x128xf32, #tpu.memory_space<hbm>>
    tpu.enqueue_indirect_dma source(%dma_start3A_23 : memref<81920x128xf32, #tpu.memory_space<hbm>>) target(%dma_start3A_17 : memref<128x128xf32, #tpu.memory_space<vmem>>) offsets(%dma_start3A_20 : memref<128xi32, #tpu.memory_space<vmem>>) semaphore(%arg10 : memref<!tpu.dma_semaphore, #tpu.memory_space<semaphore_mem>>)
    %dma_start3A_24 = arith.constant 2 : i32
    %dma_start3A_25 = arith.constant 256 : i32
    %dma_start3A_26 = arith.constant 0 : i32
    %dma_start3A_27 = tpu.memref_slice %arg7[%dma_start3A_25, %dma_start3A_26] : memref<512x128xf32, #tpu.memory_space<vmem>> -> memref<128x128xf32, #tpu.memory_space<vmem>>
    %dma_start3A_28 = arith.constant 0 : i32
    %dma_start3A_29 = tpu.memref_slice %arg8[%dma_start3A_24, %dma_start3A_28] : memref<8x128xi32, #tpu.memory_space<vmem>> -> memref<1x128xi32, #tpu.memory_space<vmem>>
    %dma_start3A_30 = tpu.memref_squeeze %dma_start3A_29 : memref<1x128xi32, #tpu.memory_space<vmem>> -> memref<128xi32, #tpu.memory_space<vmem>>
    %dma_start3A_31 = arith.constant 0 : i32
    %dma_start3A_32 = arith.constant 0 : i32
    %dma_start3A_33 = tpu.memref_slice %arg2[%dma_start3A_31, %dma_start3A_32] : memref<81920x128xf32, #tpu.memory_space<hbm>> -> memref<81920x128xf32, #tpu.memory_space<hbm>>
    tpu.enqueue_indirect_dma source(%dma_start3A_33 : memref<81920x128xf32, #tpu.memory_space<hbm>>) target(%dma_start3A_27 : memref<128x128xf32, #tpu.memory_space<vmem>>) offsets(%dma_start3A_30 : memref<128xi32, #tpu.memory_space<vmem>>) semaphore(%arg10 : memref<!tpu.dma_semaphore, #tpu.memory_space<semaphore_mem>>)
    %dma_start3A_34 = arith.constant 3 : i32
    %dma_start3A_35 = arith.constant 384 : i32
    %dma_start3A_36 = arith.constant 0 : i32
    %dma_start3A_37 = tpu.memref_slice %arg7[%dma_start3A_35, %dma_start3A_36] : memref<512x128xf32, #tpu.memory_space<vmem>> -> memref<128x128xf32, #tpu.memory_space<vmem>>
    %dma_start3A_38 = arith.constant 0 : i32
    %dma_start3A_39 = tpu.memref_slice %arg8[%dma_start3A_34, %dma_start3A_38] : memref<8x128xi32, #tpu.memory_space<vmem>> -> memref<1x128xi32, #tpu.memory_space<vmem>>
    %dma_start3A_40 = tpu.memref_squeeze %dma_start3A_39 : memref<1x128xi32, #tpu.memory_space<vmem>> -> memref<128xi32, #tpu.memory_space<vmem>>
    %dma_start3A_41 = arith.constant 0 : i32
    %dma_start3A_42 = arith.constant 0 : i32
    %dma_start3A_43 = tpu.memref_slice %arg2[%dma_start3A_41, %dma_start3A_42] : memref<81920x128xf32, #tpu.memory_space<hbm>> -> memref<81920x128xf32, #tpu.memory_space<hbm>>
    tpu.enqueue_indirect_dma source(%dma_start3A_43 : memref<81920x128xf32, #tpu.memory_space<hbm>>) target(%dma_start3A_37 : memref<128x128xf32, #tpu.memory_space<vmem>>) offsets(%dma_start3A_40 : memref<128xi32, #tpu.memory_space<vmem>>) semaphore(%arg10 : memref<!tpu.dma_semaphore, #tpu.memory_space<semaphore_mem>>)
    %dma_wait3A = arith.constant 0 : i32
    %dma_wait3A_44 = arith.constant 0 : i32
    %dma_wait3A_45 = arith.constant 0 : i32
    %dma_wait3A_46 = tpu.memref_slice %arg7[%dma_wait3A_44, %dma_wait3A_45] : memref<512x128xf32, #tpu.memory_space<vmem>> -> memref<128x128xf32, #tpu.memory_space<vmem>>
    %dma_wait3A_47 = arith.constant 0 : i32
    %dma_wait3A_48 = tpu.memref_slice %arg8[%dma_wait3A, %dma_wait3A_47] : memref<8x128xi32, #tpu.memory_space<vmem>> -> memref<1x128xi32, #tpu.memory_space<vmem>>
    %dma_wait3A_49 = tpu.memref_squeeze %dma_wait3A_48 : memref<1x128xi32, #tpu.memory_space<vmem>> -> memref<128xi32, #tpu.memory_space<vmem>>
    %dma_wait3A_50 = arith.constant 0 : i32
    %dma_wait3A_51 = arith.constant 0 : i32
    %dma_wait3A_52 = tpu.memref_slice %arg2[%dma_wait3A_50, %dma_wait3A_51] : memref<81920x128xf32, #tpu.memory_space<hbm>> -> memref<81920x128xf32, #tpu.memory_space<hbm>>
    tpu.wait_indirect_dma semaphore(%arg10 : memref<!tpu.dma_semaphore, #tpu.memory_space<semaphore_mem>>) src(%dma_wait3A_52 : memref<81920x128xf32, #tpu.memory_space<hbm>>) dst(%dma_wait3A_46 : memref<128x128xf32, #tpu.memory_space<vmem>>)
    %dma_wait3A_53 = arith.constant 1 : i32
    %dma_wait3A_54 = arith.constant 128 : i32
    %dma_wait3A_55 = arith.constant 0 : i32
    %dma_wait3A_56 = tpu.memref_slice %arg7[%dma_wait3A_54, %dma_wait3A_55] : memref<512x128xf32, #tpu.memory_space<vmem>> -> memref<128x128xf32, #tpu.memory_space<vmem>>
    %dma_wait3A_57 = arith.constant 0 : i32
    %dma_wait3A_58 = tpu.memref_slice %arg8[%dma_wait3A_53, %dma_wait3A_57] : memref<8x128xi32, #tpu.memory_space<vmem>> -> memref<1x128xi32, #tpu.memory_space<vmem>>
    %dma_wait3A_59 = tpu.memref_squeeze %dma_wait3A_58 : memref<1x128xi32, #tpu.memory_space<vmem>> -> memref<128xi32, #tpu.memory_space<vmem>>
    %dma_wait3A_60 = arith.constant 0 : i32
    %dma_wait3A_61 = arith.constant 0 : i32
    %dma_wait3A_62 = tpu.memref_slice %arg2[%dma_wait3A_60, %dma_wait3A_61] : memref<81920x128xf32, #tpu.memory_space<hbm>> -> memref<81920x128xf32, #tpu.memory_space<hbm>>
    tpu.wait_indirect_dma semaphore(%arg10 : memref<!tpu.dma_semaphore, #tpu.memory_space<semaphore_mem>>) src(%dma_wait3A_62 : memref<81920x128xf32, #tpu.memory_space<hbm>>) dst(%dma_wait3A_56 : memref<128x128xf32, #tpu.memory_space<vmem>>)
    %dma_wait3A_63 = arith.constant 2 : i32
    %dma_wait3A_64 = arith.constant 256 : i32
    %dma_wait3A_65 = arith.constant 0 : i32
    %dma_wait3A_66 = tpu.memref_slice %arg7[%dma_wait3A_64, %dma_wait3A_65] : memref<512x128xf32, #tpu.memory_space<vmem>> -> memref<128x128xf32, #tpu.memory_space<vmem>>
    %dma_wait3A_67 = arith.constant 0 : i32
    %dma_wait3A_68 = tpu.memref_slice %arg8[%dma_wait3A_63, %dma_wait3A_67] : memref<8x128xi32, #tpu.memory_space<vmem>> -> memref<1x128xi32, #tpu.memory_space<vmem>>
    %dma_wait3A_69 = tpu.memref_squeeze %dma_wait3A_68 : memref<1x128xi32, #tpu.memory_space<vmem>> -> memref<128xi32, #tpu.memory_space<vmem>>
    %dma_wait3A_70 = arith.constant 0 : i32
    %dma_wait3A_71 = arith.constant 0 : i32
    %dma_wait3A_72 = tpu.memref_slice %arg2[%dma_wait3A_70, %dma_wait3A_71] : memref<81920x128xf32, #tpu.memory_space<hbm>> -> memref<81920x128xf32, #tpu.memory_space<hbm>>
    tpu.wait_indirect_dma semaphore(%arg10 : memref<!tpu.dma_semaphore, #tpu.memory_space<semaphore_mem>>) src(%dma_wait3A_72 : memref<81920x128xf32, #tpu.memory_space<hbm>>) dst(%dma_wait3A_66 : memref<128x128xf32, #tpu.memory_space<vmem>>)
    %dma_wait3A_73 = arith.constant 3 : i32
    %dma_wait3A_74 = arith.constant 384 : i32
    %dma_wait3A_75 = arith.constant 0 : i32
    %dma_wait3A_76 = tpu.memref_slice %arg7[%dma_wait3A_74, %dma_wait3A_75] : memref<512x128xf32, #tpu.memory_space<vmem>> -> memref<128x128xf32, #tpu.memory_space<vmem>>
    %dma_wait3A_77 = arith.constant 0 : i32
    %dma_wait3A_78 = tpu.memref_slice %arg8[%dma_wait3A_73, %dma_wait3A_77] : memref<8x128xi32, #tpu.memory_space<vmem>> -> memref<1x128xi32, #tpu.memory_space<vmem>>
    %dma_wait3A_79 = tpu.memref_squeeze %dma_wait3A_78 : memref<1x128xi32, #tpu.memory_space<vmem>> -> memref<128xi32, #tpu.memory_space<vmem>>
    %dma_wait3A_80 = arith.constant 0 : i32
    %dma_wait3A_81 = arith.constant 0 : i32
    %dma_wait3A_82 = tpu.memref_slice %arg2[%dma_wait3A_80, %dma_wait3A_81] : memref<81920x128xf32, #tpu.memory_space<hbm>> -> memref<81920x128xf32, #tpu.memory_space<hbm>>
    tpu.wait_indirect_dma semaphore(%arg10 : memref<!tpu.dma_semaphore, #tpu.memory_space<semaphore_mem>>) src(%dma_wait3A_82 : memref<81920x128xf32, #tpu.memory_space<hbm>>) dst(%dma_wait3A_76 : memref<128x128xf32, #tpu.memory_space<vmem>>)
    %mul3A_83 = arith.constant 1024 : i32
    %mul3A_84 = arith.muli %add3A, %mul3A_83 : i32
    %add3A_85 = arith.constant 0 : i32
    %add3A_86 = arith.addi %mul3A_84, %add3A_85 : i32
    "tpu.region"() ({
      %run_scoped3A = tpu.sem_alloc : memref<!tpu.dma_semaphore, #tpu.memory_space<semaphore_mem>>
      %dma_start3A_339 = arith.constant 0 : i32
      %dma_start3A_340 = tpu.memref_slice %arg5[%add3A_86, %dma_start3A_339] : memref<32768x128xf32, #tpu.memory_space<hbm>> -> memref<512x128xf32, #tpu.memory_space<hbm>>
      %dma_start3A_341 = arith.constant 0 : i32
      %dma_start3A_342 = tpu.memref_slice %arg5[%add3A_86, %dma_start3A_341] : memref<32768x128xf32, #tpu.memory_space<hbm>> -> memref<512x128xf32, #tpu.memory_space<hbm>>
      tpu.enqueue_dma source(%arg7 : memref<512x128xf32, #tpu.memory_space<vmem>>) target(%dma_start3A_342 : memref<512x128xf32, #tpu.memory_space<hbm>>) target_semaphore(%run_scoped3A : memref<!tpu.dma_semaphore, #tpu.memory_space<semaphore_mem>>)
      %dma_wait3A_343 = arith.constant 0 : i32
      %dma_wait3A_344 = tpu.memref_slice %arg5[%add3A_86, %dma_wait3A_343] : memref<32768x128xf32, #tpu.memory_space<hbm>> -> memref<512x128xf32, #tpu.memory_space<hbm>>
      %dma_wait3A_345 = arith.constant 0 : i32
      %dma_wait3A_346 = tpu.memref_slice %arg5[%add3A_86, %dma_wait3A_345] : memref<32768x128xf32, #tpu.memory_space<hbm>> -> memref<512x128xf32, #tpu.memory_space<hbm>>
      tpu.wait_dma2 semaphore(%run_scoped3A : memref<!tpu.dma_semaphore, #tpu.memory_space<semaphore_mem>>) src(%arg7 : memref<512x128xf32, #tpu.memory_space<vmem>>) dst(%dma_wait3A_346 : memref<512x128xf32, #tpu.memory_space<hbm>>)
      tpu.yield
    }) : () -> ()
    %dma_start3A_87 = arith.constant 4 : i32
    %dma_start3A_88 = arith.constant 0 : i32
    %dma_start3A_89 = arith.constant 0 : i32
    %dma_start3A_90 = tpu.memref_slice %arg7[%dma_start3A_88, %dma_start3A_89] : memref<512x128xf32, #tpu.memory_space<vmem>> -> memref<128x128xf32, #tpu.memory_space<vmem>>
    %dma_start3A_91 = arith.constant 0 : i32
    %dma_start3A_92 = tpu.memref_slice %arg8[%dma_start3A_87, %dma_start3A_91] : memref<8x128xi32, #tpu.memory_space<vmem>> -> memref<1x128xi32, #tpu.memory_space<vmem>>
    %dma_start3A_93 = tpu.memref_squeeze %dma_start3A_92 : memref<1x128xi32, #tpu.memory_space<vmem>> -> memref<128xi32, #tpu.memory_space<vmem>>
    %dma_start3A_94 = arith.constant 0 : i32
    %dma_start3A_95 = arith.constant 0 : i32
    %dma_start3A_96 = tpu.memref_slice %arg2[%dma_start3A_94, %dma_start3A_95] : memref<81920x128xf32, #tpu.memory_space<hbm>> -> memref<81920x128xf32, #tpu.memory_space<hbm>>
    tpu.enqueue_indirect_dma source(%dma_start3A_96 : memref<81920x128xf32, #tpu.memory_space<hbm>>) target(%dma_start3A_90 : memref<128x128xf32, #tpu.memory_space<vmem>>) offsets(%dma_start3A_93 : memref<128xi32, #tpu.memory_space<vmem>>) semaphore(%arg10 : memref<!tpu.dma_semaphore, #tpu.memory_space<semaphore_mem>>)
    %dma_start3A_97 = arith.constant 5 : i32
    %dma_start3A_98 = arith.constant 128 : i32
    %dma_start3A_99 = arith.constant 0 : i32
    %dma_start3A_100 = tpu.memref_slice %arg7[%dma_start3A_98, %dma_start3A_99] : memref<512x128xf32, #tpu.memory_space<vmem>> -> memref<128x128xf32, #tpu.memory_space<vmem>>
    %dma_start3A_101 = arith.constant 0 : i32
    %dma_start3A_102 = tpu.memref_slice %arg8[%dma_start3A_97, %dma_start3A_101] : memref<8x128xi32, #tpu.memory_space<vmem>> -> memref<1x128xi32, #tpu.memory_space<vmem>>
    %dma_start3A_103 = tpu.memref_squeeze %dma_start3A_102 : memref<1x128xi32, #tpu.memory_space<vmem>> -> memref<128xi32, #tpu.memory_space<vmem>>
    %dma_start3A_104 = arith.constant 0 : i32
    %dma_start3A_105 = arith.constant 0 : i32
    %dma_start3A_106 = tpu.memref_slice %arg2[%dma_start3A_104, %dma_start3A_105] : memref<81920x128xf32, #tpu.memory_space<hbm>> -> memref<81920x128xf32, #tpu.memory_space<hbm>>
    tpu.enqueue_indirect_dma source(%dma_start3A_106 : memref<81920x128xf32, #tpu.memory_space<hbm>>) target(%dma_start3A_100 : memref<128x128xf32, #tpu.memory_space<vmem>>) offsets(%dma_start3A_103 : memref<128xi32, #tpu.memory_space<vmem>>) semaphore(%arg10 : memref<!tpu.dma_semaphore, #tpu.memory_space<semaphore_mem>>)
    %dma_start3A_107 = arith.constant 6 : i32
    %dma_start3A_108 = arith.constant 256 : i32
    %dma_start3A_109 = arith.constant 0 : i32
    %dma_start3A_110 = tpu.memref_slice %arg7[%dma_start3A_108, %dma_start3A_109] : memref<512x128xf32, #tpu.memory_space<vmem>> -> memref<128x128xf32, #tpu.memory_space<vmem>>
    %dma_start3A_111 = arith.constant 0 : i32
    %dma_start3A_112 = tpu.memref_slice %arg8[%dma_start3A_107, %dma_start3A_111] : memref<8x128xi32, #tpu.memory_space<vmem>> -> memref<1x128xi32, #tpu.memory_space<vmem>>
    %dma_start3A_113 = tpu.memref_squeeze %dma_start3A_112 : memref<1x128xi32, #tpu.memory_space<vmem>> -> memref<128xi32, #tpu.memory_space<vmem>>
    %dma_start3A_114 = arith.constant 0 : i32
    %dma_start3A_115 = arith.constant 0 : i32
    %dma_start3A_116 = tpu.memref_slice %arg2[%dma_start3A_114, %dma_start3A_115] : memref<81920x128xf32, #tpu.memory_space<hbm>> -> memref<81920x128xf32, #tpu.memory_space<hbm>>
    tpu.enqueue_indirect_dma source(%dma_start3A_116 : memref<81920x128xf32, #tpu.memory_space<hbm>>) target(%dma_start3A_110 : memref<128x128xf32, #tpu.memory_space<vmem>>) offsets(%dma_start3A_113 : memref<128xi32, #tpu.memory_space<vmem>>) semaphore(%arg10 : memref<!tpu.dma_semaphore, #tpu.memory_space<semaphore_mem>>)
    %dma_start3A_117 = arith.constant 7 : i32
    %dma_start3A_118 = arith.constant 384 : i32
    %dma_start3A_119 = arith.constant 0 : i32
    %dma_start3A_120 = tpu.memref_slice %arg7[%dma_start3A_118, %dma_start3A_119] : memref<512x128xf32, #tpu.memory_space<vmem>> -> memref<128x128xf32, #tpu.memory_space<vmem>>
    %dma_start3A_121 = arith.constant 0 : i32
    %dma_start3A_122 = tpu.memref_slice %arg8[%dma_start3A_117, %dma_start3A_121] : memref<8x128xi32, #tpu.memory_space<vmem>> -> memref<1x128xi32, #tpu.memory_space<vmem>>
    %dma_start3A_123 = tpu.memref_squeeze %dma_start3A_122 : memref<1x128xi32, #tpu.memory_space<vmem>> -> memref<128xi32, #tpu.memory_space<vmem>>
    %dma_start3A_124 = arith.constant 0 : i32
    %dma_start3A_125 = arith.constant 0 : i32
    %dma_start3A_126 = tpu.memref_slice %arg2[%dma_start3A_124, %dma_start3A_125] : memref<81920x128xf32, #tpu.memory_space<hbm>> -> memref<81920x128xf32, #tpu.memory_space<hbm>>
    tpu.enqueue_indirect_dma source(%dma_start3A_126 : memref<81920x128xf32, #tpu.memory_space<hbm>>) target(%dma_start3A_120 : memref<128x128xf32, #tpu.memory_space<vmem>>) offsets(%dma_start3A_123 : memref<128xi32, #tpu.memory_space<vmem>>) semaphore(%arg10 : memref<!tpu.dma_semaphore, #tpu.memory_space<semaphore_mem>>)
    %dma_wait3A_127 = arith.constant 4 : i32
    %dma_wait3A_128 = arith.constant 0 : i32
    %dma_wait3A_129 = arith.constant 0 : i32
    %dma_wait3A_130 = tpu.memref_slice %arg7[%dma_wait3A_128, %dma_wait3A_129] : memref<512x128xf32, #tpu.memory_space<vmem>> -> memref<128x128xf32, #tpu.memory_space<vmem>>
    %dma_wait3A_131 = arith.constant 0 : i32
    %dma_wait3A_132 = tpu.memref_slice %arg8[%dma_wait3A_127, %dma_wait3A_131] : memref<8x128xi32, #tpu.memory_space<vmem>> -> memref<1x128xi32, #tpu.memory_space<vmem>>
    %dma_wait3A_133 = tpu.memref_squeeze %dma_wait3A_132 : memref<1x128xi32, #tpu.memory_space<vmem>> -> memref<128xi32, #tpu.memory_space<vmem>>
    %dma_wait3A_134 = arith.constant 0 : i32
    %dma_wait3A_135 = arith.constant 0 : i32
    %dma_wait3A_136 = tpu.memref_slice %arg2[%dma_wait3A_134, %dma_wait3A_135] : memref<81920x128xf32, #tpu.memory_space<hbm>> -> memref<81920x128xf32, #tpu.memory_space<hbm>>
    tpu.wait_indirect_dma semaphore(%arg10 : memref<!tpu.dma_semaphore, #tpu.memory_space<semaphore_mem>>) src(%dma_wait3A_136 : memref<81920x128xf32, #tpu.memory_space<hbm>>) dst(%dma_wait3A_130 : memref<128x128xf32, #tpu.memory_space<vmem>>)
    %dma_wait3A_137 = arith.constant 5 : i32
    %dma_wait3A_138 = arith.constant 128 : i32
    %dma_wait3A_139 = arith.constant 0 : i32
    %dma_wait3A_140 = tpu.memref_slice %arg7[%dma_wait3A_138, %dma_wait3A_139] : memref<512x128xf32, #tpu.memory_space<vmem>> -> memref<128x128xf32, #tpu.memory_space<vmem>>
    %dma_wait3A_141 = arith.constant 0 : i32
    %dma_wait3A_142 = tpu.memref_slice %arg8[%dma_wait3A_137, %dma_wait3A_141] : memref<8x128xi32, #tpu.memory_space<vmem>> -> memref<1x128xi32, #tpu.memory_space<vmem>>
    %dma_wait3A_143 = tpu.memref_squeeze %dma_wait3A_142 : memref<1x128xi32, #tpu.memory_space<vmem>> -> memref<128xi32, #tpu.memory_space<vmem>>
    %dma_wait3A_144 = arith.constant 0 : i32
    %dma_wait3A_145 = arith.constant 0 : i32
    %dma_wait3A_146 = tpu.memref_slice %arg2[%dma_wait3A_144, %dma_wait3A_145] : memref<81920x128xf32, #tpu.memory_space<hbm>> -> memref<81920x128xf32, #tpu.memory_space<hbm>>
    tpu.wait_indirect_dma semaphore(%arg10 : memref<!tpu.dma_semaphore, #tpu.memory_space<semaphore_mem>>) src(%dma_wait3A_146 : memref<81920x128xf32, #tpu.memory_space<hbm>>) dst(%dma_wait3A_140 : memref<128x128xf32, #tpu.memory_space<vmem>>)
    %dma_wait3A_147 = arith.constant 6 : i32
    %dma_wait3A_148 = arith.constant 256 : i32
    %dma_wait3A_149 = arith.constant 0 : i32
    %dma_wait3A_150 = tpu.memref_slice %arg7[%dma_wait3A_148, %dma_wait3A_149] : memref<512x128xf32, #tpu.memory_space<vmem>> -> memref<128x128xf32, #tpu.memory_space<vmem>>
    %dma_wait3A_151 = arith.constant 0 : i32
    %dma_wait3A_152 = tpu.memref_slice %arg8[%dma_wait3A_147, %dma_wait3A_151] : memref<8x128xi32, #tpu.memory_space<vmem>> -> memref<1x128xi32, #tpu.memory_space<vmem>>
    %dma_wait3A_153 = tpu.memref_squeeze %dma_wait3A_152 : memref<1x128xi32, #tpu.memory_space<vmem>> -> memref<128xi32, #tpu.memory_space<vmem>>
    %dma_wait3A_154 = arith.constant 0 : i32
    %dma_wait3A_155 = arith.constant 0 : i32
    %dma_wait3A_156 = tpu.memref_slice %arg2[%dma_wait3A_154, %dma_wait3A_155] : memref<81920x128xf32, #tpu.memory_space<hbm>> -> memref<81920x128xf32, #tpu.memory_space<hbm>>
    tpu.wait_indirect_dma semaphore(%arg10 : memref<!tpu.dma_semaphore, #tpu.memory_space<semaphore_mem>>) src(%dma_wait3A_156 : memref<81920x128xf32, #tpu.memory_space<hbm>>) dst(%dma_wait3A_150 : memref<128x128xf32, #tpu.memory_space<vmem>>)
    %dma_wait3A_157 = arith.constant 7 : i32
    %dma_wait3A_158 = arith.constant 384 : i32
    %dma_wait3A_159 = arith.constant 0 : i32
    %dma_wait3A_160 = tpu.memref_slice %arg7[%dma_wait3A_158, %dma_wait3A_159] : memref<512x128xf32, #tpu.memory_space<vmem>> -> memref<128x128xf32, #tpu.memory_space<vmem>>
    %dma_wait3A_161 = arith.constant 0 : i32
    %dma_wait3A_162 = tpu.memref_slice %arg8[%dma_wait3A_157, %dma_wait3A_161] : memref<8x128xi32, #tpu.memory_space<vmem>> -> memref<1x128xi32, #tpu.memory_space<vmem>>
    %dma_wait3A_163 = tpu.memref_squeeze %dma_wait3A_162 : memref<1x128xi32, #tpu.memory_space<vmem>> -> memref<128xi32, #tpu.memory_space<vmem>>
    %dma_wait3A_164 = arith.constant 0 : i32
    %dma_wait3A_165 = arith.constant 0 : i32
    %dma_wait3A_166 = tpu.memref_slice %arg2[%dma_wait3A_164, %dma_wait3A_165] : memref<81920x128xf32, #tpu.memory_space<hbm>> -> memref<81920x128xf32, #tpu.memory_space<hbm>>
    tpu.wait_indirect_dma semaphore(%arg10 : memref<!tpu.dma_semaphore, #tpu.memory_space<semaphore_mem>>) src(%dma_wait3A_166 : memref<81920x128xf32, #tpu.memory_space<hbm>>) dst(%dma_wait3A_160 : memref<128x128xf32, #tpu.memory_space<vmem>>)
    %mul3A_167 = arith.constant 1024 : i32
    %mul3A_168 = arith.muli %add3A, %mul3A_167 : i32
    %add3A_169 = arith.constant 512 : i32
    %add3A_170 = arith.addi %mul3A_168, %add3A_169 : i32
    "tpu.region"() ({
      %run_scoped3A = tpu.sem_alloc : memref<!tpu.dma_semaphore, #tpu.memory_space<semaphore_mem>>
      %dma_start3A_339 = arith.constant 0 : i32
      %dma_start3A_340 = tpu.memref_slice %arg5[%add3A_170, %dma_start3A_339] : memref<32768x128xf32, #tpu.memory_space<hbm>> -> memref<512x128xf32, #tpu.memory_space<hbm>>
      %dma_start3A_341 = arith.constant 0 : i32
      %dma_start3A_342 = tpu.memref_slice %arg5[%add3A_170, %dma_start3A_341] : memref<32768x128xf32, #tpu.memory_space<hbm>> -> memref<512x128xf32, #tpu.memory_space<hbm>>
      tpu.enqueue_dma source(%arg7 : memref<512x128xf32, #tpu.memory_space<vmem>>) target(%dma_start3A_342 : memref<512x128xf32, #tpu.memory_space<hbm>>) target_semaphore(%run_scoped3A : memref<!tpu.dma_semaphore, #tpu.memory_space<semaphore_mem>>)
      %dma_wait3A_343 = arith.constant 0 : i32
      %dma_wait3A_344 = tpu.memref_slice %arg5[%add3A_170, %dma_wait3A_343] : memref<32768x128xf32, #tpu.memory_space<hbm>> -> memref<512x128xf32, #tpu.memory_space<hbm>>
      %dma_wait3A_345 = arith.constant 0 : i32
      %dma_wait3A_346 = tpu.memref_slice %arg5[%add3A_170, %dma_wait3A_345] : memref<32768x128xf32, #tpu.memory_space<hbm>> -> memref<512x128xf32, #tpu.memory_space<hbm>>
      tpu.wait_dma2 semaphore(%run_scoped3A : memref<!tpu.dma_semaphore, #tpu.memory_space<semaphore_mem>>) src(%arg7 : memref<512x128xf32, #tpu.memory_space<vmem>>) dst(%dma_wait3A_346 : memref<512x128xf32, #tpu.memory_space<hbm>>)
      tpu.yield
    }) : () -> ()
    %dma_start3A_171 = arith.constant 0 : i32
    %dma_start3A_172 = arith.constant 0 : i32
    %dma_start3A_173 = arith.constant 0 : i32
    %dma_start3A_174 = tpu.memref_slice %arg7[%dma_start3A_172, %dma_start3A_173] : memref<512x128xf32, #tpu.memory_space<vmem>> -> memref<128x128xf32, #tpu.memory_space<vmem>>
    %dma_start3A_175 = arith.constant 0 : i32
    %dma_start3A_176 = tpu.memref_slice %arg9[%dma_start3A_171, %dma_start3A_175] : memref<8x128xi32, #tpu.memory_space<vmem>> -> memref<1x128xi32, #tpu.memory_space<vmem>>
    %dma_start3A_177 = tpu.memref_squeeze %dma_start3A_176 : memref<1x128xi32, #tpu.memory_space<vmem>> -> memref<128xi32, #tpu.memory_space<vmem>>
    %dma_start3A_178 = arith.constant 0 : i32
    %dma_start3A_179 = arith.constant 0 : i32
    %dma_start3A_180 = tpu.memref_slice %arg2[%dma_start3A_178, %dma_start3A_179] : memref<81920x128xf32, #tpu.memory_space<hbm>> -> memref<81920x128xf32, #tpu.memory_space<hbm>>
    tpu.enqueue_indirect_dma source(%dma_start3A_180 : memref<81920x128xf32, #tpu.memory_space<hbm>>) target(%dma_start3A_174 : memref<128x128xf32, #tpu.memory_space<vmem>>) offsets(%dma_start3A_177 : memref<128xi32, #tpu.memory_space<vmem>>) semaphore(%arg10 : memref<!tpu.dma_semaphore, #tpu.memory_space<semaphore_mem>>)
    %dma_start3A_181 = arith.constant 1 : i32
    %dma_start3A_182 = arith.constant 128 : i32
    %dma_start3A_183 = arith.constant 0 : i32
    %dma_start3A_184 = tpu.memref_slice %arg7[%dma_start3A_182, %dma_start3A_183] : memref<512x128xf32, #tpu.memory_space<vmem>> -> memref<128x128xf32, #tpu.memory_space<vmem>>
    %dma_start3A_185 = arith.constant 0 : i32
    %dma_start3A_186 = tpu.memref_slice %arg9[%dma_start3A_181, %dma_start3A_185] : memref<8x128xi32, #tpu.memory_space<vmem>> -> memref<1x128xi32, #tpu.memory_space<vmem>>
    %dma_start3A_187 = tpu.memref_squeeze %dma_start3A_186 : memref<1x128xi32, #tpu.memory_space<vmem>> -> memref<128xi32, #tpu.memory_space<vmem>>
    %dma_start3A_188 = arith.constant 0 : i32
    %dma_start3A_189 = arith.constant 0 : i32
    %dma_start3A_190 = tpu.memref_slice %arg2[%dma_start3A_188, %dma_start3A_189] : memref<81920x128xf32, #tpu.memory_space<hbm>> -> memref<81920x128xf32, #tpu.memory_space<hbm>>
    tpu.enqueue_indirect_dma source(%dma_start3A_190 : memref<81920x128xf32, #tpu.memory_space<hbm>>) target(%dma_start3A_184 : memref<128x128xf32, #tpu.memory_space<vmem>>) offsets(%dma_start3A_187 : memref<128xi32, #tpu.memory_space<vmem>>) semaphore(%arg10 : memref<!tpu.dma_semaphore, #tpu.memory_space<semaphore_mem>>)
    %dma_start3A_191 = arith.constant 2 : i32
    %dma_start3A_192 = arith.constant 256 : i32
    %dma_start3A_193 = arith.constant 0 : i32
    %dma_start3A_194 = tpu.memref_slice %arg7[%dma_start3A_192, %dma_start3A_193] : memref<512x128xf32, #tpu.memory_space<vmem>> -> memref<128x128xf32, #tpu.memory_space<vmem>>
    %dma_start3A_195 = arith.constant 0 : i32
    %dma_start3A_196 = tpu.memref_slice %arg9[%dma_start3A_191, %dma_start3A_195] : memref<8x128xi32, #tpu.memory_space<vmem>> -> memref<1x128xi32, #tpu.memory_space<vmem>>
    %dma_start3A_197 = tpu.memref_squeeze %dma_start3A_196 : memref<1x128xi32, #tpu.memory_space<vmem>> -> memref<128xi32, #tpu.memory_space<vmem>>
    %dma_start3A_198 = arith.constant 0 : i32
    %dma_start3A_199 = arith.constant 0 : i32
    %dma_start3A_200 = tpu.memref_slice %arg2[%dma_start3A_198, %dma_start3A_199] : memref<81920x128xf32, #tpu.memory_space<hbm>> -> memref<81920x128xf32, #tpu.memory_space<hbm>>
    tpu.enqueue_indirect_dma source(%dma_start3A_200 : memref<81920x128xf32, #tpu.memory_space<hbm>>) target(%dma_start3A_194 : memref<128x128xf32, #tpu.memory_space<vmem>>) offsets(%dma_start3A_197 : memref<128xi32, #tpu.memory_space<vmem>>) semaphore(%arg10 : memref<!tpu.dma_semaphore, #tpu.memory_space<semaphore_mem>>)
    %dma_start3A_201 = arith.constant 3 : i32
    %dma_start3A_202 = arith.constant 384 : i32
    %dma_start3A_203 = arith.constant 0 : i32
    %dma_start3A_204 = tpu.memref_slice %arg7[%dma_start3A_202, %dma_start3A_203] : memref<512x128xf32, #tpu.memory_space<vmem>> -> memref<128x128xf32, #tpu.memory_space<vmem>>
    %dma_start3A_205 = arith.constant 0 : i32
    %dma_start3A_206 = tpu.memref_slice %arg9[%dma_start3A_201, %dma_start3A_205] : memref<8x128xi32, #tpu.memory_space<vmem>> -> memref<1x128xi32, #tpu.memory_space<vmem>>
    %dma_start3A_207 = tpu.memref_squeeze %dma_start3A_206 : memref<1x128xi32, #tpu.memory_space<vmem>> -> memref<128xi32, #tpu.memory_space<vmem>>
    %dma_start3A_208 = arith.constant 0 : i32
    %dma_start3A_209 = arith.constant 0 : i32
    %dma_start3A_210 = tpu.memref_slice %arg2[%dma_start3A_208, %dma_start3A_209] : memref<81920x128xf32, #tpu.memory_space<hbm>> -> memref<81920x128xf32, #tpu.memory_space<hbm>>
    tpu.enqueue_indirect_dma source(%dma_start3A_210 : memref<81920x128xf32, #tpu.memory_space<hbm>>) target(%dma_start3A_204 : memref<128x128xf32, #tpu.memory_space<vmem>>) offsets(%dma_start3A_207 : memref<128xi32, #tpu.memory_space<vmem>>) semaphore(%arg10 : memref<!tpu.dma_semaphore, #tpu.memory_space<semaphore_mem>>)
    %dma_wait3A_211 = arith.constant 0 : i32
    %dma_wait3A_212 = arith.constant 0 : i32
    %dma_wait3A_213 = arith.constant 0 : i32
    %dma_wait3A_214 = tpu.memref_slice %arg7[%dma_wait3A_212, %dma_wait3A_213] : memref<512x128xf32, #tpu.memory_space<vmem>> -> memref<128x128xf32, #tpu.memory_space<vmem>>
    %dma_wait3A_215 = arith.constant 0 : i32
    %dma_wait3A_216 = tpu.memref_slice %arg9[%dma_wait3A_211, %dma_wait3A_215] : memref<8x128xi32, #tpu.memory_space<vmem>> -> memref<1x128xi32, #tpu.memory_space<vmem>>
    %dma_wait3A_217 = tpu.memref_squeeze %dma_wait3A_216 : memref<1x128xi32, #tpu.memory_space<vmem>> -> memref<128xi32, #tpu.memory_space<vmem>>
    %dma_wait3A_218 = arith.constant 0 : i32
    %dma_wait3A_219 = arith.constant 0 : i32
    %dma_wait3A_220 = tpu.memref_slice %arg2[%dma_wait3A_218, %dma_wait3A_219] : memref<81920x128xf32, #tpu.memory_space<hbm>> -> memref<81920x128xf32, #tpu.memory_space<hbm>>
    tpu.wait_indirect_dma semaphore(%arg10 : memref<!tpu.dma_semaphore, #tpu.memory_space<semaphore_mem>>) src(%dma_wait3A_220 : memref<81920x128xf32, #tpu.memory_space<hbm>>) dst(%dma_wait3A_214 : memref<128x128xf32, #tpu.memory_space<vmem>>)
    %dma_wait3A_221 = arith.constant 1 : i32
    %dma_wait3A_222 = arith.constant 128 : i32
    %dma_wait3A_223 = arith.constant 0 : i32
    %dma_wait3A_224 = tpu.memref_slice %arg7[%dma_wait3A_222, %dma_wait3A_223] : memref<512x128xf32, #tpu.memory_space<vmem>> -> memref<128x128xf32, #tpu.memory_space<vmem>>
    %dma_wait3A_225 = arith.constant 0 : i32
    %dma_wait3A_226 = tpu.memref_slice %arg9[%dma_wait3A_221, %dma_wait3A_225] : memref<8x128xi32, #tpu.memory_space<vmem>> -> memref<1x128xi32, #tpu.memory_space<vmem>>
    %dma_wait3A_227 = tpu.memref_squeeze %dma_wait3A_226 : memref<1x128xi32, #tpu.memory_space<vmem>> -> memref<128xi32, #tpu.memory_space<vmem>>
    %dma_wait3A_228 = arith.constant 0 : i32
    %dma_wait3A_229 = arith.constant 0 : i32
    %dma_wait3A_230 = tpu.memref_slice %arg2[%dma_wait3A_228, %dma_wait3A_229] : memref<81920x128xf32, #tpu.memory_space<hbm>> -> memref<81920x128xf32, #tpu.memory_space<hbm>>
    tpu.wait_indirect_dma semaphore(%arg10 : memref<!tpu.dma_semaphore, #tpu.memory_space<semaphore_mem>>) src(%dma_wait3A_230 : memref<81920x128xf32, #tpu.memory_space<hbm>>) dst(%dma_wait3A_224 : memref<128x128xf32, #tpu.memory_space<vmem>>)
    %dma_wait3A_231 = arith.constant 2 : i32
    %dma_wait3A_232 = arith.constant 256 : i32
    %dma_wait3A_233 = arith.constant 0 : i32
    %dma_wait3A_234 = tpu.memref_slice %arg7[%dma_wait3A_232, %dma_wait3A_233] : memref<512x128xf32, #tpu.memory_space<vmem>> -> memref<128x128xf32, #tpu.memory_space<vmem>>
    %dma_wait3A_235 = arith.constant 0 : i32
    %dma_wait3A_236 = tpu.memref_slice %arg9[%dma_wait3A_231, %dma_wait3A_235] : memref<8x128xi32, #tpu.memory_space<vmem>> -> memref<1x128xi32, #tpu.memory_space<vmem>>
    %dma_wait3A_237 = tpu.memref_squeeze %dma_wait3A_236 : memref<1x128xi32, #tpu.memory_space<vmem>> -> memref<128xi32, #tpu.memory_space<vmem>>
    %dma_wait3A_238 = arith.constant 0 : i32
    %dma_wait3A_239 = arith.constant 0 : i32
    %dma_wait3A_240 = tpu.memref_slice %arg2[%dma_wait3A_238, %dma_wait3A_239] : memref<81920x128xf32, #tpu.memory_space<hbm>> -> memref<81920x128xf32, #tpu.memory_space<hbm>>
    tpu.wait_indirect_dma semaphore(%arg10 : memref<!tpu.dma_semaphore, #tpu.memory_space<semaphore_mem>>) src(%dma_wait3A_240 : memref<81920x128xf32, #tpu.memory_space<hbm>>) dst(%dma_wait3A_234 : memref<128x128xf32, #tpu.memory_space<vmem>>)
    %dma_wait3A_241 = arith.constant 3 : i32
    %dma_wait3A_242 = arith.constant 384 : i32
    %dma_wait3A_243 = arith.constant 0 : i32
    %dma_wait3A_244 = tpu.memref_slice %arg7[%dma_wait3A_242, %dma_wait3A_243] : memref<512x128xf32, #tpu.memory_space<vmem>> -> memref<128x128xf32, #tpu.memory_space<vmem>>
    %dma_wait3A_245 = arith.constant 0 : i32
    %dma_wait3A_246 = tpu.memref_slice %arg9[%dma_wait3A_241, %dma_wait3A_245] : memref<8x128xi32, #tpu.memory_space<vmem>> -> memref<1x128xi32, #tpu.memory_space<vmem>>
    %dma_wait3A_247 = tpu.memref_squeeze %dma_wait3A_246 : memref<1x128xi32, #tpu.memory_space<vmem>> -> memref<128xi32, #tpu.memory_space<vmem>>
    %dma_wait3A_248 = arith.constant 0 : i32
    %dma_wait3A_249 = arith.constant 0 : i32
    %dma_wait3A_250 = tpu.memref_slice %arg2[%dma_wait3A_248, %dma_wait3A_249] : memref<81920x128xf32, #tpu.memory_space<hbm>> -> memref<81920x128xf32, #tpu.memory_space<hbm>>
    tpu.wait_indirect_dma semaphore(%arg10 : memref<!tpu.dma_semaphore, #tpu.memory_space<semaphore_mem>>) src(%dma_wait3A_250 : memref<81920x128xf32, #tpu.memory_space<hbm>>) dst(%dma_wait3A_244 : memref<128x128xf32, #tpu.memory_space<vmem>>)
    %mul3A_251 = arith.constant 1024 : i32
    %mul3A_252 = arith.muli %add3A, %mul3A_251 : i32
    %add3A_253 = arith.constant 0 : i32
    %add3A_254 = arith.addi %mul3A_252, %add3A_253 : i32
    "tpu.region"() ({
      %run_scoped3A = tpu.sem_alloc : memref<!tpu.dma_semaphore, #tpu.memory_space<semaphore_mem>>
      %dma_start3A_339 = arith.constant 0 : i32
      %dma_start3A_340 = tpu.memref_slice %arg6[%add3A_254, %dma_start3A_339] : memref<32768x128xf32, #tpu.memory_space<hbm>> -> memref<512x128xf32, #tpu.memory_space<hbm>>
      %dma_start3A_341 = arith.constant 0 : i32
      %dma_start3A_342 = tpu.memref_slice %arg6[%add3A_254, %dma_start3A_341] : memref<32768x128xf32, #tpu.memory_space<hbm>> -> memref<512x128xf32, #tpu.memory_space<hbm>>
      tpu.enqueue_dma source(%arg7 : memref<512x128xf32, #tpu.memory_space<vmem>>) target(%dma_start3A_342 : memref<512x128xf32, #tpu.memory_space<hbm>>) target_semaphore(%run_scoped3A : memref<!tpu.dma_semaphore, #tpu.memory_space<semaphore_mem>>)
      %dma_wait3A_343 = arith.constant 0 : i32
      %dma_wait3A_344 = tpu.memref_slice %arg6[%add3A_254, %dma_wait3A_343] : memref<32768x128xf32, #tpu.memory_space<hbm>> -> memref<512x128xf32, #tpu.memory_space<hbm>>
      %dma_wait3A_345 = arith.constant 0 : i32
      %dma_wait3A_346 = tpu.memref_slice %arg6[%add3A_254, %dma_wait3A_345] : memref<32768x128xf32, #tpu.memory_space<hbm>> -> memref<512x128xf32, #tpu.memory_space<hbm>>
      tpu.wait_dma2 semaphore(%run_scoped3A : memref<!tpu.dma_semaphore, #tpu.memory_space<semaphore_mem>>) src(%arg7 : memref<512x128xf32, #tpu.memory_space<vmem>>) dst(%dma_wait3A_346 : memref<512x128xf32, #tpu.memory_space<hbm>>)
      tpu.yield
    }) : () -> ()
    %dma_start3A_255 = arith.constant 4 : i32
    %dma_start3A_256 = arith.constant 0 : i32
    %dma_start3A_257 = arith.constant 0 : i32
    %dma_start3A_258 = tpu.memref_slice %arg7[%dma_start3A_256, %dma_start3A_257] : memref<512x128xf32, #tpu.memory_space<vmem>> -> memref<128x128xf32, #tpu.memory_space<vmem>>
    %dma_start3A_259 = arith.constant 0 : i32
    %dma_start3A_260 = tpu.memref_slice %arg9[%dma_start3A_255, %dma_start3A_259] : memref<8x128xi32, #tpu.memory_space<vmem>> -> memref<1x128xi32, #tpu.memory_space<vmem>>
    %dma_start3A_261 = tpu.memref_squeeze %dma_start3A_260 : memref<1x128xi32, #tpu.memory_space<vmem>> -> memref<128xi32, #tpu.memory_space<vmem>>
    %dma_start3A_262 = arith.constant 0 : i32
    %dma_start3A_263 = arith.constant 0 : i32
    %dma_start3A_264 = tpu.memref_slice %arg2[%dma_start3A_262, %dma_start3A_263] : memref<81920x128xf32, #tpu.memory_space<hbm>> -> memref<81920x128xf32, #tpu.memory_space<hbm>>
    tpu.enqueue_indirect_dma source(%dma_start3A_264 : memref<81920x128xf32, #tpu.memory_space<hbm>>) target(%dma_start3A_258 : memref<128x128xf32, #tpu.memory_space<vmem>>) offsets(%dma_start3A_261 : memref<128xi32, #tpu.memory_space<vmem>>) semaphore(%arg10 : memref<!tpu.dma_semaphore, #tpu.memory_space<semaphore_mem>>)
    %dma_start3A_265 = arith.constant 5 : i32
    %dma_start3A_266 = arith.constant 128 : i32
    %dma_start3A_267 = arith.constant 0 : i32
    %dma_start3A_268 = tpu.memref_slice %arg7[%dma_start3A_266, %dma_start3A_267] : memref<512x128xf32, #tpu.memory_space<vmem>> -> memref<128x128xf32, #tpu.memory_space<vmem>>
    %dma_start3A_269 = arith.constant 0 : i32
    %dma_start3A_270 = tpu.memref_slice %arg9[%dma_start3A_265, %dma_start3A_269] : memref<8x128xi32, #tpu.memory_space<vmem>> -> memref<1x128xi32, #tpu.memory_space<vmem>>
    %dma_start3A_271 = tpu.memref_squeeze %dma_start3A_270 : memref<1x128xi32, #tpu.memory_space<vmem>> -> memref<128xi32, #tpu.memory_space<vmem>>
    %dma_start3A_272 = arith.constant 0 : i32
    %dma_start3A_273 = arith.constant 0 : i32
    %dma_start3A_274 = tpu.memref_slice %arg2[%dma_start3A_272, %dma_start3A_273] : memref<81920x128xf32, #tpu.memory_space<hbm>> -> memref<81920x128xf32, #tpu.memory_space<hbm>>
    tpu.enqueue_indirect_dma source(%dma_start3A_274 : memref<81920x128xf32, #tpu.memory_space<hbm>>) target(%dma_start3A_268 : memref<128x128xf32, #tpu.memory_space<vmem>>) offsets(%dma_start3A_271 : memref<128xi32, #tpu.memory_space<vmem>>) semaphore(%arg10 : memref<!tpu.dma_semaphore, #tpu.memory_space<semaphore_mem>>)
    %dma_start3A_275 = arith.constant 6 : i32
    %dma_start3A_276 = arith.constant 256 : i32
    %dma_start3A_277 = arith.constant 0 : i32
    %dma_start3A_278 = tpu.memref_slice %arg7[%dma_start3A_276, %dma_start3A_277] : memref<512x128xf32, #tpu.memory_space<vmem>> -> memref<128x128xf32, #tpu.memory_space<vmem>>
    %dma_start3A_279 = arith.constant 0 : i32
    %dma_start3A_280 = tpu.memref_slice %arg9[%dma_start3A_275, %dma_start3A_279] : memref<8x128xi32, #tpu.memory_space<vmem>> -> memref<1x128xi32, #tpu.memory_space<vmem>>
    %dma_start3A_281 = tpu.memref_squeeze %dma_start3A_280 : memref<1x128xi32, #tpu.memory_space<vmem>> -> memref<128xi32, #tpu.memory_space<vmem>>
    %dma_start3A_282 = arith.constant 0 : i32
    %dma_start3A_283 = arith.constant 0 : i32
    %dma_start3A_284 = tpu.memref_slice %arg2[%dma_start3A_282, %dma_start3A_283] : memref<81920x128xf32, #tpu.memory_space<hbm>> -> memref<81920x128xf32, #tpu.memory_space<hbm>>
    tpu.enqueue_indirect_dma source(%dma_start3A_284 : memref<81920x128xf32, #tpu.memory_space<hbm>>) target(%dma_start3A_278 : memref<128x128xf32, #tpu.memory_space<vmem>>) offsets(%dma_start3A_281 : memref<128xi32, #tpu.memory_space<vmem>>) semaphore(%arg10 : memref<!tpu.dma_semaphore, #tpu.memory_space<semaphore_mem>>)
    %dma_start3A_285 = arith.constant 7 : i32
    %dma_start3A_286 = arith.constant 384 : i32
    %dma_start3A_287 = arith.constant 0 : i32
    %dma_start3A_288 = tpu.memref_slice %arg7[%dma_start3A_286, %dma_start3A_287] : memref<512x128xf32, #tpu.memory_space<vmem>> -> memref<128x128xf32, #tpu.memory_space<vmem>>
    %dma_start3A_289 = arith.constant 0 : i32
    %dma_start3A_290 = tpu.memref_slice %arg9[%dma_start3A_285, %dma_start3A_289] : memref<8x128xi32, #tpu.memory_space<vmem>> -> memref<1x128xi32, #tpu.memory_space<vmem>>
    %dma_start3A_291 = tpu.memref_squeeze %dma_start3A_290 : memref<1x128xi32, #tpu.memory_space<vmem>> -> memref<128xi32, #tpu.memory_space<vmem>>
    %dma_start3A_292 = arith.constant 0 : i32
    %dma_start3A_293 = arith.constant 0 : i32
    %dma_start3A_294 = tpu.memref_slice %arg2[%dma_start3A_292, %dma_start3A_293] : memref<81920x128xf32, #tpu.memory_space<hbm>> -> memref<81920x128xf32, #tpu.memory_space<hbm>>
    tpu.enqueue_indirect_dma source(%dma_start3A_294 : memref<81920x128xf32, #tpu.memory_space<hbm>>) target(%dma_start3A_288 : memref<128x128xf32, #tpu.memory_space<vmem>>) offsets(%dma_start3A_291 : memref<128xi32, #tpu.memory_space<vmem>>) semaphore(%arg10 : memref<!tpu.dma_semaphore, #tpu.memory_space<semaphore_mem>>)
    %dma_wait3A_295 = arith.constant 4 : i32
    %dma_wait3A_296 = arith.constant 0 : i32
    %dma_wait3A_297 = arith.constant 0 : i32
    %dma_wait3A_298 = tpu.memref_slice %arg7[%dma_wait3A_296, %dma_wait3A_297] : memref<512x128xf32, #tpu.memory_space<vmem>> -> memref<128x128xf32, #tpu.memory_space<vmem>>
    %dma_wait3A_299 = arith.constant 0 : i32
    %dma_wait3A_300 = tpu.memref_slice %arg9[%dma_wait3A_295, %dma_wait3A_299] : memref<8x128xi32, #tpu.memory_space<vmem>> -> memref<1x128xi32, #tpu.memory_space<vmem>>
    %dma_wait3A_301 = tpu.memref_squeeze %dma_wait3A_300 : memref<1x128xi32, #tpu.memory_space<vmem>> -> memref<128xi32, #tpu.memory_space<vmem>>
    %dma_wait3A_302 = arith.constant 0 : i32
    %dma_wait3A_303 = arith.constant 0 : i32
    %dma_wait3A_304 = tpu.memref_slice %arg2[%dma_wait3A_302, %dma_wait3A_303] : memref<81920x128xf32, #tpu.memory_space<hbm>> -> memref<81920x128xf32, #tpu.memory_space<hbm>>
    tpu.wait_indirect_dma semaphore(%arg10 : memref<!tpu.dma_semaphore, #tpu.memory_space<semaphore_mem>>) src(%dma_wait3A_304 : memref<81920x128xf32, #tpu.memory_space<hbm>>) dst(%dma_wait3A_298 : memref<128x128xf32, #tpu.memory_space<vmem>>)
    %dma_wait3A_305 = arith.constant 5 : i32
    %dma_wait3A_306 = arith.constant 128 : i32
    %dma_wait3A_307 = arith.constant 0 : i32
    %dma_wait3A_308 = tpu.memref_slice %arg7[%dma_wait3A_306, %dma_wait3A_307] : memref<512x128xf32, #tpu.memory_space<vmem>> -> memref<128x128xf32, #tpu.memory_space<vmem>>
    %dma_wait3A_309 = arith.constant 0 : i32
    %dma_wait3A_310 = tpu.memref_slice %arg9[%dma_wait3A_305, %dma_wait3A_309] : memref<8x128xi32, #tpu.memory_space<vmem>> -> memref<1x128xi32, #tpu.memory_space<vmem>>
    %dma_wait3A_311 = tpu.memref_squeeze %dma_wait3A_310 : memref<1x128xi32, #tpu.memory_space<vmem>> -> memref<128xi32, #tpu.memory_space<vmem>>
    %dma_wait3A_312 = arith.constant 0 : i32
    %dma_wait3A_313 = arith.constant 0 : i32
    %dma_wait3A_314 = tpu.memref_slice %arg2[%dma_wait3A_312, %dma_wait3A_313] : memref<81920x128xf32, #tpu.memory_space<hbm>> -> memref<81920x128xf32, #tpu.memory_space<hbm>>
    tpu.wait_indirect_dma semaphore(%arg10 : memref<!tpu.dma_semaphore, #tpu.memory_space<semaphore_mem>>) src(%dma_wait3A_314 : memref<81920x128xf32, #tpu.memory_space<hbm>>) dst(%dma_wait3A_308 : memref<128x128xf32, #tpu.memory_space<vmem>>)
    %dma_wait3A_315 = arith.constant 6 : i32
    %dma_wait3A_316 = arith.constant 256 : i32
    %dma_wait3A_317 = arith.constant 0 : i32
    %dma_wait3A_318 = tpu.memref_slice %arg7[%dma_wait3A_316, %dma_wait3A_317] : memref<512x128xf32, #tpu.memory_space<vmem>> -> memref<128x128xf32, #tpu.memory_space<vmem>>
    %dma_wait3A_319 = arith.constant 0 : i32
    %dma_wait3A_320 = tpu.memref_slice %arg9[%dma_wait3A_315, %dma_wait3A_319] : memref<8x128xi32, #tpu.memory_space<vmem>> -> memref<1x128xi32, #tpu.memory_space<vmem>>
    %dma_wait3A_321 = tpu.memref_squeeze %dma_wait3A_320 : memref<1x128xi32, #tpu.memory_space<vmem>> -> memref<128xi32, #tpu.memory_space<vmem>>
    %dma_wait3A_322 = arith.constant 0 : i32
    %dma_wait3A_323 = arith.constant 0 : i32
    %dma_wait3A_324 = tpu.memref_slice %arg2[%dma_wait3A_322, %dma_wait3A_323] : memref<81920x128xf32, #tpu.memory_space<hbm>> -> memref<81920x128xf32, #tpu.memory_space<hbm>>
    tpu.wait_indirect_dma semaphore(%arg10 : memref<!tpu.dma_semaphore, #tpu.memory_space<semaphore_mem>>) src(%dma_wait3A_324 : memref<81920x128xf32, #tpu.memory_space<hbm>>) dst(%dma_wait3A_318 : memref<128x128xf32, #tpu.memory_space<vmem>>)
    %dma_wait3A_325 = arith.constant 7 : i32
    %dma_wait3A_326 = arith.constant 384 : i32
    %dma_wait3A_327 = arith.constant 0 : i32
    %dma_wait3A_328 = tpu.memref_slice %arg7[%dma_wait3A_326, %dma_wait3A_327] : memref<512x128xf32, #tpu.memory_space<vmem>> -> memref<128x128xf32, #tpu.memory_space<vmem>>
    %dma_wait3A_329 = arith.constant 0 : i32
    %dma_wait3A_330 = tpu.memref_slice %arg9[%dma_wait3A_325, %dma_wait3A_329] : memref<8x128xi32, #tpu.memory_space<vmem>> -> memref<1x128xi32, #tpu.memory_space<vmem>>
    %dma_wait3A_331 = tpu.memref_squeeze %dma_wait3A_330 : memref<1x128xi32, #tpu.memory_space<vmem>> -> memref<128xi32, #tpu.memory_space<vmem>>
    %dma_wait3A_332 = arith.constant 0 : i32
    %dma_wait3A_333 = arith.constant 0 : i32
    %dma_wait3A_334 = tpu.memref_slice %arg2[%dma_wait3A_332, %dma_wait3A_333] : memref<81920x128xf32, #tpu.memory_space<hbm>> -> memref<81920x128xf32, #tpu.memory_space<hbm>>
    tpu.wait_indirect_dma semaphore(%arg10 : memref<!tpu.dma_semaphore, #tpu.memory_space<semaphore_mem>>) src(%dma_wait3A_334 : memref<81920x128xf32, #tpu.memory_space<hbm>>) dst(%dma_wait3A_328 : memref<128x128xf32, #tpu.memory_space<vmem>>)
    %mul3A_335 = arith.constant 1024 : i32
    %mul3A_336 = arith.muli %add3A, %mul3A_335 : i32
    %add3A_337 = arith.constant 512 : i32
    %add3A_338 = arith.addi %mul3A_336, %add3A_337 : i32
    "tpu.region"() ({
      %run_scoped3A = tpu.sem_alloc : memref<!tpu.dma_semaphore, #tpu.memory_space<semaphore_mem>>
      %dma_start3A_339 = arith.constant 0 : i32
      %dma_start3A_340 = tpu.memref_slice %arg6[%add3A_338, %dma_start3A_339] : memref<32768x128xf32, #tpu.memory_space<hbm>> -> memref<512x128xf32, #tpu.memory_space<hbm>>
      %dma_start3A_341 = arith.constant 0 : i32
      %dma_start3A_342 = tpu.memref_slice %arg6[%add3A_338, %dma_start3A_341] : memref<32768x128xf32, #tpu.memory_space<hbm>> -> memref<512x128xf32, #tpu.memory_space<hbm>>
      tpu.enqueue_dma source(%arg7 : memref<512x128xf32, #tpu.memory_space<vmem>>) target(%dma_start3A_342 : memref<512x128xf32, #tpu.memory_space<hbm>>) target_semaphore(%run_scoped3A : memref<!tpu.dma_semaphore, #tpu.memory_space<semaphore_mem>>)
      %dma_wait3A_343 = arith.constant 0 : i32
      %dma_wait3A_344 = tpu.memref_slice %arg6[%add3A_338, %dma_wait3A_343] : memref<32768x128xf32, #tpu.memory_space<hbm>> -> memref<512x128xf32, #tpu.memory_space<hbm>>
      %dma_wait3A_345 = arith.constant 0 : i32
      %dma_wait3A_346 = tpu.memref_slice %arg6[%add3A_338, %dma_wait3A_345] : memref<32768x128xf32, #tpu.memory_space<hbm>> -> memref<512x128xf32, #tpu.memory_space<hbm>>
      tpu.wait_dma2 semaphore(%run_scoped3A : memref<!tpu.dma_semaphore, #tpu.memory_space<semaphore_mem>>) src(%arg7 : memref<512x128xf32, #tpu.memory_space<vmem>>) dst(%dma_wait3A_346 : memref<512x128xf32, #tpu.memory_space<hbm>>)
      tpu.yield
    }) : () -> ()
    return
  }
}

module attributes {stable_mosaic.version = 14 : i64} {
  func.func @_router_body(%arg0: i32, %arg1: memref<1024x64xf32, #tpu.memory_space<vmem>>, %arg2: memref<64x8xf32, #tpu.memory_space<vmem>>, %arg3: memref<1024x128xf32, #tpu.memory_space<vmem>>, %arg4: memref<1024x1xi32, #tpu.memory_space<vmem>>, %arg5: memref<1024x1xi32, #tpu.memory_space<vmem>>, %arg6: memref<1024x1xf32, #tpu.memory_space<vmem>>, %arg7: memref<1024x1xf32, #tpu.memory_space<vmem>>, %arg8: memref<1024x1xi32, #tpu.memory_space<vmem>>, %arg9: memref<1024x1xi32, #tpu.memory_space<vmem>>, %arg10: memref<1x1x8xi32, #tpu.memory_space<vmem>>) attributes {dimension_semantics = [#tpu.dimension_semantics<arbitrary>], iteration_bounds = array<i64: 32>, scalar_prefetch = 0 : i64, scratch_operands = 0 : i64, tpu.core_type = #tpu.core_type<tc>, window_params = [{transform_indices = @transform_0, window_bounds = array<i64: 1024, 64>}, {pipeline_mode = #tpu.pipeline_mode<synchronous>, transform_indices = @transform_1, window_bounds = array<i64: 64, 8>}, {transform_indices = @transform_2, window_bounds = array<i64: 1024, 128>}, {transform_indices = @transform_3, window_bounds = array<i64: 1024, 1>}, {transform_indices = @transform_4, window_bounds = array<i64: 1024, 1>}, {transform_indices = @transform_5, window_bounds = array<i64: 1024, 1>}, {transform_indices = @transform_6, window_bounds = array<i64: 1024, 1>}, {transform_indices = @transform_7, window_bounds = array<i64: 1024, 1>}, {transform_indices = @transform_8, window_bounds = array<i64: 1024, 1>}, {transform_indices = @transform_9, window_bounds = array<i64: 1, 1, 8>}]} {
    %get3A = arith.constant 0 : index
    %get3A_0 = arith.constant 0 : index
    %get3A_1 = vector.load %arg1[%get3A, %get3A_0] : memref<1024x64xf32, #tpu.memory_space<vmem>>, vector<1024x64xf32>
    %broadcast_in_dim3A = arith.constant 0.000000e+00 : f32
    %broadcast_in_dim3A_2 = vector.broadcast %broadcast_in_dim3A : f32 to vector<1024x64xf32>
    %concatenate3A = tpu.concatenate %get3A_1, %broadcast_in_dim3A_2 in 1 : vector<1024x64xf32>, vector<1024x64xf32> -> vector<1024x128xf32>
    %swap3A = arith.constant 0 : index
    %swap3A_3 = arith.constant 0 : index
    %swap3A_4 = vector.load %arg3[%swap3A, %swap3A_3] : memref<1024x128xf32, #tpu.memory_space<vmem>>, vector<1024x128xf32>
    tpu.vector_store %arg3[%swap3A, %swap3A_3], %concatenate3A {strides = array<i32>} : memref<1024x128xf32, #tpu.memory_space<vmem>>, vector<1024x128xf32>,
    %get3A_5 = arith.constant 0 : index
    %get3A_6 = arith.constant 0 : index
    %get3A_7 = vector.load %arg2[%get3A_5, %get3A_6] : memref<64x8xf32, #tpu.memory_space<vmem>>, vector<64x8xf32>
    %dot_general3A = arith.constant dense<0.000000e+00> : vector<1024x8xf32>
    %dot_general3A_8 = tpu.matmul %get3A_1, %get3A_7, %dot_general3A {dimension_numbers = #tpu.dot_dimension_numbers<[1], [0], [0], [1], [0, 0, 1, 1], [], []>, transpose_lhs_hint = false} : vector<1024x64xf32>, vector<64x8xf32>, vector<1024x8xf32> -> vector<1024x8xf32>
    %iota3A = tpu.iota {dimensions = array<i32: 1>} : vector<1024x8xi32>
    %reduce_max3A = arith.constant dense<0xFF800000> : vector<1024xf32>
    %reduce_max3A_9 = vector.multi_reduction <maximumf>, %dot_general3A_8, %reduce_max3A [1] : vector<1024x8xf32> to vector<1024xf32>
    %broadcast_in_dim3A_10 = vector.shape_cast %reduce_max3A_9 : vector<1024xf32> to vector<1024x1xf32>
    %eq3A = vector.broadcast %broadcast_in_dim3A_10 : vector<1024x1xf32> to vector<1024x8xf32>
    %eq3A_11 = arith.cmpf oeq, %dot_general3A_8, %eq3A : vector<1024x8xf32>
    %jit3A = arith.constant 8 : i32
    %broadcast_in_dim3A_12 = vector.broadcast %jit3A : i32 to vector<1024x8xi32>
    %select_n3A = arith.select %eq3A_11, %iota3A, %broadcast_in_dim3A_12 : vector<1024x8xi1>, vector<1024x8xi32>
    %reduce_min3A = arith.constant dense<2147483647> : vector<1024xi32>
    %reduce_min3A_13 = vector.multi_reduction <minsi>, %select_n3A, %reduce_min3A [1] : vector<1024x8xi32> to vector<1024xi32>
    %broadcast_in_dim3A_14 = vector.shape_cast %reduce_min3A_13 : vector<1024xi32> to vector<1024x1xi32>
    %eq3A_15 = vector.broadcast %broadcast_in_dim3A_14 : vector<1024x1xi32> to vector<1024x8xi32>
    %eq3A_16 = arith.cmpi eq, %iota3A, %eq3A_15 : vector<1024x8xi32>
    %jit3A_17 = arith.constant 0xFF800000 : f32
    %broadcast_in_dim3A_18 = vector.broadcast %jit3A_17 : f32 to vector<1024x8xf32>
    %select_n3A_19 = arith.select %eq3A_16, %broadcast_in_dim3A_18, %dot_general3A_8 : vector<1024x8xi1>, vector<1024x8xf32>
    %reduce_max3A_20 = arith.constant dense<0xFF800000> : vector<1024xf32>
    %reduce_max3A_21 = vector.multi_reduction <maximumf>, %select_n3A_19, %reduce_max3A_20 [1] : vector<1024x8xf32> to vector<1024xf32>
    %broadcast_in_dim3A_22 = vector.shape_cast %reduce_max3A_21 : vector<1024xf32> to vector<1024x1xf32>
    %eq3A_23 = vector.broadcast %broadcast_in_dim3A_22 : vector<1024x1xf32> to vector<1024x8xf32>
    %eq3A_24 = arith.cmpf oeq, %select_n3A_19, %eq3A_23 : vector<1024x8xf32>
    %jit3A_25 = arith.constant 8 : i32
    %broadcast_in_dim3A_26 = vector.broadcast %jit3A_25 : i32 to vector<1024x8xi32>
    %select_n3A_27 = arith.select %eq3A_24, %iota3A, %broadcast_in_dim3A_26 : vector<1024x8xi1>, vector<1024x8xi32>
    %reduce_min3A_28 = arith.constant dense<2147483647> : vector<1024xi32>
    %reduce_min3A_29 = vector.multi_reduction <minsi>, %select_n3A_27, %reduce_min3A_28 [1] : vector<1024x8xi32> to vector<1024xi32>
    %broadcast_in_dim3A_30 = vector.shape_cast %reduce_min3A_29 : vector<1024xi32> to vector<1024x1xi32>
    %sub3A = arith.subf %broadcast_in_dim3A_10, %broadcast_in_dim3A_22 : vector<1024x1xf32>
    %exp3A = math.exp %sub3A : vector<1024x1xf32>
    %add3A = arith.constant 1.000000e+00 : f32
    %add3A_31 = vector.broadcast %add3A : f32 to vector<1024x1xf32>
    %add3A_32 = arith.addf %add3A_31, %exp3A : vector<1024x1xf32>
    %div3A = arith.constant 1.000000e+00 : f32
    %div3A_33 = vector.broadcast %div3A : f32 to vector<1024x1xf32>
    %div3A_34 = arith.divf %div3A_33, %add3A_32 : vector<1024x1xf32>
    %sub3A_35 = arith.constant 1.000000e+00 : f32
    %sub3A_36 = vector.broadcast %sub3A_35 : f32 to vector<1024x1xf32>
    %sub3A_37 = arith.subf %sub3A_36, %div3A_34 : vector<1024x1xf32>
    %eq3A_38 = vector.broadcast %broadcast_in_dim3A_14 : vector<1024x1xi32> to vector<1024x8xi32>
    %eq3A_39 = arith.cmpi eq, %iota3A, %eq3A_38 : vector<1024x8xi32>
    %eq3A_40 = vector.broadcast %broadcast_in_dim3A_30 : vector<1024x1xi32> to vector<1024x8xi32>
    %eq3A_41 = arith.cmpi eq, %iota3A, %eq3A_40 : vector<1024x8xi32>
    %or3A = arith.ori %eq3A_39, %eq3A_41 : vector<1024x8xi1>
    %convert_element_type3A = arith.extui %or3A : vector<1024x8xi1> to vector<1024x8xi32>
    %convert_element_type3A_42 = arith.sitofp %convert_element_type3A : vector<1024x8xi32> to vector<1024x8xf32>
    %broadcast_in_dim3A_43 = arith.constant 0.000000e+00 : f32
    %broadcast_in_dim3A_44 = vector.broadcast %broadcast_in_dim3A_43 : f32 to vector<1x8xf32>
    %slice3A = vector.extract_strided_slice %convert_element_type3A_42 {offsets = [0, 0], sizes = [1023, 8], strides = [1, 1]} : vector<1024x8xf32> to vector<1023x8xf32>
    %concatenate3A_45 = tpu.concatenate %broadcast_in_dim3A_44, %slice3A in 0 : vector<1x8xf32>, vector<1023x8xf32> -> vector<1024x8xf32>
    %add3A_46 = arith.addf %convert_element_type3A_42, %concatenate3A_45 : vector<1024x8xf32>
    %broadcast_in_dim3A_47 = arith.constant 0.000000e+00 : f32
    %broadcast_in_dim3A_48 = vector.broadcast %broadcast_in_dim3A_47 : f32 to vector<2x8xf32>
    %slice3A_49 = vector.extract_strided_slice %add3A_46 {offsets = [0, 0], sizes = [1022, 8], strides = [1, 1]} : vector<1024x8xf32> to vector<1022x8xf32>
    %concatenate3A_50 = tpu.concatenate %broadcast_in_dim3A_48, %slice3A_49 in 0 : vector<2x8xf32>, vector<1022x8xf32> -> vector<1024x8xf32>
    %add3A_51 = arith.addf %add3A_46, %concatenate3A_50 : vector<1024x8xf32>
    %broadcast_in_dim3A_52 = arith.constant 0.000000e+00 : f32
    %broadcast_in_dim3A_53 = vector.broadcast %broadcast_in_dim3A_52 : f32 to vector<4x8xf32>
    %slice3A_54 = vector.extract_strided_slice %add3A_51 {offsets = [0, 0], sizes = [1020, 8], strides = [1, 1]} : vector<1024x8xf32> to vector<1020x8xf32>
    %concatenate3A_55 = tpu.concatenate %broadcast_in_dim3A_53, %slice3A_54 in 0 : vector<4x8xf32>, vector<1020x8xf32> -> vector<1024x8xf32>
    %add3A_56 = arith.addf %add3A_51, %concatenate3A_55 : vector<1024x8xf32>
    %broadcast_in_dim3A_57 = arith.constant 0.000000e+00 : f32
    %broadcast_in_dim3A_58 = vector.broadcast %broadcast_in_dim3A_57 : f32 to vector<8x8xf32>
    %slice3A_59 = vector.extract_strided_slice %add3A_56 {offsets = [0, 0], sizes = [1016, 8], strides = [1, 1]} : vector<1024x8xf32> to vector<1016x8xf32>
    %concatenate3A_60 = tpu.concatenate %broadcast_in_dim3A_58, %slice3A_59 in 0 : vector<8x8xf32>, vector<1016x8xf32> -> vector<1024x8xf32>
    %add3A_61 = arith.addf %add3A_56, %concatenate3A_60 : vector<1024x8xf32>
    %broadcast_in_dim3A_62 = arith.constant 0.000000e+00 : f32
    %broadcast_in_dim3A_63 = vector.broadcast %broadcast_in_dim3A_62 : f32 to vector<16x8xf32>
    %slice3A_64 = vector.extract_strided_slice %add3A_61 {offsets = [0, 0], sizes = [1008, 8], strides = [1, 1]} : vector<1024x8xf32> to vector<1008x8xf32>
    %concatenate3A_65 = tpu.concatenate %broadcast_in_dim3A_63, %slice3A_64 in 0 : vector<16x8xf32>, vector<1008x8xf32> -> vector<1024x8xf32>
    %add3A_66 = arith.addf %add3A_61, %concatenate3A_65 : vector<1024x8xf32>
    %broadcast_in_dim3A_67 = arith.constant 0.000000e+00 : f32
    %broadcast_in_dim3A_68 = vector.broadcast %broadcast_in_dim3A_67 : f32 to vector<32x8xf32>
    %slice3A_69 = vector.extract_strided_slice %add3A_66 {offsets = [0, 0], sizes = [992, 8], strides = [1, 1]} : vector<1024x8xf32> to vector<992x8xf32>
    %concatenate3A_70 = tpu.concatenate %broadcast_in_dim3A_68, %slice3A_69 in 0 : vector<32x8xf32>, vector<992x8xf32> -> vector<1024x8xf32>
    %add3A_71 = arith.addf %add3A_66, %concatenate3A_70 : vector<1024x8xf32>
    %broadcast_in_dim3A_72 = arith.constant 0.000000e+00 : f32
    %broadcast_in_dim3A_73 = vector.broadcast %broadcast_in_dim3A_72 : f32 to vector<64x8xf32>
    %slice3A_74 = vector.extract_strided_slice %add3A_71 {offsets = [0, 0], sizes = [960, 8], strides = [1, 1]} : vector<1024x8xf32> to vector<960x8xf32>
    %concatenate3A_75 = tpu.concatenate %broadcast_in_dim3A_73, %slice3A_74 in 0 : vector<64x8xf32>, vector<960x8xf32> -> vector<1024x8xf32>
    %add3A_76 = arith.addf %add3A_71, %concatenate3A_75 : vector<1024x8xf32>
    %broadcast_in_dim3A_77 = arith.constant 0.000000e+00 : f32
    %broadcast_in_dim3A_78 = vector.broadcast %broadcast_in_dim3A_77 : f32 to vector<128x8xf32>
    %slice3A_79 = vector.extract_strided_slice %add3A_76 {offsets = [0, 0], sizes = [896, 8], strides = [1, 1]} : vector<1024x8xf32> to vector<896x8xf32>
    %concatenate3A_80 = tpu.concatenate %broadcast_in_dim3A_78, %slice3A_79 in 0 : vector<128x8xf32>, vector<896x8xf32> -> vector<1024x8xf32>
    %add3A_81 = arith.addf %add3A_76, %concatenate3A_80 : vector<1024x8xf32>
    %broadcast_in_dim3A_82 = arith.constant 0.000000e+00 : f32
    %broadcast_in_dim3A_83 = vector.broadcast %broadcast_in_dim3A_82 : f32 to vector<256x8xf32>
    %slice3A_84 = vector.extract_strided_slice %add3A_81 {offsets = [0, 0], sizes = [768, 8], strides = [1, 1]} : vector<1024x8xf32> to vector<768x8xf32>
    %concatenate3A_85 = tpu.concatenate %broadcast_in_dim3A_83, %slice3A_84 in 0 : vector<256x8xf32>, vector<768x8xf32> -> vector<1024x8xf32>
    %add3A_86 = arith.addf %add3A_81, %concatenate3A_85 : vector<1024x8xf32>
    %broadcast_in_dim3A_87 = arith.constant 0.000000e+00 : f32
    %broadcast_in_dim3A_88 = vector.broadcast %broadcast_in_dim3A_87 : f32 to vector<512x8xf32>
    %slice3A_89 = vector.extract_strided_slice %add3A_86 {offsets = [0, 0], sizes = [512, 8], strides = [1, 1]} : vector<1024x8xf32> to vector<512x8xf32>
    %concatenate3A_90 = tpu.concatenate %broadcast_in_dim3A_88, %slice3A_89 in 0 : vector<512x8xf32>, vector<512x8xf32> -> vector<1024x8xf32>
    %add3A_91 = arith.addf %add3A_86, %concatenate3A_90 : vector<1024x8xf32>
    %sub3A_92 = arith.subf %add3A_91, %convert_element_type3A_42 : vector<1024x8xf32>
    %jit3A_93 = arith.constant 0.000000e+00 : f32
    %broadcast_in_dim3A_94 = vector.broadcast %jit3A_93 : f32 to vector<1024x8xf32>
    %select_n3A_95 = arith.select %eq3A_39, %sub3A_92, %broadcast_in_dim3A_94 : vector<1024x8xi1>, vector<1024x8xf32>
    %reduce_sum3A = arith.constant dense<0.000000e+00> : vector<1024xf32>
    %reduce_sum3A_96 = vector.multi_reduction <add>, %select_n3A_95, %reduce_sum3A [1] : vector<1024x8xf32> to vector<1024xf32>
    %broadcast_in_dim3A_97 = vector.shape_cast %reduce_sum3A_96 : vector<1024xf32> to vector<1024x1xf32>
    %jit3A_98 = arith.constant 0.000000e+00 : f32
    %broadcast_in_dim3A_99 = vector.broadcast %jit3A_98 : f32 to vector<1024x8xf32>
    %select_n3A_100 = arith.select %eq3A_41, %sub3A_92, %broadcast_in_dim3A_99 : vector<1024x8xi1>, vector<1024x8xf32>
    %reduce_sum3A_101 = arith.constant dense<0.000000e+00> : vector<1024xf32>
    %reduce_sum3A_102 = vector.multi_reduction <add>, %select_n3A_100, %reduce_sum3A_101 [1] : vector<1024x8xf32> to vector<1024xf32>
    %broadcast_in_dim3A_103 = vector.shape_cast %reduce_sum3A_102 : vector<1024xf32> to vector<1024x1xf32>
    %swap3A_104 = arith.constant 0 : index
    %swap3A_105 = arith.constant 0 : index
    %swap3A_106 = vector.load %arg4[%swap3A_104, %swap3A_105] : memref<1024x1xi32, #tpu.memory_space<vmem>>, vector<1024x1xi32>
    tpu.vector_store %arg4[%swap3A_104, %swap3A_105], %broadcast_in_dim3A_14 {strides = array<i32>} : memref<1024x1xi32, #tpu.memory_space<vmem>>, vector<1024x1xi32>,
    %swap3A_107 = arith.constant 0 : index
    %swap3A_108 = arith.constant 0 : index
    %swap3A_109 = vector.load %arg5[%swap3A_107, %swap3A_108] : memref<1024x1xi32, #tpu.memory_space<vmem>>, vector<1024x1xi32>
    tpu.vector_store %arg5[%swap3A_107, %swap3A_108], %broadcast_in_dim3A_30 {strides = array<i32>} : memref<1024x1xi32, #tpu.memory_space<vmem>>, vector<1024x1xi32>,
    %swap3A_110 = arith.constant 0 : index
    %swap3A_111 = arith.constant 0 : index
    %swap3A_112 = vector.load %arg6[%swap3A_110, %swap3A_111] : memref<1024x1xf32, #tpu.memory_space<vmem>>, vector<1024x1xf32>
    tpu.vector_store %arg6[%swap3A_110, %swap3A_111], %sub3A_37 {strides = array<i32>} : memref<1024x1xf32, #tpu.memory_space<vmem>>, vector<1024x1xf32>,
    %swap3A_113 = arith.constant 0 : index
    %swap3A_114 = arith.constant 0 : index
    %swap3A_115 = vector.load %arg7[%swap3A_113, %swap3A_114] : memref<1024x1xf32, #tpu.memory_space<vmem>>, vector<1024x1xf32>
    tpu.vector_store %arg7[%swap3A_113, %swap3A_114], %div3A_34 {strides = array<i32>} : memref<1024x1xf32, #tpu.memory_space<vmem>>, vector<1024x1xf32>,
    %convert_element_type3A_116 = arith.fptosi %broadcast_in_dim3A_97 : vector<1024x1xf32> to vector<1024x1xi32>
    %swap3A_117 = arith.constant 0 : index
    %swap3A_118 = arith.constant 0 : index
    %swap3A_119 = vector.load %arg8[%swap3A_117, %swap3A_118] : memref<1024x1xi32, #tpu.memory_space<vmem>>, vector<1024x1xi32>
    tpu.vector_store %arg8[%swap3A_117, %swap3A_118], %convert_element_type3A_116 {strides = array<i32>} : memref<1024x1xi32, #tpu.memory_space<vmem>>, vector<1024x1xi32>,
    %convert_element_type3A_120 = arith.fptosi %broadcast_in_dim3A_103 : vector<1024x1xf32> to vector<1024x1xi32>
    %swap3A_121 = arith.constant 0 : index
    %swap3A_122 = arith.constant 0 : index
    %swap3A_123 = vector.load %arg9[%swap3A_121, %swap3A_122] : memref<1024x1xi32, #tpu.memory_space<vmem>>, vector<1024x1xi32>
    tpu.vector_store %arg9[%swap3A_121, %swap3A_122], %convert_element_type3A_120 {strides = array<i32>} : memref<1024x1xi32, #tpu.memory_space<vmem>>, vector<1024x1xi32>,
    %reduce_sum3A_124 = arith.constant dense<0.000000e+00> : vector<8xf32>
    %reduce_sum3A_125 = vector.multi_reduction <add>, %convert_element_type3A_42, %reduce_sum3A_124 [0] : vector<1024x8xf32> to vector<8xf32>
    %convert_element_type3A_126 = arith.fptosi %reduce_sum3A_125 : vector<8xf32> to vector<8xi32>
    %broadcast_in_dim3A_127 = vector.shape_cast %convert_element_type3A_126 : vector<8xi32> to vector<1x1x8xi32>
    %swap3A_128 = arith.constant 0 : index
    %swap3A_129 = arith.constant 0 : index
    %swap3A_130 = arith.constant 0 : index
    %swap3A_131 = vector.load %arg10[%swap3A_128, %swap3A_129, %swap3A_130] : memref<1x1x8xi32, #tpu.memory_space<vmem>>, vector<1x1x8xi32>
    tpu.vector_store %arg10[%swap3A_128, %swap3A_129, %swap3A_130], %broadcast_in_dim3A_127 {strides = array<i32>} : memref<1x1x8xi32, #tpu.memory_space<vmem>>, vector<1x1x8xi32>,
    return
  }
  func.func @transform_0(%arg0: i32) -> (i32, i32) {
    %c0_i32 = arith.constant 0 : i32
    %c0_i32_0 = arith.constant 0 : i32
    return %arg0, %c0_i32 : i32, i32
  }
  func.func @transform_1(%arg0: i32) -> (i32, i32) {
    %c0_i32 = arith.constant 0 : i32
    %c0_i32_0 = arith.constant 0 : i32
    %c0_i32_1 = arith.constant 0 : i32
    return %c0_i32, %c0_i32_0 : i32, i32
  }
  func.func @transform_2(%arg0: i32) -> (i32, i32) {
    %c0_i32 = arith.constant 0 : i32
    %c0_i32_0 = arith.constant 0 : i32
    return %arg0, %c0_i32 : i32, i32
  }
  func.func @transform_3(%arg0: i32) -> (i32, i32) {
    %c0_i32 = arith.constant 0 : i32
    %c0_i32_0 = arith.constant 0 : i32
    return %arg0, %c0_i32 : i32, i32
  }
  func.func @transform_4(%arg0: i32) -> (i32, i32) {
    %c0_i32 = arith.constant 0 : i32
    %c0_i32_0 = arith.constant 0 : i32
    return %arg0, %c0_i32 : i32, i32
  }
  func.func @transform_5(%arg0: i32) -> (i32, i32) {
    %c0_i32 = arith.constant 0 : i32
    %c0_i32_0 = arith.constant 0 : i32
    return %arg0, %c0_i32 : i32, i32
  }
  func.func @transform_6(%arg0: i32) -> (i32, i32) {
    %c0_i32 = arith.constant 0 : i32
    %c0_i32_0 = arith.constant 0 : i32
    return %arg0, %c0_i32 : i32, i32
  }
  func.func @transform_7(%arg0: i32) -> (i32, i32) {
    %c0_i32 = arith.constant 0 : i32
    %c0_i32_0 = arith.constant 0 : i32
    return %arg0, %c0_i32 : i32, i32
  }
  func.func @transform_8(%arg0: i32) -> (i32, i32) {
    %c0_i32 = arith.constant 0 : i32
    %c0_i32_0 = arith.constant 0 : i32
    return %arg0, %c0_i32 : i32, i32
  }
  func.func @transform_9(%arg0: i32) -> (i32, i32, i32) {
    %c0_i32 = arith.constant 0 : i32
    %c0_i32_0 = arith.constant 0 : i32
    %c0_i32_1 = arith.constant 0 : i32
    return %arg0, %c0_i32, %c0_i32_0 : i32, i32, i32
  }
}

module attributes {stable_mosaic.version = 14 : i64} {
  func.func @_slot_body(%arg0: i32, %arg1: memref<8x128xi32, #tpu.memory_space<vmem>>, %arg2: memref<8x128xi32, #tpu.memory_space<vmem>>, %arg3: memref<8x128xi32, #tpu.memory_space<vmem>>, %arg4: memref<8x128xi32, #tpu.memory_space<vmem>>, %arg5: memref<1x1x8xi32, #tpu.memory_space<vmem>>, %arg6: memref<8x128xi32, #tpu.memory_space<vmem>>, %arg7: memref<8x128xi32, #tpu.memory_space<vmem>>) attributes {dimension_semantics = [#tpu.dimension_semantics<arbitrary>], iteration_bounds = array<i64: 32>, scalar_prefetch = 0 : i64, scratch_operands = 0 : i64, tpu.core_type = #tpu.core_type<tc>, window_params = [{transform_indices = @transform_0, window_bounds = array<i64: 8, 128>}, {transform_indices = @transform_1, window_bounds = array<i64: 8, 128>}, {transform_indices = @transform_2, window_bounds = array<i64: 8, 128>}, {transform_indices = @transform_3, window_bounds = array<i64: 8, 128>}, {transform_indices = @transform_4, window_bounds = array<i64: 1, 1, 8>}, {transform_indices = @transform_5, window_bounds = array<i64: 8, 128>}, {transform_indices = @transform_6, window_bounds = array<i64: 8, 128>}]} {
    %get3A = arith.constant 0 : index
    %get3A_0 = arith.constant 0 : index
    %get3A_1 = vector.load %arg1[%get3A, %get3A_0] : memref<8x128xi32, #tpu.memory_space<vmem>>, vector<8x128xi32>
    %get3A_2 = arith.constant 0 : index
    %get3A_3 = arith.constant 0 : index
    %get3A_4 = vector.load %arg2[%get3A_2, %get3A_3] : memref<8x128xi32, #tpu.memory_space<vmem>>, vector<8x128xi32>
    %get3A_5 = arith.constant 0 : index
    %get3A_6 = arith.constant 0 : index
    %get3A_7 = arith.constant 0 : index
    %get3A_8 = vector.load %arg5[%get3A_5, %get3A_6, %get3A_7] : memref<1x1x8xi32, #tpu.memory_space<vmem>>, vector<1x1x8xi32>
    %reshape3A = vector.shape_cast %get3A_8 : vector<1x1x8xi32> to vector<1x8xi32>
    %broadcast_in_dim3A = arith.constant 0 : i32
    %broadcast_in_dim3A_9 = vector.broadcast %broadcast_in_dim3A : i32 to vector<8x128xi32>
    %broadcast_in_dim3A_10 = arith.constant 0 : i32
    %broadcast_in_dim3A_11 = vector.broadcast %broadcast_in_dim3A_10 : i32 to vector<8x128xi32>
    %slice3A = vector.extract_strided_slice %reshape3A {offsets = [0, 0], sizes = [1, 1], strides = [1, 1]} : vector<1x8xi32> to vector<1x1xi32>
    %eq3A = arith.constant 0 : i32
    %eq3A_12 = vector.broadcast %eq3A : i32 to vector<8x128xi32>
    %eq3A_13 = arith.cmpi eq, %get3A_1, %eq3A_12 : vector<8x128xi32>
    %broadcast_in_dim3A_14 = vector.shape_cast %slice3A : vector<1x1xi32> to vector<1x1xi32>
    %broadcast_in_dim3A_15 = vector.broadcast %broadcast_in_dim3A_14 : vector<1x1xi32> to vector<8x128xi32>
    %select_n3A = arith.select %eq3A_13, %broadcast_in_dim3A_15, %broadcast_in_dim3A_9 : vector<8x128xi1>, vector<8x128xi32>
    %eq3A_16 = arith.constant 0 : i32
    %eq3A_17 = vector.broadcast %eq3A_16 : i32 to vector<8x128xi32>
    %eq3A_18 = arith.cmpi eq, %get3A_4, %eq3A_17 : vector<8x128xi32>
    %broadcast_in_dim3A_19 = vector.shape_cast %slice3A : vector<1x1xi32> to vector<1x1xi32>
    %broadcast_in_dim3A_20 = vector.broadcast %broadcast_in_dim3A_19 : vector<1x1xi32> to vector<8x128xi32>
    %select_n3A_21 = arith.select %eq3A_18, %broadcast_in_dim3A_20, %broadcast_in_dim3A_11 : vector<8x128xi1>, vector<8x128xi32>
    %slice3A_22 = vector.extract_strided_slice %reshape3A {offsets = [0, 1], sizes = [1, 1], strides = [1, 1]} : vector<1x8xi32> to vector<1x1xi32>
    %eq3A_23 = arith.constant 1 : i32
    %eq3A_24 = vector.broadcast %eq3A_23 : i32 to vector<8x128xi32>
    %eq3A_25 = arith.cmpi eq, %get3A_1, %eq3A_24 : vector<8x128xi32>
    %broadcast_in_dim3A_26 = vector.shape_cast %slice3A_22 : vector<1x1xi32> to vector<1x1xi32>
    %broadcast_in_dim3A_27 = vector.broadcast %broadcast_in_dim3A_26 : vector<1x1xi32> to vector<8x128xi32>
    %select_n3A_28 = arith.select %eq3A_25, %broadcast_in_dim3A_27, %select_n3A : vector<8x128xi1>, vector<8x128xi32>
    %eq3A_29 = arith.constant 1 : i32
    %eq3A_30 = vector.broadcast %eq3A_29 : i32 to vector<8x128xi32>
    %eq3A_31 = arith.cmpi eq, %get3A_4, %eq3A_30 : vector<8x128xi32>
    %broadcast_in_dim3A_32 = vector.shape_cast %slice3A_22 : vector<1x1xi32> to vector<1x1xi32>
    %broadcast_in_dim3A_33 = vector.broadcast %broadcast_in_dim3A_32 : vector<1x1xi32> to vector<8x128xi32>
    %select_n3A_34 = arith.select %eq3A_31, %broadcast_in_dim3A_33, %select_n3A_21 : vector<8x128xi1>, vector<8x128xi32>
    %slice3A_35 = vector.extract_strided_slice %reshape3A {offsets = [0, 2], sizes = [1, 1], strides = [1, 1]} : vector<1x8xi32> to vector<1x1xi32>
    %eq3A_36 = arith.constant 2 : i32
    %eq3A_37 = vector.broadcast %eq3A_36 : i32 to vector<8x128xi32>
    %eq3A_38 = arith.cmpi eq, %get3A_1, %eq3A_37 : vector<8x128xi32>
    %broadcast_in_dim3A_39 = vector.shape_cast %slice3A_35 : vector<1x1xi32> to vector<1x1xi32>
    %broadcast_in_dim3A_40 = vector.broadcast %broadcast_in_dim3A_39 : vector<1x1xi32> to vector<8x128xi32>
    %select_n3A_41 = arith.select %eq3A_38, %broadcast_in_dim3A_40, %select_n3A_28 : vector<8x128xi1>, vector<8x128xi32>
    %eq3A_42 = arith.constant 2 : i32
    %eq3A_43 = vector.broadcast %eq3A_42 : i32 to vector<8x128xi32>
    %eq3A_44 = arith.cmpi eq, %get3A_4, %eq3A_43 : vector<8x128xi32>
    %broadcast_in_dim3A_45 = vector.shape_cast %slice3A_35 : vector<1x1xi32> to vector<1x1xi32>
    %broadcast_in_dim3A_46 = vector.broadcast %broadcast_in_dim3A_45 : vector<1x1xi32> to vector<8x128xi32>
    %select_n3A_47 = arith.select %eq3A_44, %broadcast_in_dim3A_46, %select_n3A_34 : vector<8x128xi1>, vector<8x128xi32>
    %slice3A_48 = vector.extract_strided_slice %reshape3A {offsets = [0, 3], sizes = [1, 1], strides = [1, 1]} : vector<1x8xi32> to vector<1x1xi32>
    %eq3A_49 = arith.constant 3 : i32
    %eq3A_50 = vector.broadcast %eq3A_49 : i32 to vector<8x128xi32>
    %eq3A_51 = arith.cmpi eq, %get3A_1, %eq3A_50 : vector<8x128xi32>
    %broadcast_in_dim3A_52 = vector.shape_cast %slice3A_48 : vector<1x1xi32> to vector<1x1xi32>
    %broadcast_in_dim3A_53 = vector.broadcast %broadcast_in_dim3A_52 : vector<1x1xi32> to vector<8x128xi32>
    %select_n3A_54 = arith.select %eq3A_51, %broadcast_in_dim3A_53, %select_n3A_41 : vector<8x128xi1>, vector<8x128xi32>
    %eq3A_55 = arith.constant 3 : i32
    %eq3A_56 = vector.broadcast %eq3A_55 : i32 to vector<8x128xi32>
    %eq3A_57 = arith.cmpi eq, %get3A_4, %eq3A_56 : vector<8x128xi32>
    %broadcast_in_dim3A_58 = vector.shape_cast %slice3A_48 : vector<1x1xi32> to vector<1x1xi32>
    %broadcast_in_dim3A_59 = vector.broadcast %broadcast_in_dim3A_58 : vector<1x1xi32> to vector<8x128xi32>
    %select_n3A_60 = arith.select %eq3A_57, %broadcast_in_dim3A_59, %select_n3A_47 : vector<8x128xi1>, vector<8x128xi32>
    %slice3A_61 = vector.extract_strided_slice %reshape3A {offsets = [0, 4], sizes = [1, 1], strides = [1, 1]} : vector<1x8xi32> to vector<1x1xi32>
    %eq3A_62 = arith.constant 4 : i32
    %eq3A_63 = vector.broadcast %eq3A_62 : i32 to vector<8x128xi32>
    %eq3A_64 = arith.cmpi eq, %get3A_1, %eq3A_63 : vector<8x128xi32>
    %broadcast_in_dim3A_65 = vector.shape_cast %slice3A_61 : vector<1x1xi32> to vector<1x1xi32>
    %broadcast_in_dim3A_66 = vector.broadcast %broadcast_in_dim3A_65 : vector<1x1xi32> to vector<8x128xi32>
    %select_n3A_67 = arith.select %eq3A_64, %broadcast_in_dim3A_66, %select_n3A_54 : vector<8x128xi1>, vector<8x128xi32>
    %eq3A_68 = arith.constant 4 : i32
    %eq3A_69 = vector.broadcast %eq3A_68 : i32 to vector<8x128xi32>
    %eq3A_70 = arith.cmpi eq, %get3A_4, %eq3A_69 : vector<8x128xi32>
    %broadcast_in_dim3A_71 = vector.shape_cast %slice3A_61 : vector<1x1xi32> to vector<1x1xi32>
    %broadcast_in_dim3A_72 = vector.broadcast %broadcast_in_dim3A_71 : vector<1x1xi32> to vector<8x128xi32>
    %select_n3A_73 = arith.select %eq3A_70, %broadcast_in_dim3A_72, %select_n3A_60 : vector<8x128xi1>, vector<8x128xi32>
    %slice3A_74 = vector.extract_strided_slice %reshape3A {offsets = [0, 5], sizes = [1, 1], strides = [1, 1]} : vector<1x8xi32> to vector<1x1xi32>
    %eq3A_75 = arith.constant 5 : i32
    %eq3A_76 = vector.broadcast %eq3A_75 : i32 to vector<8x128xi32>
    %eq3A_77 = arith.cmpi eq, %get3A_1, %eq3A_76 : vector<8x128xi32>
    %broadcast_in_dim3A_78 = vector.shape_cast %slice3A_74 : vector<1x1xi32> to vector<1x1xi32>
    %broadcast_in_dim3A_79 = vector.broadcast %broadcast_in_dim3A_78 : vector<1x1xi32> to vector<8x128xi32>
    %select_n3A_80 = arith.select %eq3A_77, %broadcast_in_dim3A_79, %select_n3A_67 : vector<8x128xi1>, vector<8x128xi32>
    %eq3A_81 = arith.constant 5 : i32
    %eq3A_82 = vector.broadcast %eq3A_81 : i32 to vector<8x128xi32>
    %eq3A_83 = arith.cmpi eq, %get3A_4, %eq3A_82 : vector<8x128xi32>
    %broadcast_in_dim3A_84 = vector.shape_cast %slice3A_74 : vector<1x1xi32> to vector<1x1xi32>
    %broadcast_in_dim3A_85 = vector.broadcast %broadcast_in_dim3A_84 : vector<1x1xi32> to vector<8x128xi32>
    %select_n3A_86 = arith.select %eq3A_83, %broadcast_in_dim3A_85, %select_n3A_73 : vector<8x128xi1>, vector<8x128xi32>
    %slice3A_87 = vector.extract_strided_slice %reshape3A {offsets = [0, 6], sizes = [1, 1], strides = [1, 1]} : vector<1x8xi32> to vector<1x1xi32>
    %eq3A_88 = arith.constant 6 : i32
    %eq3A_89 = vector.broadcast %eq3A_88 : i32 to vector<8x128xi32>
    %eq3A_90 = arith.cmpi eq, %get3A_1, %eq3A_89 : vector<8x128xi32>
    %broadcast_in_dim3A_91 = vector.shape_cast %slice3A_87 : vector<1x1xi32> to vector<1x1xi32>
    %broadcast_in_dim3A_92 = vector.broadcast %broadcast_in_dim3A_91 : vector<1x1xi32> to vector<8x128xi32>
    %select_n3A_93 = arith.select %eq3A_90, %broadcast_in_dim3A_92, %select_n3A_80 : vector<8x128xi1>, vector<8x128xi32>
    %eq3A_94 = arith.constant 6 : i32
    %eq3A_95 = vector.broadcast %eq3A_94 : i32 to vector<8x128xi32>
    %eq3A_96 = arith.cmpi eq, %get3A_4, %eq3A_95 : vector<8x128xi32>
    %broadcast_in_dim3A_97 = vector.shape_cast %slice3A_87 : vector<1x1xi32> to vector<1x1xi32>
    %broadcast_in_dim3A_98 = vector.broadcast %broadcast_in_dim3A_97 : vector<1x1xi32> to vector<8x128xi32>
    %select_n3A_99 = arith.select %eq3A_96, %broadcast_in_dim3A_98, %select_n3A_86 : vector<8x128xi1>, vector<8x128xi32>
    %slice3A_100 = vector.extract_strided_slice %reshape3A {offsets = [0, 7], sizes = [1, 1], strides = [1, 1]} : vector<1x8xi32> to vector<1x1xi32>
    %eq3A_101 = arith.constant 7 : i32
    %eq3A_102 = vector.broadcast %eq3A_101 : i32 to vector<8x128xi32>
    %eq3A_103 = arith.cmpi eq, %get3A_1, %eq3A_102 : vector<8x128xi32>
    %broadcast_in_dim3A_104 = vector.shape_cast %slice3A_100 : vector<1x1xi32> to vector<1x1xi32>
    %broadcast_in_dim3A_105 = vector.broadcast %broadcast_in_dim3A_104 : vector<1x1xi32> to vector<8x128xi32>
    %select_n3A_106 = arith.select %eq3A_103, %broadcast_in_dim3A_105, %select_n3A_93 : vector<8x128xi1>, vector<8x128xi32>
    %eq3A_107 = arith.constant 7 : i32
    %eq3A_108 = vector.broadcast %eq3A_107 : i32 to vector<8x128xi32>
    %eq3A_109 = arith.cmpi eq, %get3A_4, %eq3A_108 : vector<8x128xi32>
    %broadcast_in_dim3A_110 = vector.shape_cast %slice3A_100 : vector<1x1xi32> to vector<1x1xi32>
    %broadcast_in_dim3A_111 = vector.broadcast %broadcast_in_dim3A_110 : vector<1x1xi32> to vector<8x128xi32>
    %select_n3A_112 = arith.select %eq3A_109, %broadcast_in_dim3A_111, %select_n3A_99 : vector<8x128xi1>, vector<8x128xi32>
    %get3A_113 = arith.constant 0 : index
    %get3A_114 = arith.constant 0 : index
    %get3A_115 = vector.load %arg3[%get3A_113, %get3A_114] : memref<8x128xi32, #tpu.memory_space<vmem>>, vector<8x128xi32>
    %add3A = arith.addi %select_n3A_106, %get3A_115 : vector<8x128xi32>
    %swap3A = arith.constant 0 : index
    %swap3A_116 = arith.constant 0 : index
    %swap3A_117 = vector.load %arg6[%swap3A, %swap3A_116] : memref<8x128xi32, #tpu.memory_space<vmem>>, vector<8x128xi32>
    tpu.vector_store %arg6[%swap3A, %swap3A_116], %add3A {strides = array<i32>} : memref<8x128xi32, #tpu.memory_space<vmem>>, vector<8x128xi32>,
    %get3A_118 = arith.constant 0 : index
    %get3A_119 = arith.constant 0 : index
    %get3A_120 = vector.load %arg4[%get3A_118, %get3A_119] : memref<8x128xi32, #tpu.memory_space<vmem>>, vector<8x128xi32>
    %add3A_121 = arith.addi %select_n3A_112, %get3A_120 : vector<8x128xi32>
    %swap3A_122 = arith.constant 0 : index
    %swap3A_123 = arith.constant 0 : index
    %swap3A_124 = vector.load %arg7[%swap3A_122, %swap3A_123] : memref<8x128xi32, #tpu.memory_space<vmem>>, vector<8x128xi32>
    tpu.vector_store %arg7[%swap3A_122, %swap3A_123], %add3A_121 {strides = array<i32>} : memref<8x128xi32, #tpu.memory_space<vmem>>, vector<8x128xi32>,
    return
  }
  func.func @transform_0(%arg0: i32) -> (i32, i32) {
    %c0_i32 = arith.constant 0 : i32
    %c0_i32_0 = arith.constant 0 : i32
    return %arg0, %c0_i32 : i32, i32
  }
  func.func @transform_1(%arg0: i32) -> (i32, i32) {
    %c0_i32 = arith.constant 0 : i32
    %c0_i32_0 = arith.constant 0 : i32
    return %arg0, %c0_i32 : i32, i32
  }
  func.func @transform_2(%arg0: i32) -> (i32, i32) {
    %c0_i32 = arith.constant 0 : i32
    %c0_i32_0 = arith.constant 0 : i32
    return %arg0, %c0_i32 : i32, i32
  }
  func.func @transform_3(%arg0: i32) -> (i32, i32) {
    %c0_i32 = arith.constant 0 : i32
    %c0_i32_0 = arith.constant 0 : i32
    return %arg0, %c0_i32 : i32, i32
  }
  func.func @transform_4(%arg0: i32) -> (i32, i32, i32) {
    %c0_i32 = arith.constant 0 : i32
    %c0_i32_0 = arith.constant 0 : i32
    %c0_i32_1 = arith.constant 0 : i32
    return %arg0, %c0_i32, %c0_i32_0 : i32, i32, i32
  }
  func.func @transform_5(%arg0: i32) -> (i32, i32) {
    %c0_i32 = arith.constant 0 : i32
    %c0_i32_0 = arith.constant 0 : i32
    return %arg0, %c0_i32 : i32, i32
  }
  func.func @transform_6(%arg0: i32) -> (i32, i32) {
    %c0_i32 = arith.constant 0 : i32
    %c0_i32_0 = arith.constant 0 : i32
    return %arg0, %c0_i32 : i32, i32
  }
}

module attributes {stable_mosaic.version = 14 : i64} {
  func.func @_ffn_body(%arg0: i32, %arg1: memref<40xi32, #tpu.memory_space<smem>>, %arg2: memref<2048x128xf32, #tpu.memory_space<vmem>>, %arg3: memref<1x64x256xbf16, #tpu.memory_space<vmem>>, %arg4: memref<1x1x256xf32, #tpu.memory_space<vmem>>, %arg5: memref<1x256x64xbf16, #tpu.memory_space<vmem>>, %arg6: memref<1x1x64xf32, #tpu.memory_space<vmem>>, %arg7: memref<2048x128xf32, #tpu.memory_space<vmem>>) attributes {dimension_semantics = [#tpu.dimension_semantics<arbitrary>], iteration_bounds = array<i64: 40>, scalar_prefetch = 1 : i64, scratch_operands = 0 : i64, tpu.core_type = #tpu.core_type<tc>, window_params = [{transform_indices = @transform_0, window_bounds = array<i64: 2048, 128>}, {transform_indices = @transform_1, window_bounds = array<i64: 1, 64, 256>}, {transform_indices = @transform_2, window_bounds = array<i64: 1, 1, 256>}, {transform_indices = @transform_3, window_bounds = array<i64: 1, 256, 64>}, {transform_indices = @transform_4, window_bounds = array<i64: 1, 1, 64>}, {transform_indices = @transform_5, window_bounds = array<i64: 2048, 128>}]} {
    %get3A = arith.constant 0 : index
    %get3A_0 = arith.constant 0 : index
    %get3A_1 = vector.load %arg2[%get3A, %get3A_0] : memref<2048x128xf32, #tpu.memory_space<vmem>>, vector<2048x64xf32>
    %convert_element_type3A = arith.truncf %get3A_1 : vector<2048x64xf32> to vector<2048x64xbf16>
    %get3A_2 = arith.constant 0 : index
    %get3A_3 = arith.constant 0 : index
    %get3A_4 = arith.constant 0 : index
    %get3A_5 = vector.load %arg3[%get3A_2, %get3A_3, %get3A_4] : memref<1x64x256xbf16, #tpu.memory_space<vmem>>, vector<1x64x256xbf16>
    %get3A_6 = vector.shape_cast %get3A_5 : vector<1x64x256xbf16> to vector<64x256xbf16>
    %dot_general3A = arith.constant dense<0.000000e+00> : vector<2048x256xf32>
    %dot_general3A_7 = tpu.matmul %convert_element_type3A, %get3A_6, %dot_general3A {dimension_numbers = #tpu.dot_dimension_numbers<[1], [0], [0], [1], [0, 0, 1, 1], [], []>, transpose_lhs_hint = false} : vector<2048x64xbf16>, vector<64x256xbf16>, vector<2048x256xf32> -> vector<2048x256xf32>
    %get3A_8 = arith.constant 0 : index
    %get3A_9 = arith.constant 0 : index
    %get3A_10 = arith.constant 0 : index
    %get3A_11 = vector.load %arg4[%get3A_8, %get3A_9, %get3A_10] : memref<1x1x256xf32, #tpu.memory_space<vmem>>, vector<1x1x256xf32>
    %get3A_12 = vector.shape_cast %get3A_11 : vector<1x1x256xf32> to vector<1x256xf32>
    %add3A = vector.broadcast %get3A_12 : vector<1x256xf32> to vector<2048x256xf32>
    %add3A_13 = arith.addf %dot_general3A_7, %add3A : vector<2048x256xf32>
    %integer_pow3A = arith.mulf %add3A_13, %add3A_13 : vector<2048x256xf32>
    %integer_pow3A_14 = arith.mulf %add3A_13, %integer_pow3A : vector<2048x256xf32>
    %mul3A = arith.constant 4.471500e-02 : f32
    %mul3A_15 = vector.broadcast %mul3A : f32 to vector<2048x256xf32>
    %mul3A_16 = arith.mulf %mul3A_15, %integer_pow3A_14 : vector<2048x256xf32>
    %add3A_17 = arith.addf %add3A_13, %mul3A_16 : vector<2048x256xf32>
    %mul3A_18 = arith.constant 0.797884583 : f32
    %mul3A_19 = vector.broadcast %mul3A_18 : f32 to vector<2048x256xf32>
    %mul3A_20 = arith.mulf %mul3A_19, %add3A_17 : vector<2048x256xf32>
    %tanh3A = math.tanh %mul3A_20 : vector<2048x256xf32>
    %add3A_21 = arith.constant 1.000000e+00 : f32
    %add3A_22 = vector.broadcast %add3A_21 : f32 to vector<2048x256xf32>
    %add3A_23 = arith.addf %add3A_22, %tanh3A : vector<2048x256xf32>
    %mul3A_24 = arith.constant 5.000000e-01 : f32
    %mul3A_25 = vector.broadcast %mul3A_24 : f32 to vector<2048x256xf32>
    %mul3A_26 = arith.mulf %mul3A_25, %add3A_23 : vector<2048x256xf32>
    %mul3A_27 = arith.mulf %add3A_13, %mul3A_26 : vector<2048x256xf32>
    %convert_element_type3A_28 = arith.truncf %mul3A_27 : vector<2048x256xf32> to vector<2048x256xbf16>
    %get3A_29 = arith.constant 0 : index
    %get3A_30 = arith.constant 0 : index
    %get3A_31 = arith.constant 0 : index
    %get3A_32 = vector.load %arg5[%get3A_29, %get3A_30, %get3A_31] : memref<1x256x64xbf16, #tpu.memory_space<vmem>>, vector<1x256x64xbf16>
    %get3A_33 = vector.shape_cast %get3A_32 : vector<1x256x64xbf16> to vector<256x64xbf16>
    %dot_general3A_34 = arith.constant dense<0.000000e+00> : vector<2048x64xf32>
    %dot_general3A_35 = tpu.matmul %convert_element_type3A_28, %get3A_33, %dot_general3A_34 {dimension_numbers = #tpu.dot_dimension_numbers<[1], [0], [0], [1], [0, 0, 1, 1], [], []>, transpose_lhs_hint = false} : vector<2048x256xbf16>, vector<256x64xbf16>, vector<2048x64xf32> -> vector<2048x64xf32>
    %get3A_36 = arith.constant 0 : index
    %get3A_37 = arith.constant 0 : index
    %get3A_38 = arith.constant 0 : index
    %get3A_39 = vector.load %arg6[%get3A_36, %get3A_37, %get3A_38] : memref<1x1x64xf32, #tpu.memory_space<vmem>>, vector<1x1x64xf32>
    %get3A_40 = vector.shape_cast %get3A_39 : vector<1x1x64xf32> to vector<1x64xf32>
    %add3A_41 = vector.broadcast %get3A_40 : vector<1x64xf32> to vector<2048x64xf32>
    %add3A_42 = arith.addf %dot_general3A_35, %add3A_41 : vector<2048x64xf32>
    %broadcast_in_dim3A = arith.constant 0.000000e+00 : f32
    %broadcast_in_dim3A_43 = vector.broadcast %broadcast_in_dim3A : f32 to vector<2048x64xf32>
    %concatenate3A = tpu.concatenate %add3A_42, %broadcast_in_dim3A_43 in 1 : vector<2048x64xf32>, vector<2048x64xf32> -> vector<2048x128xf32>
    %swap3A = arith.constant 0 : index
    %swap3A_44 = arith.constant 0 : index
    %swap3A_45 = vector.load %arg7[%swap3A, %swap3A_44] : memref<2048x128xf32, #tpu.memory_space<vmem>>, vector<2048x128xf32>
    tpu.vector_store %arg7[%swap3A, %swap3A_44], %concatenate3A {strides = array<i32>} : memref<2048x128xf32, #tpu.memory_space<vmem>>, vector<2048x128xf32>,
    return
  }
  func.func @transform_0(%arg0: i32, %arg1: memref<40xi32, #tpu.memory_space<smem>>) -> (i32, i32) {
    %c0_i32 = arith.constant 0 : i32
    %c0_i32_0 = arith.constant 0 : i32
    return %arg0, %c0_i32 : i32, i32
  }
  func.func @transform_1(%arg0: i32, %arg1: memref<40xi32, #tpu.memory_space<smem>>) -> (i32, i32, i32) {
    %get3A = arith.index_cast %arg0 : i32 to index
    %get3A_0 = memref.load %arg1[%get3A] : memref<40xi32, #tpu.memory_space<smem>>
    %c0_i32 = arith.constant 0 : i32
    %c0_i32_1 = arith.constant 0 : i32
    %c0_i32_2 = arith.constant 0 : i32
    return %get3A_0, %c0_i32, %c0_i32_1 : i32, i32, i32
  }
  func.func @transform_2(%arg0: i32, %arg1: memref<40xi32, #tpu.memory_space<smem>>) -> (i32, i32, i32) {
    %get3A = arith.index_cast %arg0 : i32 to index
    %get3A_0 = memref.load %arg1[%get3A] : memref<40xi32, #tpu.memory_space<smem>>
    %c0_i32 = arith.constant 0 : i32
    %c0_i32_1 = arith.constant 0 : i32
    %c0_i32_2 = arith.constant 0 : i32
    return %get3A_0, %c0_i32, %c0_i32_1 : i32, i32, i32
  }
  func.func @transform_3(%arg0: i32, %arg1: memref<40xi32, #tpu.memory_space<smem>>) -> (i32, i32, i32) {
    %get3A = arith.index_cast %arg0 : i32 to index
    %get3A_0 = memref.load %arg1[%get3A] : memref<40xi32, #tpu.memory_space<smem>>
    %c0_i32 = arith.constant 0 : i32
    %c0_i32_1 = arith.constant 0 : i32
    %c0_i32_2 = arith.constant 0 : i32
    return %get3A_0, %c0_i32, %c0_i32_1 : i32, i32, i32
  }
  func.func @transform_4(%arg0: i32, %arg1: memref<40xi32, #tpu.memory_space<smem>>) -> (i32, i32, i32) {
    %get3A = arith.index_cast %arg0 : i32 to index
    %get3A_0 = memref.load %arg1[%get3A] : memref<40xi32, #tpu.memory_space<smem>>
    %c0_i32 = arith.constant 0 : i32
    %c0_i32_1 = arith.constant 0 : i32
    %c0_i32_2 = arith.constant 0 : i32
    return %get3A_0, %c0_i32, %c0_i32_1 : i32, i32, i32
  }
  func.func @transform_5(%arg0: i32, %arg1: memref<40xi32, #tpu.memory_space<smem>>) -> (i32, i32) {
    %c0_i32 = arith.constant 0 : i32
    %c0_i32_0 = arith.constant 0 : i32
    return %arg0, %c0_i32 : i32, i32
  }
}

module attributes {stable_mosaic.version = 14 : i64} {
  func.func @_combine_body(%arg0: i32, %arg1: memref<2048x64xf32, #tpu.memory_space<vmem>>, %arg2: memref<2048x128xf32, #tpu.memory_space<vmem>>, %arg3: memref<2048x128xf32, #tpu.memory_space<vmem>>, %arg4: memref<2048x1xf32, #tpu.memory_space<vmem>>, %arg5: memref<2048x1xf32, #tpu.memory_space<vmem>>, %arg6: memref<2048x64xf32, #tpu.memory_space<vmem>>) attributes {dimension_semantics = [#tpu.dimension_semantics<arbitrary>], iteration_bounds = array<i64: 16>, scalar_prefetch = 0 : i64, scratch_operands = 0 : i64, tpu.core_type = #tpu.core_type<tc>, window_params = [{transform_indices = @transform_0, window_bounds = array<i64: 2048, 64>}, {transform_indices = @transform_1, window_bounds = array<i64: 2048, 128>}, {transform_indices = @transform_2, window_bounds = array<i64: 2048, 128>}, {transform_indices = @transform_3, window_bounds = array<i64: 2048, 1>}, {transform_indices = @transform_4, window_bounds = array<i64: 2048, 1>}, {transform_indices = @transform_5, window_bounds = array<i64: 2048, 64>}]} {
    %get3A = arith.constant 0 : index
    %get3A_0 = arith.constant 0 : index
    %get3A_1 = vector.load %arg1[%get3A, %get3A_0] : memref<2048x64xf32, #tpu.memory_space<vmem>>, vector<2048x64xf32>
    %get3A_2 = arith.constant 0 : index
    %get3A_3 = arith.constant 0 : index
    %get3A_4 = vector.load %arg4[%get3A_2, %get3A_3] : memref<2048x1xf32, #tpu.memory_space<vmem>>, vector<2048x1xf32>
    %get3A_5 = arith.constant 0 : index
    %get3A_6 = arith.constant 0 : index
    %get3A_7 = vector.load %arg2[%get3A_5, %get3A_6] : memref<2048x128xf32, #tpu.memory_space<vmem>>, vector<2048x64xf32>
    %mul3A = vector.broadcast %get3A_4 : vector<2048x1xf32> to vector<2048x64xf32>
    %mul3A_8 = arith.mulf %mul3A, %get3A_7 : vector<2048x64xf32>
    %add3A = arith.addf %get3A_1, %mul3A_8 : vector<2048x64xf32>
    %get3A_9 = arith.constant 0 : index
    %get3A_10 = arith.constant 0 : index
    %get3A_11 = vector.load %arg5[%get3A_9, %get3A_10] : memref<2048x1xf32, #tpu.memory_space<vmem>>, vector<2048x1xf32>
    %get3A_12 = arith.constant 0 : index
    %get3A_13 = arith.constant 0 : index
    %get3A_14 = vector.load %arg3[%get3A_12, %get3A_13] : memref<2048x128xf32, #tpu.memory_space<vmem>>, vector<2048x64xf32>
    %mul3A_15 = vector.broadcast %get3A_11 : vector<2048x1xf32> to vector<2048x64xf32>
    %mul3A_16 = arith.mulf %mul3A_15, %get3A_14 : vector<2048x64xf32>
    %add3A_17 = arith.addf %add3A, %mul3A_16 : vector<2048x64xf32>
    %swap3A = arith.constant 0 : index
    %swap3A_18 = arith.constant 0 : index
    %swap3A_19 = vector.load %arg6[%swap3A, %swap3A_18] : memref<2048x64xf32, #tpu.memory_space<vmem>>, vector<2048x64xf32>
    tpu.vector_store %arg6[%swap3A, %swap3A_18], %add3A_17 {strides = array<i32>} : memref<2048x64xf32, #tpu.memory_space<vmem>>, vector<2048x64xf32>,
    return
  }
  func.func @transform_0(%arg0: i32) -> (i32, i32) {
    %c0_i32 = arith.constant 0 : i32
    %c0_i32_0 = arith.constant 0 : i32
    return %arg0, %c0_i32 : i32, i32
  }
  func.func @transform_1(%arg0: i32) -> (i32, i32) {
    %c0_i32 = arith.constant 0 : i32
    %c0_i32_0 = arith.constant 0 : i32
    return %arg0, %c0_i32 : i32, i32
  }
  func.func @transform_2(%arg0: i32) -> (i32, i32) {
    %c0_i32 = arith.constant 0 : i32
    %c0_i32_0 = arith.constant 0 : i32
    return %arg0, %c0_i32 : i32, i32
  }
  func.func @transform_3(%arg0: i32) -> (i32, i32) {
    %c0_i32 = arith.constant 0 : i32
    %c0_i32_0 = arith.constant 0 : i32
    return %arg0, %c0_i32 : i32, i32
  }
  func.func @transform_4(%arg0: i32) -> (i32, i32) {
    %c0_i32 = arith.constant 0 : i32
    %c0_i32_0 = arith.constant 0 : i32
    return %arg0, %c0_i32 : i32, i32
  }
  func.func @transform_5(%arg0: i32) -> (i32, i32) {
    %c0_i32 = arith.constant 0 : i32
    %c0_i32_0 = arith.constant 0 : i32
    return %arg0, %c0_i32 : i32, i32
  }
}

</mosaic_0001>

<sc_bundles>
// kernel: kernel.11.cloned.1.call-start
scs
__scs_entry_jumppad:
0x0: {  	(pc) =	sbr.rel $0x88, $3  }
0x1: {  	(tag) =	ssettag $0x0;
	lr =	simm.s32 $0x1  }
0x2: {  	[smem:$0x3F9B] =	sst lr;
	_ =	strace $0xD0000000  }
0x3: {  	_ = 	snop  }
0x4: {  	_ = 	snop  }
0x5: {  	_ = 	snop  }
0x6: {  	_ = 	snop  }
0x7: {  	_ = 	snop  }
__scs_overlays_trampoline_lowered:
0x8: {  	[smem:$0x3FAA] =	sst s0  }
0x9: {  	[smem:$0x3FAB] =	sst s1  }
0xa: {  	[smem:$0x3FAC] =	sst s2  }
0xb: {  	[smem:$0x3FAD] =	sst s3  }
0xc: {  	[smem:$0x3FAE] =	sst s4  }
0xd: {  	[smem:$0x3FAF] =	sst s5  }
0xe: {  	[smem:$0x3FB0] =	sst s6  }
0xf: {  	[smem:$0x3FB1] =	sst s7  }
0x10: {  	[smem:$0x3FB2] =	sst s8  }
0x11: {  	[smem:$0x3FB3] =	sst s9;
	s0 =	simm.s32 @!p0 $0x0  }
0x12: {  	s1 =	sld [smem:$0x3F99];
	s0 =	simm.s32 @p0 $0x1  }
0x13: {  	[smem:$0x3FB4] =	sst s0;
	s0 =	simm.s32 @!p1 $0x0  }
0x14: {  	s2 =	sld [smem:$0x3F98];
	s0 =	simm.s32 @p1 $0x1  }
0x15: {  	[smem:$0x3FB5] =	sst s0;
	s0 =	simm.s32 @!p2 $0x0  }
0x16: {  	s3 =	sld [smem:$0x3FDB];
	s0 =	simm.s32 @p2 $0x1  }
0x17: {  	s4 =	simm.s32 $0x1BF5;
	[smem:$0x3FB7] =	sst s0  }
0x18: {  	s0 =	sld [smem:$0x3F9A];
	_ =	swait.ge [sflag:s4], $0x0  }
0x19: {  	s7 =	sld [smem:$0x3F9B]  }
0x1a: {  	s8 =	sadd.s32 $0xFFFFE003, lr  }
0x1b: {  	s9 =	sadd.s32 $0xFFFFFEF7, lr;
	s5 =	simm.s32 $0xFFFFFFFF;
	p2 =	slt.u32 s8, $0xFFFFF086  }
0x1c: {  	p1 =	slt.u32 s9, $0xF7A;
	s5 =	simm.s32 @!p2 $0x0  }
0x1d: {  	s5 =	simm.s32 @p1 $0x1;
	p0 =	seq.s32 s7, s2  }
0x1e: {  	s7 =	smul.u32 @!p0 $0xF7A, s2;
	p2 =	seq.s32 @!p0 s5, $0x0  }
0x1f: {  	s9 =	smul.u32 $0xF7A, s1;
	s8 =	simm.s32 @!p0 $0x1BF5;
	p2 =	por !p2, p0  }
0x20: {  	[sflag:s8] =	ssyncset.s32 @!p0 $0xFFFFF086;
	s6 =	sadd.s32 @!p0 s3, s7;
	s7 =	simm.s32 @!p0 $0x108  }
0x21: {  	s3 =	sadd.s32 s3, s9;
	s6 =	sadd.s32 @!p0 $0x88, s6;
	s7 =	simm.s32 @p2 $0x1082  }
0x22: {  	[simem:s7], [sflag:s8] =	dma.local @!p0 [hbm:s6], $0xF7A  }
0x23: {  	s9 =	sor.u32 $0xD0000000, s2;
	s6 =	simm.s32 $0x108;
	_ =	swait.ge @!p0 [sflag:s8], $0x0  }
0x24: {  	s3 =	sadd.s32 $0x88, s3;
	s6 =	simm.s32 @!p1 $0x1082;
	[sflag:s4] =	ssyncset.s32 $0xFFFFF086  }
0x25: {  	[simem:s6], [sflag:s4] =	dma.local [hbm:s3], $0xF7A  }
0x26: {  	[smem:$0x3F9B] =	sst s1;
	(tag) =	ssettag s2;
	_ =	strace s9  }
0x27: {  	s1 =	sld [smem:$0x3FAB]  }
0x28: {  	s2 =	sld [smem:$0x3FAC]  }
0x29: {  	s4 =	sld [smem:$0x3FAE]  }
0x2a: {  	p0 =	seq.s32 s5, $0x0;
	s5 =	sld [smem:$0x3FAF]  }
0x2b: {  	s6 =	sld [smem:$0x3FB0]  }
0x2c: {  	s7 =	sld [smem:$0x3FB1]  }
0x2d: {  	s3 =	simm.s32 $0x108;
	s8 =	sld [smem:$0x3FB2]  }
0x2e: {  	s3 =	simm.s32 @!p0 $0x1082;
	s9 =	sld [smem:$0x3FB3]  }
0x2f: {  	lr =	sadd.s32 s0, s3;
	s0 =	sld [smem:$0x3FAA]  }
0x30: {  	s3 =	sld [smem:$0x3FAD]  }
0x31: {  	[smem:$0x3FB6] =	sst s10  }
0x32: {  	s10 =	sld [smem:$0x3FB4];
	_ =	sdelay $0x3  }
0x33: {  	p0 =	seq.s32 s10, $0x1;
	s10 =	sld [smem:$0x3FB6];
	_ =	sdelay $0x3  }
0x34: {  	[smem:$0x3FB6] =	sst s10  }
0x35: {  	s10 =	sld [smem:$0x3FB5];
	_ =	sdelay $0x3  }
0x36: {  	p1 =	seq.s32 s10, $0x1;
	s10 =	sld [smem:$0x3FB6];
	_ =	sdelay $0x3  }
0x37: {  	[smem:$0x3FB6] =	sst s10  }
0x38: {  	s10 =	sld [smem:$0x3FB7]  }
0x39: {  	_ = 	snop;
	(pc) =	sbr.ind lr, $3  }
0x3a: {  	_ = 	snop  }
0x3b: {  	_ = 	snop  }
0x3c: {  	p2 =	seq.s32 s10, $0x1;
	s10 =	sld [smem:$0x3FB6]  }
0x3d: {  	_ =	shalt  }
0x3e: {  	_ =	shalt  }
0x3f: {  	_ =	shalt  }
0x40: {  	_ =	shalt  }
0x41: {  	_ =	shalt  }
0x42: {  	_ =	shalt  }
0x43: {  	_ =	shalt  }
0x44: {  	_ =	shalt  }
0x45: {  	_ =	shalt  }
0x46: {  	_ =	shalt  }
0x47: {  	_ =	shalt  }
0x48: {  	_ =	shalt  }
0x49: {  	_ =	shalt  }
0x4a: {  	_ =	shalt  }
0x4b: {  	_ =	shalt  }
0x4c: {  	_ =	shalt  }
0x4d: {  	_ =	shalt  }
0x4e: {  	_ =	shalt  }
0x4f: {  	_ =	shalt  }
0x50: {  	_ =	shalt  }
0x51: {  	_ =	shalt  }
0x52: {  	_ =	shalt  }
0x53: {  	_ =	shalt  }
0x54: {  	_ =	shalt  }
0x55: {  	_ =	shalt  }
0x56: {  	_ =	shalt  }
0x57: {  	_ =	shalt  }
0x58: {  	_ =	shalt  }
0x59: {  	_ =	shalt  }
0x5a: {  	_ =	shalt  }
0x5b: {  	_ =	shalt  }
0x5c: {  	_ =	shalt  }
0x5d: {  	_ =	shalt  }
0x5e: {  	_ =	shalt  }
0x5f: {  	_ =	shalt  }
0x60: {  	_ =	shalt  }
0x61: {  	_ =	shalt  }
0x62: {  	_ =	shalt  }
0x63: {  	_ =	shalt  }
0x64: {  	_ =	shalt  }
0x65: {  	_ =	shalt  }
0x66: {  	_ =	shalt  }
0x67: {  	_ =	shalt  }
0x68: {  	_ =	shalt  }
0x69: {  	_ =	shalt  }
0x6a: {  	_ =	shalt  }
0x6b: {  	_ =	shalt  }
0x6c: {  	_ =	shalt  }
0x6d: {  	_ =	shalt  }
0x6e: {  	_ =	shalt  }
0x6f: {  	_ =	shalt  }
0x70: {  	_ =	shalt  }
0x71: {  	_ =	shalt  }
0x72: {  	_ =	shalt  }
0x73: {  	_ =	shalt  }
0x74: {  	_ =	shalt  }
0x75: {  	_ =	shalt  }
0x76: {  	_ =	shalt  }
0x77: {  	_ =	shalt  }
0x78: {  	_ =	shalt  }
0x79: {  	_ =	shalt  }
0x7a: {  	_ =	shalt  }
0x7b: {  	_ =	shalt  }
0x7c: {  	_ =	shalt  }
0x7d: {  	_ =	shalt  }
0x7e: {  	_ =	shalt  }
0x7f: {  	_ =	shalt  }
0x80: {  	_ =	shalt  }
0x81: {  	_ =	shalt  }
0x82: {  	_ =	shalt  }
0x83: {  	_ =	shalt  }
0x84: {  	_ =	shalt  }
0x85: {  	_ =	shalt  }
0x86: {  	_ =	shalt  }
0x87: {  	_ =	shalt  }
.Lfunc_end0:
.L_simem_size_0:
called_computation.1_lowered:
.L_overlay_start_0:
0x88: {  	s2 =	sld [smem:$0x3FD9]  }
0x89: {  	s3 =	sld [smem:$0x3FFE];
	_ =	sdelay $0x1  }
0x8a: {  	s1 =	srdreg.scid  }
0x8b: {  	s0 =	sand.u32 $0x1, s1  }
0x8c: {  	s17 =	sshll.u32 s0, $0xA;
	s2 =	sadd.s32 s3, s2  }
0x8d: {  	s2 =	sadd.s32 s2, s17  }
0x8e: {  	[smem:$0x3FC2] =	sst s2  }
0x8f: {  	_ = 	snop  }
0x90: {  	s2 =	sld [smem:$0x3FD0];
	(tm) =	ssettm $0x1  }
0x91: {  	s18 =	sld [smem:$0x3FFB];
	_ =	sdelay $0x3  }
0x92: {  	_ =	strace s18  }
0x93: {  	s3 =	sld [smem:$0x3FFC];
	_ =	sdelay $0x3  }
0x94: {  	_ =	strace s3  }
0x95: {  	s3 =	sld [smem:$0x3FFD];
	_ =	sdelay $0x3  }
0x96: {  	_ =	strace s3  }
0x97: {  	_ =	strace $0x8FFFFFFF  }
0x98: {  	s19 =	sld [smem:$0x3FDB];
	_ =	sdelay $0x1  }
0x99: {  	s4 =	simm.s32 $_scs_section_size  }
0x9a: {  	s5 =	simm.s32 $_size__tile_overlayer_lowered;
	s6 =	simm.s32 $_tile_overlayer_lowered  }
0x9b: {  	s22 =	simm.s32 $0x1BFF;
	s21 =	sshll.u32 s6, $0x1;
	s3 =	sadd.s32 s4, s19  }
0x9c: {  	s7 =	simm.s32 $0x0;
	s20 =	sshll.u32 s5, $0x1;
	s5 =	sadd.s32 s21, s3  }
0x9d: {  	[timem:s7], [sflag:s22] =	dma.local [hbm:s5], s20  }
0x9e: {  	_ =	swait.ge [sflag:s22], s20  }
0x9f: {  	s4 =	ssub.s32 $0x0, s20;
	[sflag:s22] =	ssyncset.done $0x0  }
0xa0: {  	[sflag:s22] =	ssyncadd.s32 s4;
	_ =	sdelay $0x1  }
0xa1: {  	s23 =	simm.s32 $0x1B8B  }
0xa2: {  	_ =	swait.ge [sflag:s23], $0x1  }
0xa3: {  	[sflag:s23] =	ssyncset.done $0x0  }
0xa4: {  	s25 =	simm.s32 $0x1B8E;
	s24 =	sld [smem:$0x3FFE];
	[sflag:s23] =	ssyncadd.s32 $0xFFFFFFFF  }
0xa5: {  	s26 =	simm.s32 $execute0_lowered;
	[smem:$0x3FD2] =	sst s25  }
0xa6: {  	s5 =	sshll.u32 s26, $0x1;
	_ =	strace $0x80000049;
	[dreg:$0x1] =	wrdreg $0xFFFFFFFF  }
0xa7: {  	s28 =	simm.s32 $_size_execute0_lowered;
	s3 =	sadd.s32 s3, s5;
	[dreg:$0x0] =	wrdreg $0x0  }
0xa8: {  	s5 =	sshll.u32 s28, $0x1;
	[dreg:$0x2] =	wrdreg s3  }
0xa9: {  	[dreg:$0x3] =	wrdreg s5  }
0xaa: {  	[dreg:$0x4] =	wrdreg $0xC0  }
0xab: {  	_ =	task [dreg:s7], $0x5FFFF  }
0xac: {  	[dreg:$0x1] =	wrdreg $0xFFFFFFFF  }
0xad: {  	[dreg:$0x0] =	wrdreg $0x60  }
0xae: {  	[dreg:$0x2] =	wrdreg s24  }
0xaf: {  	[dreg:$0x3] =	wrdreg s2  }
0xb0: {  	[dreg:$0x4] =	wrdreg $0x9  }
0xb1: {  	_ =	task.clear_ibuf [dreg:s7], $0x5FFFF;
	_ =	strace $0x90000049  }
0xb2: {  	s29 =	simm.s32 $0x9;
	_ =	strace $0x8000004B  }
0xb3: {  	_ =	swait.ge [sflag:s29], $0x1  }
0xb4: {  	[sflag:s29] =	ssyncadd.s32 $0xFFFFFFFF  }
0xb5: {  	_ =	strace $0x9000004B  }
0xb6: {  	_ =	sfence  }
0xb7: {  	s30 =	sld [smem:$0x0];
	_ =	sdelay $0x2  }
0xb8: {  	s31 =	sshll.u32 s1, $0xD;
	s1 =	sshrl.u32 s1, $0x2  }
0xb9: {  	s3 =	sand.u32 $0x4000, s31;
	s1 =	sadd.s32 s1, s30  }
0xba: {  	s0 =	sor.u32 s3, s0;
	s1 =	sshll.u32 s1, $0x11  }
0xbb: {  	s0 =	sor.u32 s1, s0  }
0xbc: {  	s0 =	sadd.s32 $0x8F2B, s0  }
0xbd: {  	[sflag:s0] =	ssyncadd.remote.s32 $0x1  }
0xbe: {  	_ =	sfence.sel $0xFFFF  }
0xbf: {  	[dreg:$0x0] =	wrdreg $0xFFFFFFFF;
	(pc) =	sbr.abs _section_cstart, $3  }
0xc0: {  	[dreg:$0x1] =	wrdreg $0xFFFFFFFF  }
0xc1: {  	_ =	task.clear_ibuf [dreg:s7], $0x2FFFF;
	_ =	strace $0x9FFFFFFF  }
0xc2: {  	(tm) =	ssettm $0x7FFFFFFF  }
0xc3: {  	_ =	shalt  }
tec
execute0_lowered:
.L_overlay_start_1:
0x0: {  	(tag) =	ssettag $0x1  }
0x1: {  	s0 =	rddreg [dreg:$0x0]  }
0x2: {  	s1 =	rddreg [dreg:$0x1]  }
0x3: {  	s3 =	srdreg.scid;
	s5 =	stileid.u32  }
0x4: {  	s2 =	simm.s32 $0x0;
	s28 =	simm.s32 $0x10000;
	s29 =	simm.s32 $0x10080  }
0x5: {  	s30 =	simm.s32 $0x10100;
	s10 =	simm.s32 $0x8000;
	s31 =	simm.s32 $0x10180  }
0x6: {  	s11 =	simm.s32 $0xC000;
	s22 =	simm.s32 $0x10200;
	s23 =	simm.s32 $0x10280  }
0x7: {  	s24 =	simm.s32 $0x10300;
	s25 =	simm.s32 $0x10380;
	p0 =	por $0x0, $0x0  }
0x8: {  	s13 =	simm.s32 $0x10600;
	s14 =	simm.s32 $0x10680;
	s15 =	simm.s32 $0x10700  }
0x9: {  	s4 =	sand.u32 $0x1, s3;
	s16 =	sshll.u32 s5, $0x1;
	[smem:$0x7FF] =	sst s2  }
0xa: {  	s3 =	sadd.s32 $0x380000, s0;
	s8 =	sadd.s32 $0x81000, s0;
	s5 =	sor.u32 s4, s16  }
0xb: {  	_ =	strace $0x8000004A;
	s4 =	ssub.s32 $0x2, s4;
	s16 =	simm.s32 $0x10780  }
0xc: {  	s6 =	sshll.u32 s5, $0x7;
	s9 =	sshrl.u32 s4, $0x1;
	s18 =	sshll.u32 s5, $0xE  }
0xd: {  	s5 =	simm.s32 $0x2;
	s7 =	sadd.s32 s6, s0;
	s17 =	ssub.s32 s4, s9  }
0xe: {  	s0 =	sadd.s32 $0x101000, s0;
	s1 =	sadd.s32 s1, s6;
	s20 =	smax.u32 s17, $0x1  }
0xf: {  	s21 =	sadd.s32 s8, s18;
	s19 =	sor.u32 $0x2000, s18;
	p1 =	sne.s32 s20, $0x1  }
.Ltmp0:
0x10: {  	s9 =	simm.s32 $0x4000;
	s6 =	simm.s32 $0x1;
	(pc) =	sbr.rel @!p1 .LBB2_3-.Ltmp0, $4  }
0x11: {  	[dreg:$0x3] =	wrdreg s1;
	s26 =	sadd.s32 $0x80000, s7;
	s12 =	sadd.s32 s8, s19  }
0x12: {  	s8 =	sadd.s32 s0, s18;
	s4 =	sadd.s32 s0, s19;
	s17 =	simm.s32 $0x10400  }
0x13: {  	s7 =	simm.s32 $0x80;
	s18 =	simm.s32 $0x10480;
	s19 =	simm.s32 $0x10500  }
0x14: {  	s0 =	sadd.s32 $0xFFFFFFFF, s20;
	s20 =	simm.s32 $0x10580;
	s1 =	rddreg [dreg:$0x3]  }
0x15: {  	[tilespmem:s28], [sflag:$0x2] =	stream.linear.gather [hbm4b:s1+s2], $0x400, $0x38;
	[tilespmem:$0x10800] =	vst v63  }
0x16: {  	_ =	swait.ge [sflag:s5], $0x400  }
0x17: {  	[sflag:s5] =	ssyncset.done $0x0  }
0x18: {  	[sflag:s5] =	ssyncadd.s32 $0xFFFFFC00  }
0x19: {  	[tilespmem:s17], [sflag:$0x2] =	stream.linear.gather [hbm4b:s26+s2], $0x400, $0x38;
	[tilespmem:$0x10800] =	vst v63  }
0x1a: {  	_ =	swait.ge [sflag:s5], $0x400  }
0x1b: {  	[sflag:s5] =	ssyncset.done $0x0  }
0x1c: {  	[sflag:s5] =	ssyncadd.s32 $0xFFFFFC00  }
0x1d: {  	[tilespmem:s2], [sflag:$0x1] =	stream.indirect.gather [hbm4b:s3+s7], $0x80, s28, s7, $0xb8;
	[tilespmem:$0x10800] =	vst v63  }
0x1e: {  	_ = 	snop  }
0x1f: {  	[tilespmem:s9], [sflag:$0x1] =	stream.indirect.gather [hbm4b:s3+s7], $0x80, s29, s7, $0xb8;
	[tilespmem:$0x10800] =	vst v63  }
0x20: {  	_ = 	snop  }
0x21: {  	[tilespmem:s10], [sflag:$0x1] =	stream.indirect.gather [hbm4b:s3+s7], $0x80, s30, s7, $0xb8;
	[tilespmem:$0x10800] =	vst v63  }
0x22: {  	_ = 	snop  }
0x23: {  	[tilespmem:s11], [sflag:$0x1] =	stream.indirect.gather [hbm4b:s3+s7], $0x80, s31, s7, $0xb8;
	[tilespmem:$0x10800] =	vst v63  }
0x24: {  	_ =	swait.ge [sflag:s6], $0x4000  }
0x25: {  	[sflag:s6] =	ssyncset.done $0x0  }
0x26: {  	[sflag:s6] =	ssyncadd.s32 $0xFFFFC000  }
0x27: {  	_ =	swait.ge [sflag:s6], $0x4000  }
0x28: {  	[sflag:s6] =	ssyncset.done $0x0  }
0x29: {  	[sflag:s6] =	ssyncadd.s32 $0xFFFFC000  }
0x2a: {  	_ =	swait.ge [sflag:s6], $0x4000  }
0x2b: {  	[sflag:s6] =	ssyncset.done $0x0  }
0x2c: {  	[sflag:s6] =	ssyncadd.s32 $0xFFFFC000  }
0x2d: {  	_ =	swait.ge [sflag:s6], $0x4000  }
0x2e: {  	[sflag:s6] =	ssyncset.done $0x0  }
0x2f: {  	[sflag:s6] =	ssyncadd.s32 $0xFFFFC000  }
0x30: {  	[hbm4b:s21+s2] =	stream.linear.scatter [tilespmem:s2], [sflag:$0x2], $0x10000, $0x38;
	[tilespmem:$0x10800] =	vst v63  }
0x31: {  	_ =	swait.ge [sflag:s5], $0x10000  }
0x32: {  	[sflag:s5] =	ssyncset.done $0x0  }
0x33: {  	[sflag:s5] =	ssyncadd.s32 $0xFFFF0000  }
0x34: {  	[tilespmem:s2], [sflag:$0x1] =	stream.indirect.gather [hbm4b:s3+s7], $0x80, s22, s7, $0xb8;
	[tilespmem:$0x10800] =	vst v63  }
0x35: {  	_ = 	snop  }
0x36: {  	[tilespmem:s9], [sflag:$0x1] =	stream.indirect.gather [hbm4b:s3+s7], $0x80, s23, s7, $0xb8;
	[tilespmem:$0x10800] =	vst v63  }
0x37: {  	_ = 	snop  }
0x38: {  	[tilespmem:s10], [sflag:$0x1] =	stream.indirect.gather [hbm4b:s3+s7], $0x80, s24, s7, $0xb8;
	[tilespmem:$0x10800] =	vst v63  }
0x39: {  	_ = 	snop  }
0x3a: {  	[tilespmem:s11], [sflag:$0x1] =	stream.indirect.gather [hbm4b:s3+s7], $0x80, s25, s7, $0xb8;
	[tilespmem:$0x10800] =	vst v63  }
0x3b: {  	_ =	swait.ge [sflag:s6], $0x4000  }
0x3c: {  	[sflag:s6] =	ssyncset.done $0x0  }
0x3d: {  	[sflag:s6] =	ssyncadd.s32 $0xFFFFC000  }
0x3e: {  	_ =	swait.ge [sflag:s6], $0x4000  }
0x3f: {  	[sflag:s6] =	ssyncset.done $0x0  }
0x40: {  	[sflag:s6] =	ssyncadd.s32 $0xFFFFC000  }
0x41: {  	_ =	swait.ge [sflag:s6], $0x4000  }
0x42: {  	[sflag:s6] =	ssyncset.done $0x0  }
0x43: {  	[sflag:s6] =	ssyncadd.s32 $0xFFFFC000  }
0x44: {  	_ =	swait.ge [sflag:s6], $0x4000  }
0x45: {  	[sflag:s6] =	ssyncset.done $0x0  }
0x46: {  	[sflag:s6] =	ssyncadd.s32 $0xFFFFC000  }
0x47: {  	[hbm4b:s12+s2] =	stream.linear.scatter [tilespmem:s2], [sflag:$0x2], $0x10000, $0x38;
	[tilespmem:$0x10800] =	vst v63  }
0x48: {  	_ =	swait.ge [sflag:s5], $0x10000  }
0x49: {  	[sflag:s5] =	ssyncset.done $0x0  }
0x4a: {  	[sflag:s5] =	ssyncadd.s32 $0xFFFF0000  }
0x4b: {  	[tilespmem:s2], [sflag:$0x1] =	stream.indirect.gather [hbm4b:s3+s7], $0x80, s17, s7, $0xb8;
	[tilespmem:$0x10800] =	vst v63  }
0x4c: {  	_ = 	snop  }
0x4d: {  	[tilespmem:s9], [sflag:$0x1] =	stream.indirect.gather [hbm4b:s3+s7], $0x80, s18, s7, $0xb8;
	[tilespmem:$0x10800] =	vst v63  }
0x4e: {  	_ = 	snop  }
0x4f: {  	[tilespmem:s10], [sflag:$0x1] =	stream.indirect.gather [hbm4b:s3+s7], $0x80, s19, s7, $0xb8;
	[tilespmem:$0x10800] =	vst v63  }
0x50: {  	_ = 	snop  }
0x51: {  	[tilespmem:s11], [sflag:$0x1] =	stream.indirect.gather [hbm4b:s3+s7], $0x80, s20, s7, $0xb8;
	[tilespmem:$0x10800] =	vst v63  }
0x52: {  	_ =	swait.ge [sflag:s6], $0x4000  }
0x53: {  	[sflag:s6] =	ssyncset.done $0x0  }
0x54: {  	[sflag:s6] =	ssyncadd.s32 $0xFFFFC000  }
0x55: {  	_ =	swait.ge [sflag:s6], $0x4000  }
0x56: {  	[sflag:s6] =	ssyncset.done $0x0  }
0x57: {  	[sflag:s6] =	ssyncadd.s32 $0xFFFFC000  }
0x58: {  	_ =	swait.ge [sflag:s6], $0x4000  }
0x59: {  	[sflag:s6] =	ssyncset.done $0x0  }
0x5a: {  	[sflag:s6] =	ssyncadd.s32 $0xFFFFC000  }
0x5b: {  	_ =	swait.ge [sflag:s6], $0x4000  }
0x5c: {  	[sflag:s6] =	ssyncset.done $0x0  }
0x5d: {  	[sflag:s6] =	ssyncadd.s32 $0xFFFFC000  }
0x5e: {  	[hbm4b:s8+s2] =	stream.linear.scatter [tilespmem:s2], [sflag:$0x2], $0x10000, $0x38;
	[tilespmem:$0x10800] =	vst v63  }
0x5f: {  	_ =	swait.ge [sflag:s5], $0x10000  }
0x60: {  	[sflag:s5] =	ssyncset.done $0x0  }
0x61: {  	[sflag:s5] =	ssyncadd.s32 $0xFFFF0000  }
0x62: {  	[tilespmem:s2], [sflag:$0x1] =	stream.indirect.gather [hbm4b:s3+s7], $0x80, s13, s7, $0xb8;
	[tilespmem:$0x10800] =	vst v63  }
0x63: {  	_ = 	snop  }
0x64: {  	[tilespmem:s9], [sflag:$0x1] =	stream.indirect.gather [hbm4b:s3+s7], $0x80, s14, s7, $0xb8;
	[tilespmem:$0x10800] =	vst v63  }
0x65: {  	_ = 	snop  }
0x66: {  	[tilespmem:s10], [sflag:$0x1] =	stream.indirect.gather [hbm4b:s3+s7], $0x80, s15, s7, $0xb8;
	[tilespmem:$0x10800] =	vst v63  }
0x67: {  	_ = 	snop  }
0x68: {  	[tilespmem:s11], [sflag:$0x1] =	stream.indirect.gather [hbm4b:s3+s7], $0x80, s16, s7, $0xb8;
	[tilespmem:$0x10800] =	vst v63  }
0x69: {  	_ =	swait.ge [sflag:s6], $0x4000  }
0x6a: {  	[sflag:s6] =	ssyncset.done $0x0  }
0x6b: {  	[sflag:s6] =	ssyncadd.s32 $0xFFFFC000  }
0x6c: {  	_ =	swait.ge [sflag:s6], $0x4000  }
0x6d: {  	[sflag:s6] =	ssyncset.done $0x0  }
0x6e: {  	[sflag:s6] =	ssyncadd.s32 $0xFFFFC000  }
0x6f: {  	_ =	swait.ge [sflag:s6], $0x4000  }
0x70: {  	[sflag:s6] =	ssyncset.done $0x0  }
0x71: {  	[sflag:s6] =	ssyncadd.s32 $0xFFFFC000  }
0x72: {  	p1 =	sne.s32 s0, $0x1;
	_ =	swait.ge [sflag:s6], $0x4000  }
.Ltmp1:
0x73: {  	[sflag:s6] =	ssyncset.done $0x0;
	(pc) =	sbr.rel @!p1 .LBB2_3-.Ltmp1, $4  }
0x74: {  	[sflag:s6] =	ssyncadd.s32 $0xFFFFC000  }
0x75: {  	[hbm4b:s4+s2] =	stream.linear.scatter [tilespmem:s2], [sflag:$0x2], $0x10000, $0x38;
	[tilespmem:$0x10800] =	vst v63  }
0x76: {  	s0 =	sadd.s32 $0xFFFFFFFF, s0;
	_ =	swait.ge [sflag:s5], $0x10000  }
0x77: {  	p0 =	por $0x1, $0x1;
	s1 =	rddreg [dreg:$0x3];
	[sflag:s5] =	ssyncset.done $0x0  }
.LBB2_2:
0x78: {  	[sflag:s5] =	ssyncadd.s32 $0xFFFF0000  }
0x79: {  	[tilespmem:s28], [sflag:$0x2] =	stream.linear.gather [hbm4b:s1+s2], $0x400, $0x38;
	[tilespmem:$0x10800] =	vst v63  }
0x7a: {  	_ =	swait.ge [sflag:s5], $0x400  }
0x7b: {  	[sflag:s5] =	ssyncset.done $0x0  }
0x7c: {  	[sflag:s5] =	ssyncadd.s32 $0xFFFFFC00  }
0x7d: {  	[tilespmem:s17], [sflag:$0x2] =	stream.linear.gather [hbm4b:s26+s2], $0x400, $0x38;
	[tilespmem:$0x10800] =	vst v63  }
0x7e: {  	_ =	swait.ge [sflag:s5], $0x400  }
0x7f: {  	[sflag:s5] =	ssyncset.done $0x0  }
0x80: {  	[sflag:s5] =	ssyncadd.s32 $0xFFFFFC00  }
0x81: {  	[tilespmem:s2], [sflag:$0x1] =	stream.indirect.gather [hbm4b:s3+s7], $0x80, s28, s7, $0xb8;
	[tilespmem:$0x10800] =	vst v63  }
0x82: {  	_ = 	snop  }
0x83: {  	[tilespmem:s9], [sflag:$0x1] =	stream.indirect.gather [hbm4b:s3+s7], $0x80, s29, s7, $0xb8;
	[tilespmem:$0x10800] =	vst v63  }
0x84: {  	_ = 	snop  }
0x85: {  	[tilespmem:s10], [sflag:$0x1] =	stream.indirect.gather [hbm4b:s3+s7], $0x80, s30, s7, $0xb8;
	[tilespmem:$0x10800] =	vst v63  }
0x86: {  	_ = 	snop  }
0x87: {  	[tilespmem:s11], [sflag:$0x1] =	stream.indirect.gather [hbm4b:s3+s7], $0x80, s31, s7, $0xb8;
	[tilespmem:$0x10800] =	vst v63  }
0x88: {  	_ =	swait.ge [sflag:s6], $0x4000  }
0x89: {  	[sflag:s6] =	ssyncset.done $0x0  }
0x8a: {  	[sflag:s6] =	ssyncadd.s32 $0xFFFFC000  }
0x8b: {  	_ =	swait.ge [sflag:s6], $0x4000  }
0x8c: {  	[sflag:s6] =	ssyncset.done $0x0  }
0x8d: {  	[sflag:s6] =	ssyncadd.s32 $0xFFFFC000  }
0x8e: {  	_ =	swait.ge [sflag:s6], $0x4000  }
0x8f: {  	[sflag:s6] =	ssyncset.done $0x0  }
0x90: {  	[sflag:s6] =	ssyncadd.s32 $0xFFFFC000  }
0x91: {  	_ =	swait.ge [sflag:s6], $0x4000  }
0x92: {  	[sflag:s6] =	ssyncset.done $0x0  }
0x93: {  	[sflag:s6] =	ssyncadd.s32 $0xFFFFC000  }
0x94: {  	[hbm4b:s21+s2] =	stream.linear.scatter [tilespmem:s2], [sflag:$0x2], $0x10000, $0x38;
	[tilespmem:$0x10800] =	vst v63  }
0x95: {  	_ =	swait.ge [sflag:s5], $0x10000  }
0x96: {  	[sflag:s5] =	ssyncset.done $0x0  }
0x97: {  	[sflag:s5] =	ssyncadd.s32 $0xFFFF0000  }
0x98: {  	[tilespmem:s2], [sflag:$0x1] =	stream.indirect.gather [hbm4b:s3+s7], $0x80, s22, s7, $0xb8;
	[tilespmem:$0x10800] =	vst v63  }
0x99: {  	_ = 	snop  }
0x9a: {  	[tilespmem:s9], [sflag:$0x1] =	stream.indirect.gather [hbm4b:s3+s7], $0x80, s23, s7, $0xb8;
	[tilespmem:$0x10800] =	vst v63  }
0x9b: {  	_ = 	snop  }
0x9c: {  	[tilespmem:s10], [sflag:$0x1] =	stream.indirect.gather [hbm4b:s3+s7], $0x80, s24, s7, $0xb8;
	[tilespmem:$0x10800] =	vst v63  }
0x9d: {  	_ = 	snop  }
0x9e: {  	[tilespmem:s11], [sflag:$0x1] =	stream.indirect.gather [hbm4b:s3+s7], $0x80, s25, s7, $0xb8;
	[tilespmem:$0x10800] =	vst v63  }
0x9f: {  	_ =	swait.ge [sflag:s6], $0x4000  }
0xa0: {  	[sflag:s6] =	ssyncset.done $0x0  }
0xa1: {  	[sflag:s6] =	ssyncadd.s32 $0xFFFFC000  }
0xa2: {  	_ =	swait.ge [sflag:s6], $0x4000  }
0xa3: {  	[sflag:s6] =	ssyncset.done $0x0  }
0xa4: {  	[sflag:s6] =	ssyncadd.s32 $0xFFFFC000  }
0xa5: {  	_ =	swait.ge [sflag:s6], $0x4000  }
0xa6: {  	[sflag:s6] =	ssyncset.done $0x0  }
0xa7: {  	[sflag:s6] =	ssyncadd.s32 $0xFFFFC000  }
0xa8: {  	_ =	swait.ge [sflag:s6], $0x4000  }
0xa9: {  	[sflag:s6] =	ssyncset.done $0x0  }
0xaa: {  	[sflag:s6] =	ssyncadd.s32 $0xFFFFC000  }
0xab: {  	[hbm4b:s12+s2] =	stream.linear.scatter [tilespmem:s2], [sflag:$0x2], $0x10000, $0x38;
	[tilespmem:$0x10800] =	vst v63  }
0xac: {  	_ =	swait.ge [sflag:s5], $0x10000  }
0xad: {  	[sflag:s5] =	ssyncset.done $0x0  }
0xae: {  	[sflag:s5] =	ssyncadd.s32 $0xFFFF0000  }
0xaf: {  	[tilespmem:s2], [sflag:$0x1] =	stream.indirect.gather [hbm4b:s3+s7], $0x80, s17, s7, $0xb8;
	[tilespmem:$0x10800] =	vst v63  }
0xb0: {  	_ = 	snop  }
0xb1: {  	[tilespmem:s9], [sflag:$0x1] =	stream.indirect.gather [hbm4b:s3+s7], $0x80, s18, s7, $0xb8;
	[tilespmem:$0x10800] =	vst v63  }
0xb2: {  	_ = 	snop  }
0xb3: {  	[tilespmem:s10], [sflag:$0x1] =	stream.indirect.gather [hbm4b:s3+s7], $0x80, s19, s7, $0xb8;
	[tilespmem:$0x10800] =	vst v63  }
0xb4: {  	_ = 	snop  }
0xb5: {  	[tilespmem:s11], [sflag:$0x1] =	stream.indirect.gather [hbm4b:s3+s7], $0x80, s20, s7, $0xb8;
	[tilespmem:$0x10800] =	vst v63  }
0xb6: {  	_ =	swait.ge [sflag:s6], $0x4000  }
0xb7: {  	[sflag:s6] =	ssyncset.done $0x0  }
0xb8: {  	[sflag:s6] =	ssyncadd.s32 $0xFFFFC000  }
0xb9: {  	_ =	swait.ge [sflag:s6], $0x4000  }
0xba: {  	[sflag:s6] =	ssyncset.done $0x0  }
0xbb: {  	[sflag:s6] =	ssyncadd.s32 $0xFFFFC000  }
0xbc: {  	_ =	swait.ge [sflag:s6], $0x4000  }
0xbd: {  	[sflag:s6] =	ssyncset.done $0x0  }
0xbe: {  	[sflag:s6] =	ssyncadd.s32 $0xFFFFC000  }
0xbf: {  	_ =	swait.ge [sflag:s6], $0x4000  }
0xc0: {  	[sflag:s6] =	ssyncset.done $0x0  }
0xc1: {  	[sflag:s6] =	ssyncadd.s32 $0xFFFFC000  }
0xc2: {  	[hbm4b:s8+s2] =	stream.linear.scatter [tilespmem:s2], [sflag:$0x2], $0x10000, $0x38;
	[tilespmem:$0x10800] =	vst v63  }
0xc3: {  	_ =	swait.ge [sflag:s5], $0x10000  }
0xc4: {  	[sflag:s5] =	ssyncset.done $0x0  }
0xc5: {  	[sflag:s5] =	ssyncadd.s32 $0xFFFF0000  }
0xc6: {  	[tilespmem:s2], [sflag:$0x1] =	stream.indirect.gather [hbm4b:s3+s7], $0x80, s13, s7, $0xb8;
	[tilespmem:$0x10800] =	vst v63  }
0xc7: {  	_ = 	snop  }
0xc8: {  	[tilespmem:s9], [sflag:$0x1] =	stream.indirect.gather [hbm4b:s3+s7], $0x80, s14, s7, $0xb8;
	[tilespmem:$0x10800] =	vst v63  }
0xc9: {  	_ = 	snop  }
0xca: {  	[tilespmem:s10], [sflag:$0x1] =	stream.indirect.gather [hbm4b:s3+s7], $0x80, s15, s7, $0xb8;
	[tilespmem:$0x10800] =	vst v63  }
0xcb: {  	_ = 	snop  }
0xcc: {  	[tilespmem:s11], [sflag:$0x1] =	stream.indirect.gather [hbm4b:s3+s7], $0x80, s16, s7, $0xb8;
	[tilespmem:$0x10800] =	vst v63  }
0xcd: {  	_ =	swait.ge [sflag:s6], $0x4000  }
0xce: {  	[sflag:s6] =	ssyncset.done $0x0  }
0xcf: {  	[sflag:s6] =	ssyncadd.s32 $0xFFFFC000  }
0xd0: {  	_ =	swait.ge [sflag:s6], $0x4000  }
0xd1: {  	[sflag:s6] =	ssyncset.done $0x0  }
0xd2: {  	[sflag:s6] =	ssyncadd.s32 $0xFFFFC000  }
0xd3: {  	_ =	swait.ge [sflag:s6], $0x4000  }
0xd4: {  	[sflag:s6] =	ssyncset.done $0x0  }
0xd5: {  	[sflag:s6] =	ssyncadd.s32 $0xFFFFC000  }
0xd6: {  	p1 =	sne.s32 s0, $0x1;
	_ =	swait.ge [sflag:s6], $0x4000  }
.Ltmp2:
0xd7: {  	[sflag:s6] =	ssyncset.done $0x0;
	(pc) =	sbr.rel @p1 .LBB2_2-.Ltmp2, $4  }
0xd8: {  	[sflag:s6] =	ssyncadd.s32 $0xFFFFC000  }
0xd9: {  	[hbm4b:s4+s2] =	stream.linear.scatter [tilespmem:s2], [sflag:$0x2], $0x10000, $0x38;
	[tilespmem:$0x10800] =	vst v63  }
0xda: {  	_ =	swait.ge [sflag:s5], $0x10000  }
0xdb: {  	s0 =	sadd.s32 $0xFFFFFFFF, s0;
	s1 =	rddreg [dreg:$0x3];
	[sflag:s5] =	ssyncset.done $0x0  }
.LBB2_3:
0xdc: {  	[sflag:s5] =	ssyncadd.s32 @p0 $0xFFFF0000  }
0xdd: {  	[tilespmem:s28], [sflag:$0x2] =	stream.linear.gather [hbm4b:s1+s2], $0x400, $0x38;
	[tilespmem:$0x10800] =	vst v63  }
0xde: {  	_ =	swait.ge [sflag:s5], $0x400  }
0xdf: {  	[sflag:s5] =	ssyncset.done $0x0  }
0xe0: {  	[sflag:s5] =	ssyncadd.s32 $0xFFFFFC00  }
0xe1: {  	[tilespmem:s17], [sflag:$0x2] =	stream.linear.gather [hbm4b:s26+s2], $0x400, $0x38;
	[tilespmem:$0x10800] =	vst v63  }
0xe2: {  	_ =	swait.ge [sflag:s5], $0x400  }
0xe3: {  	[sflag:s5] =	ssyncset.done $0x0  }
0xe4: {  	[sflag:s5] =	ssyncadd.s32 $0xFFFFFC00  }
0xe5: {  	[tilespmem:s2], [sflag:$0x1] =	stream.indirect.gather [hbm4b:s3+s7], $0x80, s28, s7, $0xb8;
	[tilespmem:$0x10800] =	vst v63  }
0xe6: {  	_ = 	snop  }
0xe7: {  	[tilespmem:s9], [sflag:$0x1] =	stream.indirect.gather [hbm4b:s3+s7], $0x80, s29, s7, $0xb8;
	[tilespmem:$0x10800] =	vst v63  }
0xe8: {  	_ = 	snop  }
0xe9: {  	[tilespmem:s10], [sflag:$0x1] =	stream.indirect.gather [hbm4b:s3+s7], $0x80, s30, s7, $0xb8;
	[tilespmem:$0x10800] =	vst v63  }
0xea: {  	_ = 	snop  }
0xeb: {  	[tilespmem:s11], [sflag:$0x1] =	stream.indirect.gather [hbm4b:s3+s7], $0x80, s31, s7, $0xb8;
	[tilespmem:$0x10800] =	vst v63  }
0xec: {  	_ =	swait.ge [sflag:s6], $0x4000  }
0xed: {  	[sflag:s6] =	ssyncset.done $0x0  }
0xee: {  	[sflag:s6] =	ssyncadd.s32 $0xFFFFC000  }
0xef: {  	_ =	swait.ge [sflag:s6], $0x4000  }
0xf0: {  	[sflag:s6] =	ssyncset.done $0x0  }
0xf1: {  	[sflag:s6] =	ssyncadd.s32 $0xFFFFC000  }
0xf2: {  	_ =	swait.ge [sflag:s6], $0x4000  }
0xf3: {  	[sflag:s6] =	ssyncset.done $0x0  }
0xf4: {  	[sflag:s6] =	ssyncadd.s32 $0xFFFFC000  }
0xf5: {  	_ =	swait.ge [sflag:s6], $0x4000  }
0xf6: {  	[sflag:s6] =	ssyncset.done $0x0  }
0xf7: {  	[sflag:s6] =	ssyncadd.s32 $0xFFFFC000  }
0xf8: {  	[hbm4b:s21+s2] =	stream.linear.scatter [tilespmem:s2], [sflag:$0x2], $0x10000, $0x38;
	[tilespmem:$0x10800] =	vst v63  }
0xf9: {  	_ =	swait.ge [sflag:s5], $0x10000  }
0xfa: {  	[sflag:s5] =	ssyncset.done $0x0  }
0xfb: {  	[sflag:s5] =	ssyncadd.s32 $0xFFFF0000  }
0xfc: {  	[tilespmem:s2], [sflag:$0x1] =	stream.indirect.gather [hbm4b:s3+s7], $0x80, s22, s7, $0xb8;
	[tilespmem:$0x10800] =	vst v63  }
0xfd: {  	_ = 	snop  }
0xfe: {  	[tilespmem:s9], [sflag:$0x1] =	stream.indirect.gather [hbm4b:s3+s7], $0x80, s23, s7, $0xb8;
	[tilespmem:$0x10800] =	vst v63  }
0xff: {  	_ = 	snop  }
0x100: {  	[tilespmem:s10], [sflag:$0x1] =	stream.indirect.gather [hbm4b:s3+s7], $0x80, s24, s7, $0xb8;
	[tilespmem:$0x10800] =	vst v63  }
0x101: {  	_ = 	snop  }
0x102: {  	[tilespmem:s11], [sflag:$0x1] =	stream.indirect.gather [hbm4b:s3+s7], $0x80, s25, s7, $0xb8;
	[tilespmem:$0x10800] =	vst v63  }
0x103: {  	_ =	swait.ge [sflag:s6], $0x4000  }
0x104: {  	[sflag:s6] =	ssyncset.done $0x0  }
0x105: {  	[sflag:s6] =	ssyncadd.s32 $0xFFFFC000  }
0x106: {  	_ =	swait.ge [sflag:s6], $0x4000  }
0x107: {  	[sflag:s6] =	ssyncset.done $0x0  }
0x108: {  	[sflag:s6] =	ssyncadd.s32 $0xFFFFC000  }
0x109: {  	_ =	swait.ge [sflag:s6], $0x4000  }
0x10a: {  	[sflag:s6] =	ssyncset.done $0x0  }
0x10b: {  	[sflag:s6] =	ssyncadd.s32 $0xFFFFC000  }
0x10c: {  	_ =	swait.ge [sflag:s6], $0x4000  }
0x10d: {  	[sflag:s6] =	ssyncset.done $0x0  }
0x10e: {  	[sflag:s6] =	ssyncadd.s32 $0xFFFFC000  }
0x10f: {  	[hbm4b:s12+s2] =	stream.linear.scatter [tilespmem:s2], [sflag:$0x2], $0x10000, $0x38;
	[tilespmem:$0x10800] =	vst v63  }
0x110: {  	_ =	swait.ge [sflag:s5], $0x10000  }
0x111: {  	[sflag:s5] =	ssyncset.done $0x0  }
0x112: {  	[sflag:s5] =	ssyncadd.s32 $0xFFFF0000  }
0x113: {  	[tilespmem:s2], [sflag:$0x1] =	stream.indirect.gather [hbm4b:s3+s7], $0x80, s17, s7, $0xb8;
	[tilespmem:$0x10800] =	vst v63  }
0x114: {  	_ = 	snop  }
0x115: {  	[tilespmem:s9], [sflag:$0x1] =	stream.indirect.gather [hbm4b:s3+s7], $0x80, s18, s7, $0xb8;
	[tilespmem:$0x10800] =	vst v63  }
0x116: {  	_ = 	snop  }
0x117: {  	[tilespmem:s10], [sflag:$0x1] =	stream.indirect.gather [hbm4b:s3+s7], $0x80, s19, s7, $0xb8;
	[tilespmem:$0x10800] =	vst v63  }
0x118: {  	_ = 	snop  }
0x119: {  	[tilespmem:s11], [sflag:$0x1] =	stream.indirect.gather [hbm4b:s3+s7], $0x80, s20, s7, $0xb8;
	[tilespmem:$0x10800] =	vst v63  }
0x11a: {  	_ =	swait.ge [sflag:s6], $0x4000  }
0x11b: {  	[sflag:s6] =	ssyncset.done $0x0  }
0x11c: {  	[sflag:s6] =	ssyncadd.s32 $0xFFFFC000  }
0x11d: {  	_ =	swait.ge [sflag:s6], $0x4000  }
0x11e: {  	[sflag:s6] =	ssyncset.done $0x0  }
0x11f: {  	[sflag:s6] =	ssyncadd.s32 $0xFFFFC000  }
0x120: {  	_ =	swait.ge [sflag:s6], $0x4000  }
0x121: {  	[sflag:s6] =	ssyncset.done $0x0  }
0x122: {  	[sflag:s6] =	ssyncadd.s32 $0xFFFFC000  }
0x123: {  	_ =	swait.ge [sflag:s6], $0x4000  }
0x124: {  	[sflag:s6] =	ssyncset.done $0x0  }
0x125: {  	[sflag:s6] =	ssyncadd.s32 $0xFFFFC000  }
0x126: {  	[hbm4b:s8+s2] =	stream.linear.scatter [tilespmem:s2], [sflag:$0x2], $0x10000, $0x38;
	[tilespmem:$0x10800] =	vst v63  }
0x127: {  	_ =	swait.ge [sflag:s5], $0x10000  }
0x128: {  	[sflag:s5] =	ssyncset.done $0x0  }
0x129: {  	[sflag:s5] =	ssyncadd.s32 $0xFFFF0000  }
0x12a: {  	[tilespmem:s2], [sflag:$0x1] =	stream.indirect.gather [hbm4b:s3+s7], $0x80, s13, s7, $0xb8;
	[tilespmem:$0x10800] =	vst v63  }
0x12b: {  	_ = 	snop  }
0x12c: {  	[tilespmem:s9], [sflag:$0x1] =	stream.indirect.gather [hbm4b:s3+s7], $0x80, s14, s7, $0xb8;
	[tilespmem:$0x10800] =	vst v63  }
0x12d: {  	_ = 	snop  }
0x12e: {  	[tilespmem:s10], [sflag:$0x1] =	stream.indirect.gather [hbm4b:s3+s7], $0x80, s15, s7, $0xb8;
	[tilespmem:$0x10800] =	vst v63  }
0x12f: {  	_ = 	snop  }
0x130: {  	[tilespmem:s11], [sflag:$0x1] =	stream.indirect.gather [hbm4b:s3+s7], $0x80, s16, s7, $0xb8;
	[tilespmem:$0x10800] =	vst v63  }
0x131: {  	_ =	swait.ge [sflag:s6], $0x4000  }
0x132: {  	[sflag:s6] =	ssyncset.done $0x0  }
0x133: {  	[sflag:s6] =	ssyncadd.s32 $0xFFFFC000  }
0x134: {  	_ =	swait.ge [sflag:s6], $0x4000  }
0x135: {  	[sflag:s6] =	ssyncset.done $0x0  }
0x136: {  	[sflag:s6] =	ssyncadd.s32 $0xFFFFC000  }
0x137: {  	_ =	swait.ge [sflag:s6], $0x4000  }
0x138: {  	[sflag:s6] =	ssyncset.done $0x0  }
0x139: {  	[sflag:s6] =	ssyncadd.s32 $0xFFFFC000  }
0x13a: {  	_ =	swait.ge [sflag:s6], $0x4000  }
0x13b: {  	[sflag:s6] =	ssyncset.done $0x0  }
0x13c: {  	[sflag:s6] =	ssyncadd.s32 $0xFFFFC000  }
0x13d: {  	[hbm4b:s4+s2] =	stream.linear.scatter [tilespmem:s2], [sflag:$0x2], $0x10000, $0x38;
	[tilespmem:$0x10800] =	vst v63  }
0x13e: {  	_ =	swait.ge [sflag:s5], $0x10000  }
0x13f: {  	[sflag:s5] =	ssyncset.done $0x0  }
0x140: {  	[sflag:s5] =	ssyncadd.s32 $0xFFFF0000  }
0x141: {  	_ =	sfence.sel $0x180000  }
0x142: {  	[bflag:$0x0] =	sbarrier.arrive $0xFFFF  }
0x143: {  	_ =	strace $0x9000004A  }
0x144: {  	s0 =	stileid.u32;
	[bflag:$0x2] =	sbarrier.arrive $0xFFFF  }
0x145: {  	p0 =	sne.s32 s0, $0x0;
	s0 =	rddreg [dreg:$0x2]  }
0x146: {  	s0 =	sadd.s32 @!p0 $0x100000, s0  }
0x147: {  	[sflag:s0] =	ssyncadd.tile.s32 @!p0 $0x1;
	_ =	shalt  }
.Lfunc_end2:
_tile_overlayer_lowered:
.L_overlay_start_2:
0x148: {  	(tag) =	ssettag $0x2  }
0x149: {  	s0 =	rddreg [dreg:$0x0];
	s2 =	stileid.u32  }
0x14a: {  	s1 =	rddreg [dreg:$0x1];
	p0 =	sne.s32 s2, $0x0  }
0x14b: {  	s3 =	rddreg [dreg:$0x2];
	[bflag:$0x3] =	sbarrier.arrive $0xFFFF;
	s2 =	simm.s32 @!p0 $0x1C02  }
0x14c: {  	[timem:s3], [sflag:s2] =	dma.local @!p0 [hbm:s0], s1  }
0x14d: {  	s0 =	simm.s32 @!p0 $0x2  }
0x14e: {  	_ =	swait.ge @!p0 [sflag:s0], s1  }
0x14f: {  	s1 =	ssub.s32 @!p0 $0x0, s1;
	[sflag:s0] =	ssyncset.done @!p0 $0x0  }
0x150: {  	[sflag:s0] =	ssyncadd.s32 @!p0 s1  }
0x151: {  	[bflag:$0x3] =	sbarrier.arrive $0xFFFF  }
0x152: {  	_ =	shalt  }

// kernel: kernel.8.cloned.1.call-start
scs
__scs_entry_jumppad:
0x0: {  	(pc) =	sbr.rel $0x88, $3  }
0x1: {  	(tag) =	ssettag $0x0;
	lr =	simm.s32 $0x1  }
0x2: {  	[smem:$0x3F9B] =	sst lr;
	_ =	strace $0xD0000000  }
0x3: {  	_ = 	snop  }
0x4: {  	_ = 	snop  }
0x5: {  	_ = 	snop  }
0x6: {  	_ = 	snop  }
0x7: {  	_ = 	snop  }
__scs_overlays_trampoline_lowered:
0x8: {  	[smem:$0x3FAA] =	sst s0  }
0x9: {  	[smem:$0x3FAB] =	sst s1  }
0xa: {  	[smem:$0x3FAC] =	sst s2  }
0xb: {  	[smem:$0x3FAD] =	sst s3  }
0xc: {  	[smem:$0x3FAE] =	sst s4  }
0xd: {  	[smem:$0x3FAF] =	sst s5  }
0xe: {  	[smem:$0x3FB0] =	sst s6  }
0xf: {  	[smem:$0x3FB1] =	sst s7  }
0x10: {  	[smem:$0x3FB2] =	sst s8  }
0x11: {  	[smem:$0x3FB3] =	sst s9;
	s0 =	simm.s32 @!p0 $0x0  }
0x12: {  	s1 =	sld [smem:$0x3F99];
	s0 =	simm.s32 @p0 $0x1  }
0x13: {  	[smem:$0x3FB4] =	sst s0;
	s0 =	simm.s32 @!p1 $0x0  }
0x14: {  	s2 =	sld [smem:$0x3F98];
	s0 =	simm.s32 @p1 $0x1  }
0x15: {  	[smem:$0x3FB5] =	sst s0;
	s0 =	simm.s32 @!p2 $0x0  }
0x16: {  	s3 =	sld [smem:$0x3FDB];
	s0 =	simm.s32 @p2 $0x1  }
0x17: {  	s4 =	simm.s32 $0x1BF5;
	[smem:$0x3FB7] =	sst s0  }
0x18: {  	s0 =	sld [smem:$0x3F9A];
	_ =	swait.ge [sflag:s4], $0x0  }
0x19: {  	s7 =	sld [smem:$0x3F9B]  }
0x1a: {  	s8 =	sadd.s32 $0xFFFFE003, lr  }
0x1b: {  	s9 =	sadd.s32 $0xFFFFFEF7, lr;
	s5 =	simm.s32 $0xFFFFFFFF;
	p2 =	slt.u32 s8, $0xFFFFF086  }
0x1c: {  	p1 =	slt.u32 s9, $0xF7A;
	s5 =	simm.s32 @!p2 $0x0  }
0x1d: {  	s5 =	simm.s32 @p1 $0x1;
	p0 =	seq.s32 s7, s2  }
0x1e: {  	s7 =	smul.u32 @!p0 $0xF7A, s2;
	p2 =	seq.s32 @!p0 s5, $0x0  }
0x1f: {  	s9 =	smul.u32 $0xF7A, s1;
	s8 =	simm.s32 @!p0 $0x1BF5;
	p2 =	por !p2, p0  }
0x20: {  	[sflag:s8] =	ssyncset.s32 @!p0 $0xFFFFF086;
	s6 =	sadd.s32 @!p0 s3, s7;
	s7 =	simm.s32 @!p0 $0x108  }
0x21: {  	s3 =	sadd.s32 s3, s9;
	s6 =	sadd.s32 @!p0 $0x88, s6;
	s7 =	simm.s32 @p2 $0x1082  }
0x22: {  	[simem:s7], [sflag:s8] =	dma.local @!p0 [hbm:s6], $0xF7A  }
0x23: {  	s9 =	sor.u32 $0xD0000000, s2;
	s6 =	simm.s32 $0x108;
	_ =	swait.ge @!p0 [sflag:s8], $0x0  }
0x24: {  	s3 =	sadd.s32 $0x88, s3;
	s6 =	simm.s32 @!p1 $0x1082;
	[sflag:s4] =	ssyncset.s32 $0xFFFFF086  }
0x25: {  	[simem:s6], [sflag:s4] =	dma.local [hbm:s3], $0xF7A  }
0x26: {  	[smem:$0x3F9B] =	sst s1;
	(tag) =	ssettag s2;
	_ =	strace s9  }
0x27: {  	s1 =	sld [smem:$0x3FAB]  }
0x28: {  	s2 =	sld [smem:$0x3FAC]  }
0x29: {  	s4 =	sld [smem:$0x3FAE]  }
0x2a: {  	p0 =	seq.s32 s5, $0x0;
	s5 =	sld [smem:$0x3FAF]  }
0x2b: {  	s6 =	sld [smem:$0x3FB0]  }
0x2c: {  	s7 =	sld [smem:$0x3FB1]  }
0x2d: {  	s3 =	simm.s32 $0x108;
	s8 =	sld [smem:$0x3FB2]  }
0x2e: {  	s3 =	simm.s32 @!p0 $0x1082;
	s9 =	sld [smem:$0x3FB3]  }
0x2f: {  	lr =	sadd.s32 s0, s3;
	s0 =	sld [smem:$0x3FAA]  }
0x30: {  	s3 =	sld [smem:$0x3FAD]  }
0x31: {  	[smem:$0x3FB6] =	sst s10  }
0x32: {  	s10 =	sld [smem:$0x3FB4];
	_ =	sdelay $0x3  }
0x33: {  	p0 =	seq.s32 s10, $0x1;
	s10 =	sld [smem:$0x3FB6];
	_ =	sdelay $0x3  }
0x34: {  	[smem:$0x3FB6] =	sst s10  }
0x35: {  	s10 =	sld [smem:$0x3FB5];
	_ =	sdelay $0x3  }
0x36: {  	p1 =	seq.s32 s10, $0x1;
	s10 =	sld [smem:$0x3FB6];
	_ =	sdelay $0x3  }
0x37: {  	[smem:$0x3FB6] =	sst s10  }
0x38: {  	s10 =	sld [smem:$0x3FB7]  }
0x39: {  	_ = 	snop;
	(pc) =	sbr.ind lr, $3  }
0x3a: {  	_ = 	snop  }
0x3b: {  	_ = 	snop  }
0x3c: {  	p2 =	seq.s32 s10, $0x1;
	s10 =	sld [smem:$0x3FB6]  }
0x3d: {  	_ =	shalt  }
0x3e: {  	_ =	shalt  }
0x3f: {  	_ =	shalt  }
0x40: {  	_ =	shalt  }
0x41: {  	_ =	shalt  }
0x42: {  	_ =	shalt  }
0x43: {  	_ =	shalt  }
0x44: {  	_ =	shalt  }
0x45: {  	_ =	shalt  }
0x46: {  	_ =	shalt  }
0x47: {  	_ =	shalt  }
0x48: {  	_ =	shalt  }
0x49: {  	_ =	shalt  }
0x4a: {  	_ =	shalt  }
0x4b: {  	_ =	shalt  }
0x4c: {  	_ =	shalt  }
0x4d: {  	_ =	shalt  }
0x4e: {  	_ =	shalt  }
0x4f: {  	_ =	shalt  }
0x50: {  	_ =	shalt  }
0x51: {  	_ =	shalt  }
0x52: {  	_ =	shalt  }
0x53: {  	_ =	shalt  }
0x54: {  	_ =	shalt  }
0x55: {  	_ =	shalt  }
0x56: {  	_ =	shalt  }
0x57: {  	_ =	shalt  }
0x58: {  	_ =	shalt  }
0x59: {  	_ =	shalt  }
0x5a: {  	_ =	shalt  }
0x5b: {  	_ =	shalt  }
0x5c: {  	_ =	shalt  }
0x5d: {  	_ =	shalt  }
0x5e: {  	_ =	shalt  }
0x5f: {  	_ =	shalt  }
0x60: {  	_ =	shalt  }
0x61: {  	_ =	shalt  }
0x62: {  	_ =	shalt  }
0x63: {  	_ =	shalt  }
0x64: {  	_ =	shalt  }
0x65: {  	_ =	shalt  }
0x66: {  	_ =	shalt  }
0x67: {  	_ =	shalt  }
0x68: {  	_ =	shalt  }
0x69: {  	_ =	shalt  }
0x6a: {  	_ =	shalt  }
0x6b: {  	_ =	shalt  }
0x6c: {  	_ =	shalt  }
0x6d: {  	_ =	shalt  }
0x6e: {  	_ =	shalt  }
0x6f: {  	_ =	shalt  }
0x70: {  	_ =	shalt  }
0x71: {  	_ =	shalt  }
0x72: {  	_ =	shalt  }
0x73: {  	_ =	shalt  }
0x74: {  	_ =	shalt  }
0x75: {  	_ =	shalt  }
0x76: {  	_ =	shalt  }
0x77: {  	_ =	shalt  }
0x78: {  	_ =	shalt  }
0x79: {  	_ =	shalt  }
0x7a: {  	_ =	shalt  }
0x7b: {  	_ =	shalt  }
0x7c: {  	_ =	shalt  }
0x7d: {  	_ =	shalt  }
0x7e: {  	_ =	shalt  }
0x7f: {  	_ =	shalt  }
0x80: {  	_ =	shalt  }
0x81: {  	_ =	shalt  }
0x82: {  	_ =	shalt  }
0x83: {  	_ =	shalt  }
0x84: {  	_ =	shalt  }
0x85: {  	_ =	shalt  }
0x86: {  	_ =	shalt  }
0x87: {  	_ =	shalt  }
.Lfunc_end0:
.L_simem_size_0:
called_computation_lowered:
.L_overlay_start_0:
0x88: {  	s2 =	sld [smem:$0x3FD9]  }
0x89: {  	s3 =	sld [smem:$0x3FFE];
	_ =	sdelay $0x1  }
0x8a: {  	s1 =	srdreg.scid  }
0x8b: {  	s0 =	sand.u32 $0x1, s1  }
0x8c: {  	s17 =	sshll.u32 s0, $0xA;
	s2 =	sadd.s32 s3, s2  }
0x8d: {  	s2 =	sadd.s32 s2, s17  }
0x8e: {  	[smem:$0x3FC2] =	sst s2  }
0x8f: {  	_ = 	snop  }
0x90: {  	s2 =	sld [smem:$0x3FD0];
	(tm) =	ssettm $0x1  }
0x91: {  	s18 =	sld [smem:$0x3FFB];
	_ =	sdelay $0x3  }
0x92: {  	_ =	strace s18  }
0x93: {  	s3 =	sld [smem:$0x3FFC];
	_ =	sdelay $0x3  }
0x94: {  	_ =	strace s3  }
0x95: {  	s3 =	sld [smem:$0x3FFD];
	_ =	sdelay $0x3  }
0x96: {  	_ =	strace s3  }
0x97: {  	_ =	strace $0x8FFFFFFF  }
0x98: {  	s19 =	sld [smem:$0x3FDB];
	_ =	sdelay $0x1  }
0x99: {  	s4 =	simm.s32 $_scs_section_size  }
0x9a: {  	s5 =	simm.s32 $_size__tile_overlayer_lowered;
	s6 =	simm.s32 $_tile_overlayer_lowered  }
0x9b: {  	s22 =	simm.s32 $0x1BFF;
	s21 =	sshll.u32 s6, $0x1;
	s3 =	sadd.s32 s4, s19  }
0x9c: {  	s7 =	simm.s32 $0x0;
	s20 =	sshll.u32 s5, $0x1;
	s5 =	sadd.s32 s21, s3  }
0x9d: {  	[timem:s7], [sflag:s22] =	dma.local [hbm:s5], s20  }
0x9e: {  	_ =	swait.ge [sflag:s22], s20  }
0x9f: {  	s4 =	ssub.s32 $0x0, s20;
	[sflag:s22] =	ssyncset.done $0x0  }
0xa0: {  	[sflag:s22] =	ssyncadd.s32 s4;
	_ =	sdelay $0x1  }
0xa1: {  	s23 =	simm.s32 $0x1B8B  }
0xa2: {  	_ =	swait.ge [sflag:s23], $0x1  }
0xa3: {  	[sflag:s23] =	ssyncset.done $0x0  }
0xa4: {  	s25 =	simm.s32 $0x1B8E;
	s24 =	sld [smem:$0x3FFE];
	[sflag:s23] =	ssyncadd.s32 $0xFFFFFFFF  }
0xa5: {  	s26 =	simm.s32 $execute0_lowered;
	[smem:$0x3FD2] =	sst s25  }
0xa6: {  	s5 =	sshll.u32 s26, $0x1;
	_ =	strace $0x80000046;
	[dreg:$0x1] =	wrdreg $0xFFFFFFFF  }
0xa7: {  	s28 =	simm.s32 $_size_execute0_lowered;
	s3 =	sadd.s32 s3, s5;
	[dreg:$0x0] =	wrdreg $0x0  }
0xa8: {  	s5 =	sshll.u32 s28, $0x1;
	[dreg:$0x2] =	wrdreg s3  }
0xa9: {  	[dreg:$0x3] =	wrdreg s5  }
0xaa: {  	[dreg:$0x4] =	wrdreg $0xC0  }
0xab: {  	_ =	task [dreg:s7], $0x5FFFF  }
0xac: {  	[dreg:$0x1] =	wrdreg $0xFFFFFFFF  }
0xad: {  	[dreg:$0x0] =	wrdreg $0x60  }
0xae: {  	[dreg:$0x2] =	wrdreg s24  }
0xaf: {  	[dreg:$0x3] =	wrdreg s2  }
0xb0: {  	[dreg:$0x4] =	wrdreg $0x9  }
0xb1: {  	_ =	task.clear_ibuf [dreg:s7], $0x5FFFF;
	_ =	strace $0x90000046  }
0xb2: {  	s29 =	simm.s32 $0x9;
	_ =	strace $0x80000048  }
0xb3: {  	_ =	swait.ge [sflag:s29], $0x1  }
0xb4: {  	[sflag:s29] =	ssyncadd.s32 $0xFFFFFFFF  }
0xb5: {  	_ =	strace $0x90000048  }
0xb6: {  	_ =	sfence  }
0xb7: {  	s30 =	sld [smem:$0x0];
	_ =	sdelay $0x2  }
0xb8: {  	s31 =	sshll.u32 s1, $0xD;
	s1 =	sshrl.u32 s1, $0x2  }
0xb9: {  	s3 =	sand.u32 $0x4000, s31;
	s1 =	sadd.s32 s1, s30  }
0xba: {  	s0 =	sor.u32 s3, s0;
	s1 =	sshll.u32 s1, $0x11  }
0xbb: {  	s0 =	sor.u32 s1, s0  }
0xbc: {  	s0 =	sadd.s32 $0x8F2B, s0  }
0xbd: {  	[sflag:s0] =	ssyncadd.remote.s32 $0x1  }
0xbe: {  	_ =	sfence.sel $0xFFFF  }
0xbf: {  	[dreg:$0x0] =	wrdreg $0xFFFFFFFF;
	(pc) =	sbr.abs _section_cstart, $3  }
0xc0: {  	[dreg:$0x1] =	wrdreg $0xFFFFFFFF  }
0xc1: {  	_ =	task.clear_ibuf [dreg:s7], $0x2FFFF;
	_ =	strace $0x9FFFFFFF  }
0xc2: {  	(tm) =	ssettm $0x7FFFFFFF  }
0xc3: {  	_ =	shalt  }
tec
execute0_lowered:
.L_overlay_start_1:
0x0: {  	(tag) =	ssettag $0x1  }
0x1: {  	s4 =	srdreg.scid;
	s1 =	stileid.u32  }
0x2: {  	s9 =	rddreg [dreg:$0x0];
	s31 =	sand.u32 $0x1, s4;
	s26 =	sshll.u32 s1, $0x1  }
0x3: {  	s3 =	rddreg [dreg:$0x1];
	s2 =	simm.s32 $0x0;
	s8 =	sor.u32 s31, s26  }
0x4: {  	s5 =	simm.s32 $0x2;
	[smem:$0x7FF] =	sst s2;
	s6 =	sshll.u32 s8, $0x7  }
0x5: {  	s4 =	simm.s32 $0x10000;
	_ =	strace $0x80000047;
	s3 =	sadd.s32 s3, s6  }
0x6: {  	[tilespmem:s4], [sflag:$0x2] =	stream.linear.gather [hbm4b:s3+s2], $0x400, $0x38;
	[tilespmem:$0x10800] =	vst v63  }
0x7: {  	_ =	swait.ge [sflag:s5], $0x400  }
0x8: {  	s6 =	sadd.s32 s6, s9;
	[sflag:s5] =	ssyncset.done $0x0  }
0x9: {  	s7 =	simm.s32 $0x10400;
	s6 =	sadd.s32 $0x80000, s6;
	[sflag:s5] =	ssyncadd.s32 $0xFFFFFC00  }
0xa: {  	[tilespmem:s7], [sflag:$0x2] =	stream.linear.gather [hbm4b:s6+s2], $0x400, $0x38;
	[tilespmem:$0x10800] =	vst v63  }
0xb: {  	s8 =	sshll.u32 s8, $0xE;
	_ =	swait.ge [sflag:s5], $0x400  }
0xc: {  	s21 =	sadd.s32 s8, s9;
	[sflag:s5] =	ssyncset.done $0x0  }
0xd: {  	s8 =	sadd.s32 $0x380000, s21;
	[sflag:s5] =	ssyncadd.s32 $0xFFFFFC00  }
0xe: {  	[tilespmem:s2], [sflag:$0x2] =	stream.linear.gather [hbm4b:s8+s2], $0x10000, $0x38;
	[tilespmem:$0x10800] =	vst v63  }
0xf: {  	_ =	swait.ge [sflag:s5], $0x10000  }
0x10: {  	[sflag:s5] =	ssyncset.done $0x0  }
0x11: {  	s10 =	simm.s32 $0x80;
	s9 =	sadd.s32 $0x81000, s9;
	[sflag:s5] =	ssyncadd.s32 $0xFFFF0000  }
0x12: {  	[hbm4b:s9+s10] =	stream.indirect.scatter [tilespmem:s2], [sflag:$0x1], $0x80, s4, s10, $0xb8;
	[tilespmem:$0x10800] =	vst v63  }
0x13: {  	_ = 	snop  }
0x14: {  	[hbm4b:s9+s10] =	stream.indirect.scatter [tilespmem:s2], [sflag:$0x1], $0x80, s7, s10, $0xb8;
	[tilespmem:$0x10800] =	vst v63  }
0x15: {  	s11 =	simm.s32 $0x10080;
	s12 =	simm.s32 $0x4000  }
0x16: {  	[hbm4b:s9+s10] =	stream.indirect.scatter [tilespmem:s12], [sflag:$0x1], $0x80, s11, s10, $0xb8;
	[tilespmem:$0x10800] =	vst v63  }
0x17: {  	s13 =	simm.s32 $0x10480  }
0x18: {  	[hbm4b:s9+s10] =	stream.indirect.scatter [tilespmem:s12], [sflag:$0x1], $0x80, s13, s10, $0xb8;
	[tilespmem:$0x10800] =	vst v63  }
0x19: {  	s14 =	simm.s32 $0x10100;
	s15 =	simm.s32 $0x8000  }
0x1a: {  	[hbm4b:s9+s10] =	stream.indirect.scatter [tilespmem:s15], [sflag:$0x1], $0x80, s14, s10, $0xb8;
	[tilespmem:$0x10800] =	vst v63  }
0x1b: {  	s16 =	simm.s32 $0x10500  }
0x1c: {  	[hbm4b:s9+s10] =	stream.indirect.scatter [tilespmem:s15], [sflag:$0x1], $0x80, s16, s10, $0xb8;
	[tilespmem:$0x10800] =	vst v63  }
0x1d: {  	s17 =	simm.s32 $0x10180;
	s18 =	simm.s32 $0xC000  }
0x1e: {  	[hbm4b:s9+s10] =	stream.indirect.scatter [tilespmem:s18], [sflag:$0x1], $0x80, s17, s10, $0xb8;
	[tilespmem:$0x10800] =	vst v63  }
0x1f: {  	s20 =	simm.s32 $0x10580;
	s19 =	simm.s32 $0x1  }
0x20: {  	[hbm4b:s9+s10] =	stream.indirect.scatter [tilespmem:s18], [sflag:$0x1], $0x80, s20, s10, $0xb8;
	[tilespmem:$0x10800] =	vst v63  }
0x21: {  	_ =	swait.ge [sflag:s19], $0x4000  }
0x22: {  	[sflag:s19] =	ssyncset.done $0x0  }
0x23: {  	[sflag:s19] =	ssyncadd.s32 $0xFFFFC000  }
0x24: {  	_ =	swait.ge [sflag:s19], $0x4000  }
0x25: {  	[sflag:s19] =	ssyncset.done $0x0  }
0x26: {  	[sflag:s19] =	ssyncadd.s32 $0xFFFFC000  }
0x27: {  	_ =	swait.ge [sflag:s19], $0x4000  }
0x28: {  	[sflag:s19] =	ssyncset.done $0x0  }
0x29: {  	[sflag:s19] =	ssyncadd.s32 $0xFFFFC000  }
0x2a: {  	_ =	swait.ge [sflag:s19], $0x4000  }
0x2b: {  	[sflag:s19] =	ssyncset.done $0x0  }
0x2c: {  	[sflag:s19] =	ssyncadd.s32 $0xFFFFC000  }
0x2d: {  	_ =	swait.ge [sflag:s19], $0x4000  }
0x2e: {  	[sflag:s19] =	ssyncset.done $0x0  }
0x2f: {  	[sflag:s19] =	ssyncadd.s32 $0xFFFFC000  }
0x30: {  	_ =	swait.ge [sflag:s19], $0x4000  }
0x31: {  	[sflag:s19] =	ssyncset.done $0x0  }
0x32: {  	[sflag:s19] =	ssyncadd.s32 $0xFFFFC000  }
0x33: {  	_ =	swait.ge [sflag:s19], $0x4000  }
0x34: {  	[sflag:s19] =	ssyncset.done $0x0  }
0x35: {  	[sflag:s19] =	ssyncadd.s32 $0xFFFFC000  }
0x36: {  	_ =	swait.ge [sflag:s19], $0x4000  }
0x37: {  	[sflag:s19] =	ssyncset.done $0x0  }
0x38: {  	s21 =	sadd.s32 $0x382000, s21;
	[sflag:s19] =	ssyncadd.s32 $0xFFFFC000  }
0x39: {  	[tilespmem:s2], [sflag:$0x2] =	stream.linear.gather [hbm4b:s21+s2], $0x10000, $0x38;
	[tilespmem:$0x10800] =	vst v63  }
0x3a: {  	_ =	swait.ge [sflag:s5], $0x10000  }
0x3b: {  	[sflag:s5] =	ssyncset.done $0x0  }
0x3c: {  	s22 =	simm.s32 $0x10200;
	[sflag:s5] =	ssyncadd.s32 $0xFFFF0000  }
0x3d: {  	[hbm4b:s9+s10] =	stream.indirect.scatter [tilespmem:s2], [sflag:$0x1], $0x80, s22, s10, $0xb8;
	[tilespmem:$0x10800] =	vst v63  }
0x3e: {  	s23 =	simm.s32 $0x10600  }
0x3f: {  	[hbm4b:s9+s10] =	stream.indirect.scatter [tilespmem:s2], [sflag:$0x1], $0x80, s23, s10, $0xb8;
	[tilespmem:$0x10800] =	vst v63  }
0x40: {  	s24 =	simm.s32 $0x10280  }
0x41: {  	[hbm4b:s9+s10] =	stream.indirect.scatter [tilespmem:s12], [sflag:$0x1], $0x80, s24, s10, $0xb8;
	[tilespmem:$0x10800] =	vst v63  }
0x42: {  	s25 =	simm.s32 $0x10680  }
0x43: {  	[hbm4b:s9+s10] =	stream.indirect.scatter [tilespmem:s12], [sflag:$0x1], $0x80, s25, s10, $0xb8;
	[tilespmem:$0x10800] =	vst v63  }
0x44: {  	s26 =	simm.s32 $0x10300  }
0x45: {  	[hbm4b:s9+s10] =	stream.indirect.scatter [tilespmem:s15], [sflag:$0x1], $0x80, s26, s10, $0xb8;
	[tilespmem:$0x10800] =	vst v63  }
0x46: {  	s28 =	simm.s32 $0x10700  }
0x47: {  	[hbm4b:s9+s10] =	stream.indirect.scatter [tilespmem:s15], [sflag:$0x1], $0x80, s28, s10, $0xb8;
	[tilespmem:$0x10800] =	vst v63  }
0x48: {  	s29 =	simm.s32 $0x10380  }
0x49: {  	[hbm4b:s9+s10] =	stream.indirect.scatter [tilespmem:s18], [sflag:$0x1], $0x80, s29, s10, $0xb8;
	[tilespmem:$0x10800] =	vst v63  }
0x4a: {  	s30 =	simm.s32 $0x10780  }
0x4b: {  	[hbm4b:s9+s10] =	stream.indirect.scatter [tilespmem:s18], [sflag:$0x1], $0x80, s30, s10, $0xb8;
	[tilespmem:$0x10800] =	vst v63  }
0x4c: {  	_ =	swait.ge [sflag:s19], $0x4000  }
0x4d: {  	[sflag:s19] =	ssyncset.done $0x0  }
0x4e: {  	[sflag:s19] =	ssyncadd.s32 $0xFFFFC000  }
0x4f: {  	_ =	swait.ge [sflag:s19], $0x4000  }
0x50: {  	[sflag:s19] =	ssyncset.done $0x0  }
0x51: {  	[sflag:s19] =	ssyncadd.s32 $0xFFFFC000  }
0x52: {  	_ =	swait.ge [sflag:s19], $0x4000  }
0x53: {  	[sflag:s19] =	ssyncset.done $0x0  }
0x54: {  	[sflag:s19] =	ssyncadd.s32 $0xFFFFC000  }
0x55: {  	_ =	swait.ge [sflag:s19], $0x4000  }
0x56: {  	[sflag:s19] =	ssyncset.done $0x0  }
0x57: {  	[sflag:s19] =	ssyncadd.s32 $0xFFFFC000  }
0x58: {  	_ =	swait.ge [sflag:s19], $0x4000  }
0x59: {  	s31 =	ssub.s32 $0x2, s31;
	[sflag:s19] =	ssyncset.done $0x0  }
0x5a: {  	s0 =	sshrl.u32 s31, $0x1;
	[sflag:s19] =	ssyncadd.s32 $0xFFFFC000  }
0x5b: {  	s0 =	ssub.s32 s31, s0;
	_ =	swait.ge [sflag:s19], $0x4000  }
0x5c: {  	s0 =	smax.u32 s0, $0x1;
	[sflag:s19] =	ssyncset.done $0x0  }
0x5d: {  	p0 =	sne.s32 s0, $0x1;
	[sflag:s19] =	ssyncadd.s32 $0xFFFFC000  }
.Ltmp0:
0x5e: {  	_ =	swait.ge [sflag:s19], $0x4000;
	(pc) =	sbr.rel @!p0 .LBB2_2-.Ltmp0, $4  }
0x5f: {  	[sflag:s19] =	ssyncset.done $0x0  }
0x60: {  	[sflag:s19] =	ssyncadd.s32 $0xFFFFC000  }
0x61: {  	_ =	swait.ge [sflag:s19], $0x4000  }
0x62: {  	s31 =	sadd.s32 $0xFFFFFFFF, s0;
	[sflag:s19] =	ssyncset.done $0x0  }
.LBB2_1:
0x63: {  	p0 =	sne.s32 s31, $0x1;
	s31 =	sadd.s32 $0xFFFFFFFF, s31;
	[sflag:s19] =	ssyncadd.s32 $0xFFFFC000  }
0x64: {  	[tilespmem:s4], [sflag:$0x2] =	stream.linear.gather [hbm4b:s3+s2], $0x400, $0x38;
	[tilespmem:$0x10800] =	vst v63  }
0x65: {  	_ =	swait.ge [sflag:s5], $0x400  }
0x66: {  	[sflag:s5] =	ssyncset.done $0x0  }
0x67: {  	[sflag:s5] =	ssyncadd.s32 $0xFFFFFC00  }
0x68: {  	[tilespmem:s7], [sflag:$0x2] =	stream.linear.gather [hbm4b:s6+s2], $0x400, $0x38;
	[tilespmem:$0x10800] =	vst v63  }
0x69: {  	_ =	swait.ge [sflag:s5], $0x400  }
0x6a: {  	[sflag:s5] =	ssyncset.done $0x0  }
0x6b: {  	[sflag:s5] =	ssyncadd.s32 $0xFFFFFC00  }
0x6c: {  	[tilespmem:s2], [sflag:$0x2] =	stream.linear.gather [hbm4b:s8+s2], $0x10000, $0x38;
	[tilespmem:$0x10800] =	vst v63  }
0x6d: {  	_ =	swait.ge [sflag:s5], $0x10000  }
0x6e: {  	[sflag:s5] =	ssyncset.done $0x0  }
0x6f: {  	[sflag:s5] =	ssyncadd.s32 $0xFFFF0000  }
0x70: {  	[hbm4b:s9+s10] =	stream.indirect.scatter [tilespmem:s2], [sflag:$0x1], $0x80, s4, s10, $0xb8;
	[tilespmem:$0x10800] =	vst v63  }
0x71: {  	_ = 	snop  }
0x72: {  	[hbm4b:s9+s10] =	stream.indirect.scatter [tilespmem:s2], [sflag:$0x1], $0x80, s7, s10, $0xb8;
	[tilespmem:$0x10800] =	vst v63  }
0x73: {  	_ = 	snop  }
0x74: {  	[hbm4b:s9+s10] =	stream.indirect.scatter [tilespmem:s12], [sflag:$0x1], $0x80, s11, s10, $0xb8;
	[tilespmem:$0x10800] =	vst v63  }
0x75: {  	_ = 	snop  }
0x76: {  	[hbm4b:s9+s10] =	stream.indirect.scatter [tilespmem:s12], [sflag:$0x1], $0x80, s13, s10, $0xb8;
	[tilespmem:$0x10800] =	vst v63  }
0x77: {  	_ = 	snop  }
0x78: {  	[hbm4b:s9+s10] =	stream.indirect.scatter [tilespmem:s15], [sflag:$0x1], $0x80, s14, s10, $0xb8;
	[tilespmem:$0x10800] =	vst v63  }
0x79: {  	_ = 	snop  }
0x7a: {  	[hbm4b:s9+s10] =	stream.indirect.scatter [tilespmem:s15], [sflag:$0x1], $0x80, s16, s10, $0xb8;
	[tilespmem:$0x10800] =	vst v63  }
0x7b: {  	_ = 	snop  }
0x7c: {  	[hbm4b:s9+s10] =	stream.indirect.scatter [tilespmem:s18], [sflag:$0x1], $0x80, s17, s10, $0xb8;
	[tilespmem:$0x10800] =	vst v63  }
0x7d: {  	_ = 	snop  }
0x7e: {  	[hbm4b:s9+s10] =	stream.indirect.scatter [tilespmem:s18], [sflag:$0x1], $0x80, s20, s10, $0xb8;
	[tilespmem:$0x10800] =	vst v63  }
0x7f: {  	_ =	swait.ge [sflag:s19], $0x4000  }
0x80: {  	[sflag:s19] =	ssyncset.done $0x0  }
0x81: {  	[sflag:s19] =	ssyncadd.s32 $0xFFFFC000  }
0x82: {  	_ =	swait.ge [sflag:s19], $0x4000  }
0x83: {  	[sflag:s19] =	ssyncset.done $0x0  }
0x84: {  	[sflag:s19] =	ssyncadd.s32 $0xFFFFC000  }
0x85: {  	_ =	swait.ge [sflag:s19], $0x4000  }
0x86: {  	[sflag:s19] =	ssyncset.done $0x0  }
0x87: {  	[sflag:s19] =	ssyncadd.s32 $0xFFFFC000  }
0x88: {  	_ =	swait.ge [sflag:s19], $0x4000  }
0x89: {  	[sflag:s19] =	ssyncset.done $0x0  }
0x8a: {  	[sflag:s19] =	ssyncadd.s32 $0xFFFFC000  }
0x8b: {  	_ =	swait.ge [sflag:s19], $0x4000  }
0x8c: {  	[sflag:s19] =	ssyncset.done $0x0  }
0x8d: {  	[sflag:s19] =	ssyncadd.s32 $0xFFFFC000  }
0x8e: {  	_ =	swait.ge [sflag:s19], $0x4000  }
0x8f: {  	[sflag:s19] =	ssyncset.done $0x0  }
0x90: {  	[sflag:s19] =	ssyncadd.s32 $0xFFFFC000  }
0x91: {  	_ =	swait.ge [sflag:s19], $0x4000  }
0x92: {  	[sflag:s19] =	ssyncset.done $0x0  }
0x93: {  	[sflag:s19] =	ssyncadd.s32 $0xFFFFC000  }
0x94: {  	_ =	swait.ge [sflag:s19], $0x4000  }
0x95: {  	[sflag:s19] =	ssyncset.done $0x0  }
0x96: {  	[sflag:s19] =	ssyncadd.s32 $0xFFFFC000  }
0x97: {  	[tilespmem:s2], [sflag:$0x2] =	stream.linear.gather [hbm4b:s21+s2], $0x10000, $0x38;
	[tilespmem:$0x10800] =	vst v63  }
0x98: {  	_ =	swait.ge [sflag:s5], $0x10000  }
0x99: {  	[sflag:s5] =	ssyncset.done $0x0  }
0x9a: {  	[sflag:s5] =	ssyncadd.s32 $0xFFFF0000  }
0x9b: {  	[hbm4b:s9+s10] =	stream.indirect.scatter [tilespmem:s2], [sflag:$0x1], $0x80, s22, s10, $0xb8;
	[tilespmem:$0x10800] =	vst v63  }
0x9c: {  	_ = 	snop  }
0x9d: {  	[hbm4b:s9+s10] =	stream.indirect.scatter [tilespmem:s2], [sflag:$0x1], $0x80, s23, s10, $0xb8;
	[tilespmem:$0x10800] =	vst v63  }
0x9e: {  	_ = 	snop  }
0x9f: {  	[hbm4b:s9+s10] =	stream.indirect.scatter [tilespmem:s12], [sflag:$0x1], $0x80, s24, s10, $0xb8;
	[tilespmem:$0x10800] =	vst v63  }
0xa0: {  	_ = 	snop  }
0xa1: {  	[hbm4b:s9+s10] =	stream.indirect.scatter [tilespmem:s12], [sflag:$0x1], $0x80, s25, s10, $0xb8;
	[tilespmem:$0x10800] =	vst v63  }
0xa2: {  	_ = 	snop  }
0xa3: {  	[hbm4b:s9+s10] =	stream.indirect.scatter [tilespmem:s15], [sflag:$0x1], $0x80, s26, s10, $0xb8;
	[tilespmem:$0x10800] =	vst v63  }
0xa4: {  	_ = 	snop  }
0xa5: {  	[hbm4b:s9+s10] =	stream.indirect.scatter [tilespmem:s15], [sflag:$0x1], $0x80, s28, s10, $0xb8;
	[tilespmem:$0x10800] =	vst v63  }
0xa6: {  	_ = 	snop  }
0xa7: {  	[hbm4b:s9+s10] =	stream.indirect.scatter [tilespmem:s18], [sflag:$0x1], $0x80, s29, s10, $0xb8;
	[tilespmem:$0x10800] =	vst v63  }
0xa8: {  	_ = 	snop  }
0xa9: {  	[hbm4b:s9+s10] =	stream.indirect.scatter [tilespmem:s18], [sflag:$0x1], $0x80, s30, s10, $0xb8;
	[tilespmem:$0x10800] =	vst v63  }
0xaa: {  	_ =	swait.ge [sflag:s19], $0x4000  }
0xab: {  	[sflag:s19] =	ssyncset.done $0x0  }
0xac: {  	[sflag:s19] =	ssyncadd.s32 $0xFFFFC000  }
0xad: {  	_ =	swait.ge [sflag:s19], $0x4000  }
0xae: {  	[sflag:s19] =	ssyncset.done $0x0  }
0xaf: {  	[sflag:s19] =	ssyncadd.s32 $0xFFFFC000  }
0xb0: {  	_ =	swait.ge [sflag:s19], $0x4000  }
0xb1: {  	[sflag:s19] =	ssyncset.done $0x0  }
0xb2: {  	[sflag:s19] =	ssyncadd.s32 $0xFFFFC000  }
0xb3: {  	_ =	swait.ge [sflag:s19], $0x4000  }
0xb4: {  	[sflag:s19] =	ssyncset.done $0x0  }
0xb5: {  	[sflag:s19] =	ssyncadd.s32 $0xFFFFC000  }
0xb6: {  	_ =	swait.ge [sflag:s19], $0x4000  }
0xb7: {  	[sflag:s19] =	ssyncset.done $0x0  }
0xb8: {  	[sflag:s19] =	ssyncadd.s32 $0xFFFFC000  }
0xb9: {  	_ =	swait.ge [sflag:s19], $0x4000  }
0xba: {  	[sflag:s19] =	ssyncset.done $0x0  }
0xbb: {  	[sflag:s19] =	ssyncadd.s32 $0xFFFFC000  }
.Ltmp1:
0xbc: {  	_ =	swait.ge [sflag:s19], $0x4000;
	(pc) =	sbr.rel @p0 .LBB2_1-.Ltmp1, $4  }
0xbd: {  	[sflag:s19] =	ssyncset.done $0x0  }
0xbe: {  	[sflag:s19] =	ssyncadd.s32 $0xFFFFC000  }
0xbf: {  	_ =	swait.ge [sflag:s19], $0x4000  }
0xc0: {  	[sflag:s19] =	ssyncset.done $0x0  }
.LBB2_2:
0xc1: {  	[sflag:s19] =	ssyncadd.s32 $0xFFFFC000  }
0xc2: {  	_ =	sfence.sel $0x180000  }
0xc3: {  	[bflag:$0x0] =	sbarrier.arrive $0xFFFF  }
0xc4: {  	_ =	strace $0x90000047  }
0xc5: {  	[bflag:$0x2] =	sbarrier.arrive $0xFFFF  }
0xc6: {  	p0 =	sne.s32 s1, $0x0;
	s0 =	rddreg [dreg:$0x2]  }
0xc7: {  	s0 =	sadd.s32 @!p0 $0x100000, s0  }
0xc8: {  	[sflag:s0] =	ssyncadd.tile.s32 @!p0 $0x1;
	_ =	shalt  }
.Lfunc_end2:
_tile_overlayer_lowered:
.L_overlay_start_2:
0xc9: {  	(tag) =	ssettag $0x2  }
0xca: {  	s0 =	rddreg [dreg:$0x0];
	s2 =	stileid.u32  }
0xcb: {  	s1 =	rddreg [dreg:$0x1];
	p0 =	sne.s32 s2, $0x0  }
0xcc: {  	s3 =	rddreg [dreg:$0x2];
	[bflag:$0x3] =	sbarrier.arrive $0xFFFF;
	s2 =	simm.s32 @!p0 $0x1C02  }
0xcd: {  	[timem:s3], [sflag:s2] =	dma.local @!p0 [hbm:s0], s1  }
0xce: {  	s0 =	simm.s32 @!p0 $0x2  }
0xcf: {  	_ =	swait.ge @!p0 [sflag:s0], s1  }
0xd0: {  	s1 =	ssub.s32 @!p0 $0x0, s1;
	[sflag:s0] =	ssyncset.done @!p0 $0x0  }
0xd1: {  	[sflag:s0] =	ssyncadd.s32 @!p0 s1  }
0xd2: {  	[bflag:$0x3] =	sbarrier.arrive $0xFFFF  }
0xd3: {  	_ =	shalt  }

</sc_bundles>
